<compile_context>
chip_gen: v7x
topology: tpu7x:2x2x1
jax: 0.10.2.dev20260603
libtpu: 0.0.44.dev20260713+nightly
codegen_flags: <defaults>
</compile_context>

<pallas_src>
import functools

import jax
import jax.numpy as jnp
from jax import lax
from jax.experimental import pallas as pl
from jax.experimental.pallas import tpu as pltpu
from jax.experimental.pallas import tpu_sc as plsc

N = 10000
D = 128
E = 320000

NC = 2
NS = 16
NW = NC * NS
EPT = E // NW
K = 128
NCH = 80
EPTP = NCH * K
PAD = EPTP - EPT
NBUF = 8
LOOK = 7
LAG = NBUF - LOOK
NP = 10240
RPT = NP // NS
DW = 16

_MESH = dict(core_axis_name="c", subcore_axis_name="s", num_cores=NC,
             num_subcores=NS)


@functools.partial(
    pl.kernel,
    out_type=jax.ShapeDtypeStruct((NC, NP, DW), jnp.float32),
    mesh=plsc.VectorSubcoreMesh(**_MESH),
    compiler_params=pltpu.CompilerParams(use_tc_tiling_on_sc=False),
    scratch_types=[
        pltpu.VMEM((NCH, K), jnp.int32),
        pltpu.VMEM((K, DW), jnp.float32),
        pltpu.VMEM_SHARED((NP, DW), jnp.float32),
    ],
)
def _deg_kernel(dst_hbm, ones_hbm, zeros_hbm, out_hbm, idx_d, ones_v, acc):
    c = lax.axis_index("c")
    s = lax.axis_index("s")
    wid = c * NS + s

    pltpu.sync_copy(dst_hbm.at[wid], idx_d)
    pltpu.sync_copy(ones_hbm, ones_v)
    pltpu.sync_copy(zeros_hbm.at[pl.ds(s * RPT, RPT)],
                    acc.at[pl.ds(s * RPT, RPT)])
    plsc.subcore_barrier()

    def body(j, _):
        pltpu.sync_copy(ones_v, acc.at[idx_d.at[j]], add=True)
        return _

    lax.fori_loop(0, NCH, body, None)
    plsc.subcore_barrier()

    pltpu.sync_copy(acc.at[pl.ds(s * RPT, RPT)],
                    out_hbm.at[c, pl.ds(s * RPT, RPT)])


@functools.partial(
    pl.kernel,
    out_type=jax.ShapeDtypeStruct((NC, NP, D), jnp.bfloat16),
    mesh=plsc.VectorSubcoreMesh(**_MESH),
    compiler_params=pltpu.CompilerParams(use_tc_tiling_on_sc=False),
    scratch_types=[
        pltpu.VMEM((NCH, K), jnp.int32),
        pltpu.VMEM((NCH, K), jnp.int32),
        [pltpu.VMEM((K, D), jnp.bfloat16) for _ in range(NBUF)],
        [pltpu.SemaphoreType.DMA for _ in range(NBUF)],
        [pltpu.SemaphoreType.DMA for _ in range(NBUF)],
        pltpu.VMEM_SHARED((NP, D), jnp.bfloat16),
    ],
)
def _edge_kernel(g_hbm, src_hbm, dst_hbm, zeros_hbm, out_hbm,
                 idx_s, idx_d, rows, gsem, ssem, acc):
    c = lax.axis_index("c")
    s = lax.axis_index("s")
    wid = c * NS + s

    pltpu.sync_copy(src_hbm.at[wid], idx_s)
    pltpu.sync_copy(dst_hbm.at[wid], idx_d)
    pltpu.sync_copy(zeros_hbm.at[pl.ds(s * RPT, RPT)],
                    acc.at[pl.ds(s * RPT, RPT)])
    plsc.subcore_barrier()

    for b in range(LOOK):
        pltpu.async_copy(g_hbm.at[idx_s.at[b]], rows[b], gsem[b])

    def body(j, _):
        for bi in range(NBUF):
            ch = NBUF * j + bi
            pltpu.make_async_copy(g_hbm.at[idx_s.at[ch]],
                                  rows[bi], gsem[bi]).wait()
            pltpu.async_copy(rows[bi], acc.at[idx_d.at[ch]], ssem[bi],
                             add=True)
            bw = (bi - LAG) % NBUF

            @pl.when(ch >= LAG)
            def _():
                pltpu.make_async_copy(rows[bw], acc.at[idx_d.at[ch]],
                                      ssem[bw]).wait()

            bg = (bi + LOOK) % NBUF

            @pl.when(ch + LOOK < NCH)
            def _():
                pltpu.async_copy(g_hbm.at[idx_s.at[ch + LOOK]],
                                 rows[bg], gsem[bg])
        return _

    lax.fori_loop(0, NCH // NBUF, body, None)
    for ch in range(NCH - LAG, NCH):
        bi = ch % NBUF
        pltpu.make_async_copy(rows[bi], acc.at[idx_d.at[NCH - 1]],
                              ssem[bi]).wait()
    plsc.subcore_barrier()

    pltpu.sync_copy(acc.at[pl.ds(s * RPT, RPT)],
                    out_hbm.at[c, pl.ds(s * RPT, RPT)])


NB = 10
BR = N // NB


def _tc1_body(degp_ref, x_ref, w1_ref, dis_ref, g1_ref, gb1_ref):
    deg = degp_ref[0, :, :1] + degp_ref[1, :, :1] + 1.0
    dis = lax.rsqrt(deg)
    h1 = jnp.dot(x_ref[...], w1_ref[...],
                 preferred_element_type=jnp.float32,
                 precision=lax.Precision.HIGHEST)
    g1 = dis * h1
    dis_ref[...] = dis
    g1_ref[...] = g1
    gb1_ref[...] = g1.astype(jnp.bfloat16)


def _tc2_body(s1p_ref, g1_ref, dis_ref, b1_ref, w2_ref, g2_ref, gb2_ref):
    dis = dis_ref[...]
    sp = s1p_ref[0].astype(jnp.float32) + s1p_ref[1].astype(jnp.float32)
    t = (sp + g1_ref[...]) * dis + b1_ref[...]
    z = jnp.maximum(t, 0.0)
    h2 = jnp.dot(z, w2_ref[...],
                 preferred_element_type=jnp.float32,
                 precision=lax.Precision.HIGHEST)
    g2 = dis * h2
    g2_ref[...] = g2
    gb2_ref[...] = g2.astype(jnp.bfloat16)


def _tc3_body(s2p_ref, g2_ref, dis_ref, b2_ref, out_ref):
    sp = s2p_ref[0].astype(jnp.float32) + s2p_ref[1].astype(jnp.float32)
    out_ref[...] = (sp + g2_ref[...]) * dis_ref[...] + b2_ref[...]


_spec_degp = pl.BlockSpec((NC, BR, DW), lambda i: (0, i, 0))
_spec_sp = pl.BlockSpec((NC, BR, D), lambda i: (0, i, 0))
_spec_dis = pl.BlockSpec((BR, 1), lambda i: (i, 0))
_spec_row = pl.BlockSpec((BR, D), lambda i: (i, 0))
_spec_b = pl.BlockSpec((1, D), lambda i: (0, 0))
_spec_w = pl.BlockSpec((D, D), lambda i: (0, 0))

_tc1 = pl.pallas_call(
    _tc1_body,
    grid=(NB,),
    in_specs=[_spec_degp, _spec_row, _spec_w],
    out_specs=(_spec_dis, _spec_row, _spec_row),
    out_shape=(jax.ShapeDtypeStruct((N, 1), jnp.float32),
               jax.ShapeDtypeStruct((N, D), jnp.float32),
               jax.ShapeDtypeStruct((N, D), jnp.bfloat16)),
)

_tc2 = pl.pallas_call(
    _tc2_body,
    grid=(NB,),
    in_specs=[_spec_sp, _spec_row, _spec_dis, _spec_b, _spec_w],
    out_specs=(_spec_row, _spec_row),
    out_shape=(jax.ShapeDtypeStruct((N, D), jnp.float32),
               jax.ShapeDtypeStruct((N, D), jnp.bfloat16)),
)

_tc3 = pl.pallas_call(
    _tc3_body,
    grid=(NB,),
    in_specs=[_spec_sp, _spec_row, _spec_dis, _spec_b],
    out_specs=_spec_row,
    out_shape=jax.ShapeDtypeStruct((N, D), jnp.float32),
)


def kernel(x, edge_index, batch, W1, b1, W2, b2):
    del batch
    src = edge_index[0].reshape(NW, EPT)
    dst = edge_index[1].reshape(NW, EPT)
    pad_src = jnp.broadcast_to(jnp.arange(PAD, dtype=jnp.int32) % N,
                               (NW, PAD))
    pad_dst = jnp.broadcast_to(N + (jnp.arange(PAD, dtype=jnp.int32) % (NP - N)),
                               (NW, PAD))
    srcp = jnp.concatenate([src, pad_src], axis=1).reshape(NW, NCH, K)
    dstp = jnp.concatenate([dst, pad_dst], axis=1).reshape(NW, NCH, K)

    zeros_feat = jnp.zeros((NP, D), jnp.bfloat16)
    zeros_deg = jnp.zeros((NP, DW), jnp.float32)
    ones_chunk = jnp.ones((K, DW), jnp.float32)

    degp = _deg_kernel(dstp, ones_chunk, zeros_deg)
    dis, g1, gb1 = _tc1(degp, x, W1)
    s1 = _edge_kernel(gb1, srcp, dstp, zeros_feat)
    g2, gb2 = _tc2(s1, g1, dis, b1.reshape(1, D), W2)
    s2 = _edge_kernel(gb2, srcp, dstp, zeros_feat)
    out = _tc3(s2, g2, dis, b2.reshape(1, D))
    return out

# --- scband reference (transcript-rebuilt; emitter-appended) ---
"""Pipeline reference for scband-encoder-13589276525129 (READ-ONLY COPY).

The authoritative reference and input builder live on the scoring server;
editing this copy changes nothing except your own understanding.
"""

import jax, jax.numpy as jnp
import numpy as np

N = 10000
D_IN = 128
D_HID = 128
D_OUT = 128
E = 320000


def _gcn_conv(x, src, dst, W, b, num_nodes):
    # linear transform first (as in torch_geometric GCNConv)
    h = x @ W
    # symmetric normalization with self-loops already appended to src/dst
    ones = jnp.ones(src.shape[0], dtype=h.dtype)
    deg = jax.ops.segment_sum(ones, dst, num_segments=num_nodes)
    deg_inv_sqrt = jnp.where(deg > 0, 1.0 / jnp.sqrt(deg), 0.0)
    norm = deg_inv_sqrt[src] * deg_inv_sqrt[dst]
    msgs = h[src] * norm[:, None]
    out = jax.ops.segment_sum(msgs, dst, num_segments=num_nodes)
    return out + b


def setup_inputs(seed: int = 0) -> dict:
    key = jax.random.key(seed)
    k1, k2, k3, k4, k5, k6 = jax.random.split(key, 6)
    x = jax.random.normal(k1, (N, D_IN), dtype=jnp.float32)
    edge_index = jax.random.randint(k2, (2, E), 0, N).astype(jnp.int32)
    batch = jnp.zeros((N,), dtype=jnp.int32)
    W1 = jax.random.normal(k3, (D_IN, D_HID), dtype=jnp.float32) * (1.0 / np.sqrt(D_IN))
    b1 = jnp.zeros((D_HID,), dtype=jnp.float32)
    W2 = jax.random.normal(k4, (D_HID, D_OUT), dtype=jnp.float32) * (1.0 / np.sqrt(D_HID))
    b2 = jnp.zeros((D_OUT,), dtype=jnp.float32)
    return {"x": x, "edge_index": edge_index, "batch": batch, "W1": W1, "b1": b1, "W2": W2, "b2": b2}


def reference(x, edge_index, batch, W1, b1, W2, b2):
    # Encoder.forward(x, edge_index, batch): batch is unused; GCN(num_layers=2)
    num_nodes = x.shape[0]
    # add self-loops once, reused by both conv layers
    loop = jnp.arange(num_nodes, dtype=edge_index.dtype)
    src = jnp.concatenate([edge_index[0], loop])
    dst = jnp.concatenate([edge_index[1], loop])
    h = _gcn_conv(x, src, dst, W1, b1, num_nodes)
    h = jax.nn.relu(h)
    out = _gcn_conv(h, src, dst, W2, b2, num_nodes)
    return out

if __name__ == "__main__":
    import jax
    _d = setup_inputs()
    print(jax.jit(kernel)(*tuple(_d.values())))

</pallas_src>

<mosaic_0001>
#map = affine_map<(d0, d1) -> (0, 0, 0)>
#map1 = affine_map<(d0, d1) -> (0, 0)>
module attributes {stable_mosaic.version = 14 : i64} {
  func.func @_deg_kernel(%arg0: i32, %arg1: i32, %arg2: memref<32x80x128xi32, #tpu.memory_space<hbm>>, %arg3: memref<128x16xf32, #tpu.memory_space<hbm>>, %arg4: memref<10240x16xf32, #tpu.memory_space<hbm>>, %arg5: memref<2x10240x16xf32, #tpu.memory_space<hbm>>, %arg6: memref<80x128xi32, #tpu.memory_space<vmem>>, %arg7: memref<128x16xf32, #tpu.memory_space<vmem>>, %arg8: memref<10240x16xf32, #tpu.memory_space<vmem_shared>>) attributes {dimension_semantics = [#tpu.dimension_semantics<core_parallel>, #tpu.dimension_semantics<subcore_parallel>], iteration_bounds = array<i64: 2, 16>, scalar_prefetch = 0 : i64, scratch_operands = 3 : i64, tpu.core_type = #tpu.core_type<sc_vector_subcore>, window_params = [{transform_indices = #map}, {transform_indices = #map1}, {transform_indices = #map1}, {transform_indices = #map}]} {
    %mul3A = arith.constant 16 : i32
    %mul3A_0 = arith.muli %arg0, %mul3A : i32
    %add3A = arith.addi %mul3A_0, %arg1 : i32
    "tpu.region"() ({
      %run_scoped3A = tpu.sem_alloc : memref<!tpu.dma_semaphore, #tpu.memory_space<semaphore_mem>>
      %dma_start3A = arith.constant 0 : i32
      %dma_start3A_14 = arith.constant 0 : i32
      %dma_start3A_15 = tpu.memref_slice %arg2[%add3A, %dma_start3A, %dma_start3A_14] : memref<32x80x128xi32, #tpu.memory_space<hbm>> -> memref<1x80x128xi32, #tpu.memory_space<hbm>>
      %dma_start3A_16 = tpu.memref_squeeze %dma_start3A_15 : memref<1x80x128xi32, #tpu.memory_space<hbm>> -> memref<80x128xi32, #tpu.memory_space<hbm>>
      %dma_start3A_17 = arith.constant 0 : i32
      %dma_start3A_18 = arith.constant 0 : i32
      %dma_start3A_19 = tpu.memref_slice %arg2[%add3A, %dma_start3A_17, %dma_start3A_18] : memref<32x80x128xi32, #tpu.memory_space<hbm>> -> memref<1x80x128xi32, #tpu.memory_space<hbm>>
      %dma_start3A_20 = tpu.memref_squeeze %dma_start3A_19 : memref<1x80x128xi32, #tpu.memory_space<hbm>> -> memref<80x128xi32, #tpu.memory_space<hbm>>
      tpu.enqueue_dma source(%dma_start3A_20 : memref<80x128xi32, #tpu.memory_space<hbm>>) target(%arg6 : memref<80x128xi32, #tpu.memory_space<vmem>>) target_semaphore(%run_scoped3A : memref<!tpu.dma_semaphore, #tpu.memory_space<semaphore_mem>>)
      %dma_wait3A = arith.constant 0 : i32
      %dma_wait3A_21 = arith.constant 0 : i32
      %dma_wait3A_22 = tpu.memref_slice %arg2[%add3A, %dma_wait3A, %dma_wait3A_21] : memref<32x80x128xi32, #tpu.memory_space<hbm>> -> memref<1x80x128xi32, #tpu.memory_space<hbm>>
      %dma_wait3A_23 = tpu.memref_squeeze %dma_wait3A_22 : memref<1x80x128xi32, #tpu.memory_space<hbm>> -> memref<80x128xi32, #tpu.memory_space<hbm>>
      %dma_wait3A_24 = arith.constant 0 : i32
      %dma_wait3A_25 = arith.constant 0 : i32
      %dma_wait3A_26 = tpu.memref_slice %arg2[%add3A, %dma_wait3A_24, %dma_wait3A_25] : memref<32x80x128xi32, #tpu.memory_space<hbm>> -> memref<1x80x128xi32, #tpu.memory_space<hbm>>
      %dma_wait3A_27 = tpu.memref_squeeze %dma_wait3A_26 : memref<1x80x128xi32, #tpu.memory_space<hbm>> -> memref<80x128xi32, #tpu.memory_space<hbm>>
      tpu.wait_dma2 semaphore(%run_scoped3A : memref<!tpu.dma_semaphore, #tpu.memory_space<semaphore_mem>>) src(%dma_wait3A_27 : memref<80x128xi32, #tpu.memory_space<hbm>>) dst(%arg6 : memref<80x128xi32, #tpu.memory_space<vmem>>)
      tpu.yield
    }) : () -> ()
    "tpu.region"() ({
      %run_scoped3A = tpu.sem_alloc : memref<!tpu.dma_semaphore, #tpu.memory_space<semaphore_mem>>
      tpu.enqueue_dma source(%arg3 : memref<128x16xf32, #tpu.memory_space<hbm>>) target(%arg7 : memref<128x16xf32, #tpu.memory_space<vmem>>) target_semaphore(%run_scoped3A : memref<!tpu.dma_semaphore, #tpu.memory_space<semaphore_mem>>)
      tpu.wait_dma2 semaphore(%run_scoped3A : memref<!tpu.dma_semaphore, #tpu.memory_space<semaphore_mem>>) src(%arg3 : memref<128x16xf32, #tpu.memory_space<hbm>>) dst(%arg7 : memref<128x16xf32, #tpu.memory_space<vmem>>)
      tpu.yield
    }) : () -> ()
    %mul3A_1 = arith.constant 640 : i32
    %mul3A_2 = arith.muli %arg1, %mul3A_1 : i32
    %mul3A_3 = arith.constant 640 : i32
    %mul3A_4 = arith.muli %arg1, %mul3A_3 : i32
    "tpu.region"() ({
      %run_scoped3A = tpu.sem_alloc : memref<!tpu.dma_semaphore, #tpu.memory_space<semaphore_mem>>
      %dma_start3A = arith.constant 0 : i32
      %dma_start3A_14 = tpu.memref_slice %arg8[%mul3A_4, %dma_start3A] : memref<10240x16xf32, #tpu.memory_space<vmem_shared>> -> memref<640x16xf32, #tpu.memory_space<vmem_shared>>
      %dma_start3A_15 = arith.constant 0 : i32
      %dma_start3A_16 = tpu.memref_slice %arg4[%mul3A_2, %dma_start3A_15] : memref<10240x16xf32, #tpu.memory_space<hbm>> -> memref<640x16xf32, #tpu.memory_space<hbm>>
      tpu.enqueue_dma source(%dma_start3A_16 : memref<640x16xf32, #tpu.memory_space<hbm>>) target(%dma_start3A_14 : memref<640x16xf32, #tpu.memory_space<vmem_shared>>) target_semaphore(%run_scoped3A : memref<!tpu.dma_semaphore, #tpu.memory_space<semaphore_mem>>)
      %dma_wait3A = arith.constant 0 : i32
      %dma_wait3A_17 = tpu.memref_slice %arg8[%mul3A_4, %dma_wait3A] : memref<10240x16xf32, #tpu.memory_space<vmem_shared>> -> memref<640x16xf32, #tpu.memory_space<vmem_shared>>
      %dma_wait3A_18 = arith.constant 0 : i32
      %dma_wait3A_19 = tpu.memref_slice %arg4[%mul3A_2, %dma_wait3A_18] : memref<10240x16xf32, #tpu.memory_space<hbm>> -> memref<640x16xf32, #tpu.memory_space<hbm>>
      tpu.wait_dma2 semaphore(%run_scoped3A : memref<!tpu.dma_semaphore, #tpu.memory_space<semaphore_mem>>) src(%dma_wait3A_19 : memref<640x16xf32, #tpu.memory_space<hbm>>) dst(%dma_wait3A_17 : memref<640x16xf32, #tpu.memory_space<vmem_shared>>)
      tpu.yield
    }) : () -> ()
    %barrier3A = arith.constant 0 : index
    tpu.barrier barrier_id(%barrier3A)
    %scan3A = arith.constant 0 : i32
    %scan3A_5 = arith.constant 80 : i32
    %scan3A_6 = arith.addi %scan3A, %scan3A_5 : i32
    %scan3A_7 = arith.constant 1 : i32
    scf.for %scan3A_14 = %scan3A to %scan3A_6 step %scan3A_7  : i32 {
      "tpu.region"() ({
        %run_scoped3A = tpu.sem_alloc : memref<!tpu.dma_semaphore, #tpu.memory_space<semaphore_mem>>
        %dma_start3A = arith.constant 0 : i32
        %dma_start3A_15 = tpu.memref_slice %arg6[%scan3A_14, %dma_start3A] : memref<80x128xi32, #tpu.memory_space<vmem>> -> memref<1x128xi32, #tpu.memory_space<vmem>>
        %dma_start3A_16 = tpu.memref_squeeze %dma_start3A_15 : memref<1x128xi32, #tpu.memory_space<vmem>> -> memref<128xi32, #tpu.memory_space<vmem>>
        %dma_start3A_17 = arith.constant 0 : i32
        %dma_start3A_18 = arith.constant 0 : i32
        %dma_start3A_19 = tpu.memref_slice %arg8[%dma_start3A_17, %dma_start3A_18] : memref<10240x16xf32, #tpu.memory_space<vmem_shared>> -> memref<10240x16xf32, #tpu.memory_space<vmem_shared>>
        tpu.enqueue_indirect_dma source(%arg7 : memref<128x16xf32, #tpu.memory_space<vmem>>) target(%dma_start3A_19 : memref<10240x16xf32, #tpu.memory_space<vmem_shared>>) offsets(%dma_start3A_16 : memref<128xi32, #tpu.memory_space<vmem>>) semaphore(%run_scoped3A : memref<!tpu.dma_semaphore, #tpu.memory_space<semaphore_mem>>) {add = true}
        %dma_wait3A = arith.constant 0 : i32
        %dma_wait3A_20 = tpu.memref_slice %arg6[%scan3A_14, %dma_wait3A] : memref<80x128xi32, #tpu.memory_space<vmem>> -> memref<1x128xi32, #tpu.memory_space<vmem>>
        %dma_wait3A_21 = tpu.memref_squeeze %dma_wait3A_20 : memref<1x128xi32, #tpu.memory_space<vmem>> -> memref<128xi32, #tpu.memory_space<vmem>>
        %dma_wait3A_22 = arith.constant 0 : i32
        %dma_wait3A_23 = arith.constant 0 : i32
        %dma_wait3A_24 = tpu.memref_slice %arg8[%dma_wait3A_22, %dma_wait3A_23] : memref<10240x16xf32, #tpu.memory_space<vmem_shared>> -> memref<10240x16xf32, #tpu.memory_space<vmem_shared>>
        tpu.wait_indirect_dma semaphore(%run_scoped3A : memref<!tpu.dma_semaphore, #tpu.memory_space<semaphore_mem>>) src(%arg7 : memref<128x16xf32, #tpu.memory_space<vmem>>) dst(%dma_wait3A_24 : memref<10240x16xf32, #tpu.memory_space<vmem_shared>>)
        tpu.yield
      }) : () -> ()
    }
    %scan3A_8 = arith.constant 80 : i32
    %barrier3A_9 = arith.constant 0 : index
    tpu.barrier barrier_id(%barrier3A_9)
    %mul3A_10 = arith.constant 640 : i32
    %mul3A_11 = arith.muli %arg1, %mul3A_10 : i32
    %mul3A_12 = arith.constant 640 : i32
    %mul3A_13 = arith.muli %arg1, %mul3A_12 : i32
    "tpu.region"() ({
      %run_scoped3A = tpu.sem_alloc : memref<!tpu.dma_semaphore, #tpu.memory_space<semaphore_mem>>
      %dma_start3A = arith.constant 0 : i32
      %dma_start3A_14 = tpu.memref_slice %arg5[%arg0, %mul3A_13, %dma_start3A] : memref<2x10240x16xf32, #tpu.memory_space<hbm>> -> memref<1x640x16xf32, #tpu.memory_space<hbm>>
      %dma_start3A_15 = tpu.memref_squeeze %dma_start3A_14 : memref<1x640x16xf32, #tpu.memory_space<hbm>> -> memref<640x16xf32, #tpu.memory_space<hbm>>
      %dma_start3A_16 = arith.constant 0 : i32
      %dma_start3A_17 = tpu.memref_slice %arg8[%mul3A_11, %dma_start3A_16] : memref<10240x16xf32, #tpu.memory_space<vmem_shared>> -> memref<640x16xf32, #tpu.memory_space<vmem_shared>>
      tpu.enqueue_dma source(%dma_start3A_17 : memref<640x16xf32, #tpu.memory_space<vmem_shared>>) target(%dma_start3A_15 : memref<640x16xf32, #tpu.memory_space<hbm>>) target_semaphore(%run_scoped3A : memref<!tpu.dma_semaphore, #tpu.memory_space<semaphore_mem>>)
      %dma_wait3A = arith.constant 0 : i32
      %dma_wait3A_18 = tpu.memref_slice %arg5[%arg0, %mul3A_13, %dma_wait3A] : memref<2x10240x16xf32, #tpu.memory_space<hbm>> -> memref<1x640x16xf32, #tpu.memory_space<hbm>>
      %dma_wait3A_19 = tpu.memref_squeeze %dma_wait3A_18 : memref<1x640x16xf32, #tpu.memory_space<hbm>> -> memref<640x16xf32, #tpu.memory_space<hbm>>
      %dma_wait3A_20 = arith.constant 0 : i32
      %dma_wait3A_21 = tpu.memref_slice %arg8[%mul3A_11, %dma_wait3A_20] : memref<10240x16xf32, #tpu.memory_space<vmem_shared>> -> memref<640x16xf32, #tpu.memory_space<vmem_shared>>
      tpu.wait_dma2 semaphore(%run_scoped3A : memref<!tpu.dma_semaphore, #tpu.memory_space<semaphore_mem>>) src(%dma_wait3A_21 : memref<640x16xf32, #tpu.memory_space<vmem_shared>>) dst(%dma_wait3A_19 : memref<640x16xf32, #tpu.memory_space<hbm>>)
      tpu.yield
    }) : () -> ()
    return
  }
}

#map = affine_map<(d0, d1) -> (0, 0)>
#map1 = affine_map<(d0, d1) -> (0, 0, 0)>
module attributes {stable_mosaic.version = 14 : i64} {
  func.func @_edge_kernel(%arg0: i32, %arg1: i32, %arg2: memref<10000x128xbf16, #tpu.memory_space<hbm>>, %arg3: memref<32x80x128xi32, #tpu.memory_space<hbm>>, %arg4: memref<32x80x128xi32, #tpu.memory_space<hbm>>, %arg5: memref<10240x128xbf16, #tpu.memory_space<hbm>>, %arg6: memref<2x10240x128xbf16, #tpu.memory_space<hbm>>, %arg7: memref<80x128xi32, #tpu.memory_space<vmem>>, %arg8: memref<80x128xi32, #tpu.memory_space<vmem>>, %arg9: memref<128x128xbf16, #tpu.memory_space<vmem>>, %arg10: memref<128x128xbf16, #tpu.memory_space<vmem>>, %arg11: memref<128x128xbf16, #tpu.memory_space<vmem>>, %arg12: memref<128x128xbf16, #tpu.memory_space<vmem>>, %arg13: memref<128x128xbf16, #tpu.memory_space<vmem>>, %arg14: memref<128x128xbf16, #tpu.memory_space<vmem>>, %arg15: memref<128x128xbf16, #tpu.memory_space<vmem>>, %arg16: memref<128x128xbf16, #tpu.memory_space<vmem>>, %arg17: memref<!tpu.dma_semaphore, #tpu.memory_space<semaphore_mem>>, %arg18: memref<!tpu.dma_semaphore, #tpu.memory_space<semaphore_mem>>, %arg19: memref<!tpu.dma_semaphore, #tpu.memory_space<semaphore_mem>>, %arg20: memref<!tpu.dma_semaphore, #tpu.memory_space<semaphore_mem>>, %arg21: memref<!tpu.dma_semaphore, #tpu.memory_space<semaphore_mem>>, %arg22: memref<!tpu.dma_semaphore, #tpu.memory_space<semaphore_mem>>, %arg23: memref<!tpu.dma_semaphore, #tpu.memory_space<semaphore_mem>>, %arg24: memref<!tpu.dma_semaphore, #tpu.memory_space<semaphore_mem>>, %arg25: memref<!tpu.dma_semaphore, #tpu.memory_space<semaphore_mem>>, %arg26: memref<!tpu.dma_semaphore, #tpu.memory_space<semaphore_mem>>, %arg27: memref<!tpu.dma_semaphore, #tpu.memory_space<semaphore_mem>>, %arg28: memref<!tpu.dma_semaphore, #tpu.memory_space<semaphore_mem>>, %arg29: memref<!tpu.dma_semaphore, #tpu.memory_space<semaphore_mem>>, %arg30: memref<!tpu.dma_semaphore, #tpu.memory_space<semaphore_mem>>, %arg31: memref<!tpu.dma_semaphore, #tpu.memory_space<semaphore_mem>>, %arg32: memref<!tpu.dma_semaphore, #tpu.memory_space<semaphore_mem>>, %arg33: memref<10240x128xbf16, #tpu.memory_space<vmem_shared>>) attributes {dimension_semantics = [#tpu.dimension_semantics<core_parallel>, #tpu.dimension_semantics<subcore_parallel>], iteration_bounds = array<i64: 2, 16>, scalar_prefetch = 0 : i64, scratch_operands = 27 : i64, tpu.core_type = #tpu.core_type<sc_vector_subcore>, window_params = [{transform_indices = #map}, {transform_indices = #map1}, {transform_indices = #map1}, {transform_indices = #map}, {transform_indices = #map1}]} {
    %mul3A = arith.constant 16 : i32
    %mul3A_0 = arith.muli %arg0, %mul3A : i32
    %add3A = arith.addi %mul3A_0, %arg1 : i32
    "tpu.region"() ({
      %run_scoped3A = tpu.sem_alloc : memref<!tpu.dma_semaphore, #tpu.memory_space<semaphore_mem>>
      %dma_start3A_68 = arith.constant 0 : i32
      %dma_start3A_69 = arith.constant 0 : i32
      %dma_start3A_70 = tpu.memref_slice %arg3[%add3A, %dma_start3A_68, %dma_start3A_69] : memref<32x80x128xi32, #tpu.memory_space<hbm>> -> memref<1x80x128xi32, #tpu.memory_space<hbm>>
      %dma_start3A_71 = tpu.memref_squeeze %dma_start3A_70 : memref<1x80x128xi32, #tpu.memory_space<hbm>> -> memref<80x128xi32, #tpu.memory_space<hbm>>
      %dma_start3A_72 = arith.constant 0 : i32
      %dma_start3A_73 = arith.constant 0 : i32
      %dma_start3A_74 = tpu.memref_slice %arg3[%add3A, %dma_start3A_72, %dma_start3A_73] : memref<32x80x128xi32, #tpu.memory_space<hbm>> -> memref<1x80x128xi32, #tpu.memory_space<hbm>>
      %dma_start3A_75 = tpu.memref_squeeze %dma_start3A_74 : memref<1x80x128xi32, #tpu.memory_space<hbm>> -> memref<80x128xi32, #tpu.memory_space<hbm>>
      tpu.enqueue_dma source(%dma_start3A_75 : memref<80x128xi32, #tpu.memory_space<hbm>>) target(%arg7 : memref<80x128xi32, #tpu.memory_space<vmem>>) target_semaphore(%run_scoped3A : memref<!tpu.dma_semaphore, #tpu.memory_space<semaphore_mem>>)
      %dma_wait3A_76 = arith.constant 0 : i32
      %dma_wait3A_77 = arith.constant 0 : i32
      %dma_wait3A_78 = tpu.memref_slice %arg3[%add3A, %dma_wait3A_76, %dma_wait3A_77] : memref<32x80x128xi32, #tpu.memory_space<hbm>> -> memref<1x80x128xi32, #tpu.memory_space<hbm>>
      %dma_wait3A_79 = tpu.memref_squeeze %dma_wait3A_78 : memref<1x80x128xi32, #tpu.memory_space<hbm>> -> memref<80x128xi32, #tpu.memory_space<hbm>>
      %dma_wait3A_80 = arith.constant 0 : i32
      %dma_wait3A_81 = arith.constant 0 : i32
      %dma_wait3A_82 = tpu.memref_slice %arg3[%add3A, %dma_wait3A_80, %dma_wait3A_81] : memref<32x80x128xi32, #tpu.memory_space<hbm>> -> memref<1x80x128xi32, #tpu.memory_space<hbm>>
      %dma_wait3A_83 = tpu.memref_squeeze %dma_wait3A_82 : memref<1x80x128xi32, #tpu.memory_space<hbm>> -> memref<80x128xi32, #tpu.memory_space<hbm>>
      tpu.wait_dma2 semaphore(%run_scoped3A : memref<!tpu.dma_semaphore, #tpu.memory_space<semaphore_mem>>) src(%dma_wait3A_83 : memref<80x128xi32, #tpu.memory_space<hbm>>) dst(%arg7 : memref<80x128xi32, #tpu.memory_space<vmem>>)
      tpu.yield
    }) : () -> ()
    "tpu.region"() ({
      %run_scoped3A = tpu.sem_alloc : memref<!tpu.dma_semaphore, #tpu.memory_space<semaphore_mem>>
      %dma_start3A_68 = arith.constant 0 : i32
      %dma_start3A_69 = arith.constant 0 : i32
      %dma_start3A_70 = tpu.memref_slice %arg4[%add3A, %dma_start3A_68, %dma_start3A_69] : memref<32x80x128xi32, #tpu.memory_space<hbm>> -> memref<1x80x128xi32, #tpu.memory_space<hbm>>
      %dma_start3A_71 = tpu.memref_squeeze %dma_start3A_70 : memref<1x80x128xi32, #tpu.memory_space<hbm>> -> memref<80x128xi32, #tpu.memory_space<hbm>>
      %dma_start3A_72 = arith.constant 0 : i32
      %dma_start3A_73 = arith.constant 0 : i32
      %dma_start3A_74 = tpu.memref_slice %arg4[%add3A, %dma_start3A_72, %dma_start3A_73] : memref<32x80x128xi32, #tpu.memory_space<hbm>> -> memref<1x80x128xi32, #tpu.memory_space<hbm>>
      %dma_start3A_75 = tpu.memref_squeeze %dma_start3A_74 : memref<1x80x128xi32, #tpu.memory_space<hbm>> -> memref<80x128xi32, #tpu.memory_space<hbm>>
      tpu.enqueue_dma source(%dma_start3A_75 : memref<80x128xi32, #tpu.memory_space<hbm>>) target(%arg8 : memref<80x128xi32, #tpu.memory_space<vmem>>) target_semaphore(%run_scoped3A : memref<!tpu.dma_semaphore, #tpu.memory_space<semaphore_mem>>)
      %dma_wait3A_76 = arith.constant 0 : i32
      %dma_wait3A_77 = arith.constant 0 : i32
      %dma_wait3A_78 = tpu.memref_slice %arg4[%add3A, %dma_wait3A_76, %dma_wait3A_77] : memref<32x80x128xi32, #tpu.memory_space<hbm>> -> memref<1x80x128xi32, #tpu.memory_space<hbm>>
      %dma_wait3A_79 = tpu.memref_squeeze %dma_wait3A_78 : memref<1x80x128xi32, #tpu.memory_space<hbm>> -> memref<80x128xi32, #tpu.memory_space<hbm>>
      %dma_wait3A_80 = arith.constant 0 : i32
      %dma_wait3A_81 = arith.constant 0 : i32
      %dma_wait3A_82 = tpu.memref_slice %arg4[%add3A, %dma_wait3A_80, %dma_wait3A_81] : memref<32x80x128xi32, #tpu.memory_space<hbm>> -> memref<1x80x128xi32, #tpu.memory_space<hbm>>
      %dma_wait3A_83 = tpu.memref_squeeze %dma_wait3A_82 : memref<1x80x128xi32, #tpu.memory_space<hbm>> -> memref<80x128xi32, #tpu.memory_space<hbm>>
      tpu.wait_dma2 semaphore(%run_scoped3A : memref<!tpu.dma_semaphore, #tpu.memory_space<semaphore_mem>>) src(%dma_wait3A_83 : memref<80x128xi32, #tpu.memory_space<hbm>>) dst(%arg8 : memref<80x128xi32, #tpu.memory_space<vmem>>)
      tpu.yield
    }) : () -> ()
    %mul3A_1 = arith.constant 640 : i32
    %mul3A_2 = arith.muli %arg1, %mul3A_1 : i32
    %mul3A_3 = arith.constant 640 : i32
    %mul3A_4 = arith.muli %arg1, %mul3A_3 : i32
    "tpu.region"() ({
      %run_scoped3A = tpu.sem_alloc : memref<!tpu.dma_semaphore, #tpu.memory_space<semaphore_mem>>
      %dma_start3A_68 = arith.constant 0 : i32
      %dma_start3A_69 = tpu.memref_slice %arg33[%mul3A_4, %dma_start3A_68] : memref<10240x128xbf16, #tpu.memory_space<vmem_shared>> -> memref<640x128xbf16, #tpu.memory_space<vmem_shared>>
      %dma_start3A_70 = arith.constant 0 : i32
      %dma_start3A_71 = tpu.memref_slice %arg5[%mul3A_2, %dma_start3A_70] : memref<10240x128xbf16, #tpu.memory_space<hbm>> -> memref<640x128xbf16, #tpu.memory_space<hbm>>
      tpu.enqueue_dma source(%dma_start3A_71 : memref<640x128xbf16, #tpu.memory_space<hbm>>) target(%dma_start3A_69 : memref<640x128xbf16, #tpu.memory_space<vmem_shared>>) target_semaphore(%run_scoped3A : memref<!tpu.dma_semaphore, #tpu.memory_space<semaphore_mem>>)
      %dma_wait3A_72 = arith.constant 0 : i32
      %dma_wait3A_73 = tpu.memref_slice %arg33[%mul3A_4, %dma_wait3A_72] : memref<10240x128xbf16, #tpu.memory_space<vmem_shared>> -> memref<640x128xbf16, #tpu.memory_space<vmem_shared>>
      %dma_wait3A_74 = arith.constant 0 : i32
      %dma_wait3A_75 = tpu.memref_slice %arg5[%mul3A_2, %dma_wait3A_74] : memref<10240x128xbf16, #tpu.memory_space<hbm>> -> memref<640x128xbf16, #tpu.memory_space<hbm>>
      tpu.wait_dma2 semaphore(%run_scoped3A : memref<!tpu.dma_semaphore, #tpu.memory_space<semaphore_mem>>) src(%dma_wait3A_75 : memref<640x128xbf16, #tpu.memory_space<hbm>>) dst(%dma_wait3A_73 : memref<640x128xbf16, #tpu.memory_space<vmem_shared>>)
      tpu.yield
    }) : () -> ()
    %barrier3A = arith.constant 0 : index
    tpu.barrier barrier_id(%barrier3A)
    %dma_start3A = arith.constant 0 : i32
    %dma_start3A_5 = arith.constant 0 : i32
    %dma_start3A_6 = tpu.memref_slice %arg7[%dma_start3A, %dma_start3A_5] : memref<80x128xi32, #tpu.memory_space<vmem>> -> memref<1x128xi32, #tpu.memory_space<vmem>>
    %dma_start3A_7 = tpu.memref_squeeze %dma_start3A_6 : memref<1x128xi32, #tpu.memory_space<vmem>> -> memref<128xi32, #tpu.memory_space<vmem>>
    %dma_start3A_8 = arith.constant 0 : i32
    %dma_start3A_9 = arith.constant 0 : i32
    %dma_start3A_10 = tpu.memref_slice %arg2[%dma_start3A_8, %dma_start3A_9] : memref<10000x128xbf16, #tpu.memory_space<hbm>> -> memref<10000x128xbf16, #tpu.memory_space<hbm>>
    tpu.enqueue_indirect_dma source(%dma_start3A_10 : memref<10000x128xbf16, #tpu.memory_space<hbm>>) target(%arg9 : memref<128x128xbf16, #tpu.memory_space<vmem>>) offsets(%dma_start3A_7 : memref<128xi32, #tpu.memory_space<vmem>>) semaphore(%arg17 : memref<!tpu.dma_semaphore, #tpu.memory_space<semaphore_mem>>)
    %dma_start3A_11 = arith.constant 1 : i32
    %dma_start3A_12 = arith.constant 0 : i32
    %dma_start3A_13 = tpu.memref_slice %arg7[%dma_start3A_11, %dma_start3A_12] : memref<80x128xi32, #tpu.memory_space<vmem>> -> memref<1x128xi32, #tpu.memory_space<vmem>>
    %dma_start3A_14 = tpu.memref_squeeze %dma_start3A_13 : memref<1x128xi32, #tpu.memory_space<vmem>> -> memref<128xi32, #tpu.memory_space<vmem>>
    %dma_start3A_15 = arith.constant 0 : i32
    %dma_start3A_16 = arith.constant 0 : i32
    %dma_start3A_17 = tpu.memref_slice %arg2[%dma_start3A_15, %dma_start3A_16] : memref<10000x128xbf16, #tpu.memory_space<hbm>> -> memref<10000x128xbf16, #tpu.memory_space<hbm>>
    tpu.enqueue_indirect_dma source(%dma_start3A_17 : memref<10000x128xbf16, #tpu.memory_space<hbm>>) target(%arg10 : memref<128x128xbf16, #tpu.memory_space<vmem>>) offsets(%dma_start3A_14 : memref<128xi32, #tpu.memory_space<vmem>>) semaphore(%arg18 : memref<!tpu.dma_semaphore, #tpu.memory_space<semaphore_mem>>)
    %dma_start3A_18 = arith.constant 2 : i32
    %dma_start3A_19 = arith.constant 0 : i32
    %dma_start3A_20 = tpu.memref_slice %arg7[%dma_start3A_18, %dma_start3A_19] : memref<80x128xi32, #tpu.memory_space<vmem>> -> memref<1x128xi32, #tpu.memory_space<vmem>>
    %dma_start3A_21 = tpu.memref_squeeze %dma_start3A_20 : memref<1x128xi32, #tpu.memory_space<vmem>> -> memref<128xi32, #tpu.memory_space<vmem>>
    %dma_start3A_22 = arith.constant 0 : i32
    %dma_start3A_23 = arith.constant 0 : i32
    %dma_start3A_24 = tpu.memref_slice %arg2[%dma_start3A_22, %dma_start3A_23] : memref<10000x128xbf16, #tpu.memory_space<hbm>> -> memref<10000x128xbf16, #tpu.memory_space<hbm>>
    tpu.enqueue_indirect_dma source(%dma_start3A_24 : memref<10000x128xbf16, #tpu.memory_space<hbm>>) target(%arg11 : memref<128x128xbf16, #tpu.memory_space<vmem>>) offsets(%dma_start3A_21 : memref<128xi32, #tpu.memory_space<vmem>>) semaphore(%arg19 : memref<!tpu.dma_semaphore, #tpu.memory_space<semaphore_mem>>)
    %dma_start3A_25 = arith.constant 3 : i32
    %dma_start3A_26 = arith.constant 0 : i32
    %dma_start3A_27 = tpu.memref_slice %arg7[%dma_start3A_25, %dma_start3A_26] : memref<80x128xi32, #tpu.memory_space<vmem>> -> memref<1x128xi32, #tpu.memory_space<vmem>>
    %dma_start3A_28 = tpu.memref_squeeze %dma_start3A_27 : memref<1x128xi32, #tpu.memory_space<vmem>> -> memref<128xi32, #tpu.memory_space<vmem>>
    %dma_start3A_29 = arith.constant 0 : i32
    %dma_start3A_30 = arith.constant 0 : i32
    %dma_start3A_31 = tpu.memref_slice %arg2[%dma_start3A_29, %dma_start3A_30] : memref<10000x128xbf16, #tpu.memory_space<hbm>> -> memref<10000x128xbf16, #tpu.memory_space<hbm>>
    tpu.enqueue_indirect_dma source(%dma_start3A_31 : memref<10000x128xbf16, #tpu.memory_space<hbm>>) target(%arg12 : memref<128x128xbf16, #tpu.memory_space<vmem>>) offsets(%dma_start3A_28 : memref<128xi32, #tpu.memory_space<vmem>>) semaphore(%arg20 : memref<!tpu.dma_semaphore, #tpu.memory_space<semaphore_mem>>)
    %dma_start3A_32 = arith.constant 4 : i32
    %dma_start3A_33 = arith.constant 0 : i32
    %dma_start3A_34 = tpu.memref_slice %arg7[%dma_start3A_32, %dma_start3A_33] : memref<80x128xi32, #tpu.memory_space<vmem>> -> memref<1x128xi32, #tpu.memory_space<vmem>>
    %dma_start3A_35 = tpu.memref_squeeze %dma_start3A_34 : memref<1x128xi32, #tpu.memory_space<vmem>> -> memref<128xi32, #tpu.memory_space<vmem>>
    %dma_start3A_36 = arith.constant 0 : i32
    %dma_start3A_37 = arith.constant 0 : i32
    %dma_start3A_38 = tpu.memref_slice %arg2[%dma_start3A_36, %dma_start3A_37] : memref<10000x128xbf16, #tpu.memory_space<hbm>> -> memref<10000x128xbf16, #tpu.memory_space<hbm>>
    tpu.enqueue_indirect_dma source(%dma_start3A_38 : memref<10000x128xbf16, #tpu.memory_space<hbm>>) target(%arg13 : memref<128x128xbf16, #tpu.memory_space<vmem>>) offsets(%dma_start3A_35 : memref<128xi32, #tpu.memory_space<vmem>>) semaphore(%arg21 : memref<!tpu.dma_semaphore, #tpu.memory_space<semaphore_mem>>)
    %dma_start3A_39 = arith.constant 5 : i32
    %dma_start3A_40 = arith.constant 0 : i32
    %dma_start3A_41 = tpu.memref_slice %arg7[%dma_start3A_39, %dma_start3A_40] : memref<80x128xi32, #tpu.memory_space<vmem>> -> memref<1x128xi32, #tpu.memory_space<vmem>>
    %dma_start3A_42 = tpu.memref_squeeze %dma_start3A_41 : memref<1x128xi32, #tpu.memory_space<vmem>> -> memref<128xi32, #tpu.memory_space<vmem>>
    %dma_start3A_43 = arith.constant 0 : i32
    %dma_start3A_44 = arith.constant 0 : i32
    %dma_start3A_45 = tpu.memref_slice %arg2[%dma_start3A_43, %dma_start3A_44] : memref<10000x128xbf16, #tpu.memory_space<hbm>> -> memref<10000x128xbf16, #tpu.memory_space<hbm>>
    tpu.enqueue_indirect_dma source(%dma_start3A_45 : memref<10000x128xbf16, #tpu.memory_space<hbm>>) target(%arg14 : memref<128x128xbf16, #tpu.memory_space<vmem>>) offsets(%dma_start3A_42 : memref<128xi32, #tpu.memory_space<vmem>>) semaphore(%arg22 : memref<!tpu.dma_semaphore, #tpu.memory_space<semaphore_mem>>)
    %dma_start3A_46 = arith.constant 6 : i32
    %dma_start3A_47 = arith.constant 0 : i32
    %dma_start3A_48 = tpu.memref_slice %arg7[%dma_start3A_46, %dma_start3A_47] : memref<80x128xi32, #tpu.memory_space<vmem>> -> memref<1x128xi32, #tpu.memory_space<vmem>>
    %dma_start3A_49 = tpu.memref_squeeze %dma_start3A_48 : memref<1x128xi32, #tpu.memory_space<vmem>> -> memref<128xi32, #tpu.memory_space<vmem>>
    %dma_start3A_50 = arith.constant 0 : i32
    %dma_start3A_51 = arith.constant 0 : i32
    %dma_start3A_52 = tpu.memref_slice %arg2[%dma_start3A_50, %dma_start3A_51] : memref<10000x128xbf16, #tpu.memory_space<hbm>> -> memref<10000x128xbf16, #tpu.memory_space<hbm>>
    tpu.enqueue_indirect_dma source(%dma_start3A_52 : memref<10000x128xbf16, #tpu.memory_space<hbm>>) target(%arg15 : memref<128x128xbf16, #tpu.memory_space<vmem>>) offsets(%dma_start3A_49 : memref<128xi32, #tpu.memory_space<vmem>>) semaphore(%arg23 : memref<!tpu.dma_semaphore, #tpu.memory_space<semaphore_mem>>)
    %scan3A = arith.constant 0 : i32
    %scan3A_53 = arith.constant 10 : i32
    %scan3A_54 = arith.addi %scan3A, %scan3A_53 : i32
    %scan3A_55 = arith.constant 1 : i32
    scf.for %scan3A_68 = %scan3A to %scan3A_54 step %scan3A_55  : i32 {
      %mul3A_69 = arith.constant 8 : i32
      %mul3A_70 = arith.muli %mul3A_69, %scan3A_68 : i32
      %add3A_71 = arith.constant 0 : i32
      %add3A_72 = arith.addi %mul3A_70, %add3A_71 : i32
      %dma_wait3A_73 = arith.constant 0 : i32
      %dma_wait3A_74 = tpu.memref_slice %arg7[%add3A_72, %dma_wait3A_73] : memref<80x128xi32, #tpu.memory_space<vmem>> -> memref<1x128xi32, #tpu.memory_space<vmem>>
      %dma_wait3A_75 = tpu.memref_squeeze %dma_wait3A_74 : memref<1x128xi32, #tpu.memory_space<vmem>> -> memref<128xi32, #tpu.memory_space<vmem>>
      %dma_wait3A_76 = arith.constant 0 : i32
      %dma_wait3A_77 = arith.constant 0 : i32
      %dma_wait3A_78 = tpu.memref_slice %arg2[%dma_wait3A_76, %dma_wait3A_77] : memref<10000x128xbf16, #tpu.memory_space<hbm>> -> memref<10000x128xbf16, #tpu.memory_space<hbm>>
      tpu.wait_indirect_dma semaphore(%arg17 : memref<!tpu.dma_semaphore, #tpu.memory_space<semaphore_mem>>) src(%dma_wait3A_78 : memref<10000x128xbf16, #tpu.memory_space<hbm>>) dst(%arg9 : memref<128x128xbf16, #tpu.memory_space<vmem>>)
      %dma_start3A_79 = arith.constant 0 : i32
      %dma_start3A_80 = tpu.memref_slice %arg8[%add3A_72, %dma_start3A_79] : memref<80x128xi32, #tpu.memory_space<vmem>> -> memref<1x128xi32, #tpu.memory_space<vmem>>
      %dma_start3A_81 = tpu.memref_squeeze %dma_start3A_80 : memref<1x128xi32, #tpu.memory_space<vmem>> -> memref<128xi32, #tpu.memory_space<vmem>>
      %dma_start3A_82 = arith.constant 0 : i32
      %dma_start3A_83 = arith.constant 0 : i32
      %dma_start3A_84 = tpu.memref_slice %arg33[%dma_start3A_82, %dma_start3A_83] : memref<10240x128xbf16, #tpu.memory_space<vmem_shared>> -> memref<10240x128xbf16, #tpu.memory_space<vmem_shared>>
      tpu.enqueue_indirect_dma source(%arg9 : memref<128x128xbf16, #tpu.memory_space<vmem>>) target(%dma_start3A_84 : memref<10240x128xbf16, #tpu.memory_space<vmem_shared>>) offsets(%dma_start3A_81 : memref<128xi32, #tpu.memory_space<vmem>>) semaphore(%arg25 : memref<!tpu.dma_semaphore, #tpu.memory_space<semaphore_mem>>) {add = true}
      %ge3A = arith.constant 1 : i32
      %ge3A_85 = arith.cmpi sge, %add3A_72, %ge3A : i32
      %convert_element_type3A = arith.extui %ge3A_85 : i1 to i32
      %cond3A = arith.constant 0 : i32
      %cond3A_86 = arith.cmpi ne, %convert_element_type3A, %cond3A : i32
      scf.if %cond3A_86 {
        %dma_wait3A_289 = arith.constant 0 : i32
        %dma_wait3A_290 = tpu.memref_slice %arg8[%add3A_72, %dma_wait3A_289] : memref<80x128xi32, #tpu.memory_space<vmem>> -> memref<1x128xi32, #tpu.memory_space<vmem>>
        %dma_wait3A_291 = tpu.memref_squeeze %dma_wait3A_290 : memref<1x128xi32, #tpu.memory_space<vmem>> -> memref<128xi32, #tpu.memory_space<vmem>>
        %dma_wait3A_292 = arith.constant 0 : i32
        %dma_wait3A_293 = arith.constant 0 : i32
        %dma_wait3A_294 = tpu.memref_slice %arg33[%dma_wait3A_292, %dma_wait3A_293] : memref<10240x128xbf16, #tpu.memory_space<vmem_shared>> -> memref<10240x128xbf16, #tpu.memory_space<vmem_shared>>
        tpu.wait_indirect_dma semaphore(%arg32 : memref<!tpu.dma_semaphore, #tpu.memory_space<semaphore_mem>>) src(%arg16 : memref<128x128xbf16, #tpu.memory_space<vmem>>) dst(%dma_wait3A_294 : memref<10240x128xbf16, #tpu.memory_space<vmem_shared>>)
      } else {
      }
      %add3A_87 = arith.constant 7 : i32
      %add3A_88 = arith.addi %add3A_72, %add3A_87 : i32
      %lt3A = arith.constant 80 : i32
      %lt3A_89 = arith.cmpi slt, %add3A_88, %lt3A : i32
      %convert_element_type3A_90 = arith.extui %lt3A_89 : i1 to i32
      %cond3A_91 = arith.constant 0 : i32
      %cond3A_92 = arith.cmpi ne, %convert_element_type3A_90, %cond3A_91 : i32
      scf.if %cond3A_92 {
        %add3A_289 = arith.constant 7 : i32
        %add3A_290 = arith.addi %add3A_72, %add3A_289 : i32
        %dma_start3A_291 = arith.constant 0 : i32
        %dma_start3A_292 = tpu.memref_slice %arg7[%add3A_290, %dma_start3A_291] : memref<80x128xi32, #tpu.memory_space<vmem>> -> memref<1x128xi32, #tpu.memory_space<vmem>>
        %dma_start3A_293 = tpu.memref_squeeze %dma_start3A_292 : memref<1x128xi32, #tpu.memory_space<vmem>> -> memref<128xi32, #tpu.memory_space<vmem>>
        %dma_start3A_294 = arith.constant 0 : i32
        %dma_start3A_295 = arith.constant 0 : i32
        %dma_start3A_296 = tpu.memref_slice %arg2[%dma_start3A_294, %dma_start3A_295] : memref<10000x128xbf16, #tpu.memory_space<hbm>> -> memref<10000x128xbf16, #tpu.memory_space<hbm>>
        tpu.enqueue_indirect_dma source(%dma_start3A_296 : memref<10000x128xbf16, #tpu.memory_space<hbm>>) target(%arg16 : memref<128x128xbf16, #tpu.memory_space<vmem>>) offsets(%dma_start3A_293 : memref<128xi32, #tpu.memory_space<vmem>>) semaphore(%arg24 : memref<!tpu.dma_semaphore, #tpu.memory_space<semaphore_mem>>)
      } else {
      }
      %mul3A_93 = arith.constant 8 : i32
      %mul3A_94 = arith.muli %mul3A_93, %scan3A_68 : i32
      %add3A_95 = arith.constant 1 : i32
      %add3A_96 = arith.addi %mul3A_94, %add3A_95 : i32
      %dma_wait3A_97 = arith.constant 0 : i32
      %dma_wait3A_98 = tpu.memref_slice %arg7[%add3A_96, %dma_wait3A_97] : memref<80x128xi32, #tpu.memory_space<vmem>> -> memref<1x128xi32, #tpu.memory_space<vmem>>
      %dma_wait3A_99 = tpu.memref_squeeze %dma_wait3A_98 : memref<1x128xi32, #tpu.memory_space<vmem>> -> memref<128xi32, #tpu.memory_space<vmem>>
      %dma_wait3A_100 = arith.constant 0 : i32
      %dma_wait3A_101 = arith.constant 0 : i32
      %dma_wait3A_102 = tpu.memref_slice %arg2[%dma_wait3A_100, %dma_wait3A_101] : memref<10000x128xbf16, #tpu.memory_space<hbm>> -> memref<10000x128xbf16, #tpu.memory_space<hbm>>
      tpu.wait_indirect_dma semaphore(%arg18 : memref<!tpu.dma_semaphore, #tpu.memory_space<semaphore_mem>>) src(%dma_wait3A_102 : memref<10000x128xbf16, #tpu.memory_space<hbm>>) dst(%arg10 : memref<128x128xbf16, #tpu.memory_space<vmem>>)
      %dma_start3A_103 = arith.constant 0 : i32
      %dma_start3A_104 = tpu.memref_slice %arg8[%add3A_96, %dma_start3A_103] : memref<80x128xi32, #tpu.memory_space<vmem>> -> memref<1x128xi32, #tpu.memory_space<vmem>>
      %dma_start3A_105 = tpu.memref_squeeze %dma_start3A_104 : memref<1x128xi32, #tpu.memory_space<vmem>> -> memref<128xi32, #tpu.memory_space<vmem>>
      %dma_start3A_106 = arith.constant 0 : i32
      %dma_start3A_107 = arith.constant 0 : i32
      %dma_start3A_108 = tpu.memref_slice %arg33[%dma_start3A_106, %dma_start3A_107] : memref<10240x128xbf16, #tpu.memory_space<vmem_shared>> -> memref<10240x128xbf16, #tpu.memory_space<vmem_shared>>
      tpu.enqueue_indirect_dma source(%arg10 : memref<128x128xbf16, #tpu.memory_space<vmem>>) target(%dma_start3A_108 : memref<10240x128xbf16, #tpu.memory_space<vmem_shared>>) offsets(%dma_start3A_105 : memref<128xi32, #tpu.memory_space<vmem>>) semaphore(%arg26 : memref<!tpu.dma_semaphore, #tpu.memory_space<semaphore_mem>>) {add = true}
      %ge3A_109 = arith.constant 1 : i32
      %ge3A_110 = arith.cmpi sge, %add3A_96, %ge3A_109 : i32
      %convert_element_type3A_111 = arith.extui %ge3A_110 : i1 to i32
      %cond3A_112 = arith.constant 0 : i32
      %cond3A_113 = arith.cmpi ne, %convert_element_type3A_111, %cond3A_112 : i32
      scf.if %cond3A_113 {
        %dma_wait3A_289 = arith.constant 0 : i32
        %dma_wait3A_290 = tpu.memref_slice %arg8[%add3A_96, %dma_wait3A_289] : memref<80x128xi32, #tpu.memory_space<vmem>> -> memref<1x128xi32, #tpu.memory_space<vmem>>
        %dma_wait3A_291 = tpu.memref_squeeze %dma_wait3A_290 : memref<1x128xi32, #tpu.memory_space<vmem>> -> memref<128xi32, #tpu.memory_space<vmem>>
        %dma_wait3A_292 = arith.constant 0 : i32
        %dma_wait3A_293 = arith.constant 0 : i32
        %dma_wait3A_294 = tpu.memref_slice %arg33[%dma_wait3A_292, %dma_wait3A_293] : memref<10240x128xbf16, #tpu.memory_space<vmem_shared>> -> memref<10240x128xbf16, #tpu.memory_space<vmem_shared>>
        tpu.wait_indirect_dma semaphore(%arg25 : memref<!tpu.dma_semaphore, #tpu.memory_space<semaphore_mem>>) src(%arg9 : memref<128x128xbf16, #tpu.memory_space<vmem>>) dst(%dma_wait3A_294 : memref<10240x128xbf16, #tpu.memory_space<vmem_shared>>)
      } else {
      }
      %add3A_114 = arith.constant 7 : i32
      %add3A_115 = arith.addi %add3A_96, %add3A_114 : i32
      %lt3A_116 = arith.constant 80 : i32
      %lt3A_117 = arith.cmpi slt, %add3A_115, %lt3A_116 : i32
      %convert_element_type3A_118 = arith.extui %lt3A_117 : i1 to i32
      %cond3A_119 = arith.constant 0 : i32
      %cond3A_120 = arith.cmpi ne, %convert_element_type3A_118, %cond3A_119 : i32
      scf.if %cond3A_120 {
        %add3A_289 = arith.constant 7 : i32
        %add3A_290 = arith.addi %add3A_96, %add3A_289 : i32
        %dma_start3A_291 = arith.constant 0 : i32
        %dma_start3A_292 = tpu.memref_slice %arg7[%add3A_290, %dma_start3A_291] : memref<80x128xi32, #tpu.memory_space<vmem>> -> memref<1x128xi32, #tpu.memory_space<vmem>>
        %dma_start3A_293 = tpu.memref_squeeze %dma_start3A_292 : memref<1x128xi32, #tpu.memory_space<vmem>> -> memref<128xi32, #tpu.memory_space<vmem>>
        %dma_start3A_294 = arith.constant 0 : i32
        %dma_start3A_295 = arith.constant 0 : i32
        %dma_start3A_296 = tpu.memref_slice %arg2[%dma_start3A_294, %dma_start3A_295] : memref<10000x128xbf16, #tpu.memory_space<hbm>> -> memref<10000x128xbf16, #tpu.memory_space<hbm>>
        tpu.enqueue_indirect_dma source(%dma_start3A_296 : memref<10000x128xbf16, #tpu.memory_space<hbm>>) target(%arg9 : memref<128x128xbf16, #tpu.memory_space<vmem>>) offsets(%dma_start3A_293 : memref<128xi32, #tpu.memory_space<vmem>>) semaphore(%arg17 : memref<!tpu.dma_semaphore, #tpu.memory_space<semaphore_mem>>)
      } else {
      }
      %mul3A_121 = arith.constant 8 : i32
      %mul3A_122 = arith.muli %mul3A_121, %scan3A_68 : i32
      %add3A_123 = arith.constant 2 : i32
      %add3A_124 = arith.addi %mul3A_122, %add3A_123 : i32
      %dma_wait3A_125 = arith.constant 0 : i32
      %dma_wait3A_126 = tpu.memref_slice %arg7[%add3A_124, %dma_wait3A_125] : memref<80x128xi32, #tpu.memory_space<vmem>> -> memref<1x128xi32, #tpu.memory_space<vmem>>
      %dma_wait3A_127 = tpu.memref_squeeze %dma_wait3A_126 : memref<1x128xi32, #tpu.memory_space<vmem>> -> memref<128xi32, #tpu.memory_space<vmem>>
      %dma_wait3A_128 = arith.constant 0 : i32
      %dma_wait3A_129 = arith.constant 0 : i32
      %dma_wait3A_130 = tpu.memref_slice %arg2[%dma_wait3A_128, %dma_wait3A_129] : memref<10000x128xbf16, #tpu.memory_space<hbm>> -> memref<10000x128xbf16, #tpu.memory_space<hbm>>
      tpu.wait_indirect_dma semaphore(%arg19 : memref<!tpu.dma_semaphore, #tpu.memory_space<semaphore_mem>>) src(%dma_wait3A_130 : memref<10000x128xbf16, #tpu.memory_space<hbm>>) dst(%arg11 : memref<128x128xbf16, #tpu.memory_space<vmem>>)
      %dma_start3A_131 = arith.constant 0 : i32
      %dma_start3A_132 = tpu.memref_slice %arg8[%add3A_124, %dma_start3A_131] : memref<80x128xi32, #tpu.memory_space<vmem>> -> memref<1x128xi32, #tpu.memory_space<vmem>>
      %dma_start3A_133 = tpu.memref_squeeze %dma_start3A_132 : memref<1x128xi32, #tpu.memory_space<vmem>> -> memref<128xi32, #tpu.memory_space<vmem>>
      %dma_start3A_134 = arith.constant 0 : i32
      %dma_start3A_135 = arith.constant 0 : i32
      %dma_start3A_136 = tpu.memref_slice %arg33[%dma_start3A_134, %dma_start3A_135] : memref<10240x128xbf16, #tpu.memory_space<vmem_shared>> -> memref<10240x128xbf16, #tpu.memory_space<vmem_shared>>
      tpu.enqueue_indirect_dma source(%arg11 : memref<128x128xbf16, #tpu.memory_space<vmem>>) target(%dma_start3A_136 : memref<10240x128xbf16, #tpu.memory_space<vmem_shared>>) offsets(%dma_start3A_133 : memref<128xi32, #tpu.memory_space<vmem>>) semaphore(%arg27 : memref<!tpu.dma_semaphore, #tpu.memory_space<semaphore_mem>>) {add = true}
      %ge3A_137 = arith.constant 1 : i32
      %ge3A_138 = arith.cmpi sge, %add3A_124, %ge3A_137 : i32
      %convert_element_type3A_139 = arith.extui %ge3A_138 : i1 to i32
      %cond3A_140 = arith.constant 0 : i32
      %cond3A_141 = arith.cmpi ne, %convert_element_type3A_139, %cond3A_140 : i32
      scf.if %cond3A_141 {
        %dma_wait3A_289 = arith.constant 0 : i32
        %dma_wait3A_290 = tpu.memref_slice %arg8[%add3A_124, %dma_wait3A_289] : memref<80x128xi32, #tpu.memory_space<vmem>> -> memref<1x128xi32, #tpu.memory_space<vmem>>
        %dma_wait3A_291 = tpu.memref_squeeze %dma_wait3A_290 : memref<1x128xi32, #tpu.memory_space<vmem>> -> memref<128xi32, #tpu.memory_space<vmem>>
        %dma_wait3A_292 = arith.constant 0 : i32
        %dma_wait3A_293 = arith.constant 0 : i32
        %dma_wait3A_294 = tpu.memref_slice %arg33[%dma_wait3A_292, %dma_wait3A_293] : memref<10240x128xbf16, #tpu.memory_space<vmem_shared>> -> memref<10240x128xbf16, #tpu.memory_space<vmem_shared>>
        tpu.wait_indirect_dma semaphore(%arg26 : memref<!tpu.dma_semaphore, #tpu.memory_space<semaphore_mem>>) src(%arg10 : memref<128x128xbf16, #tpu.memory_space<vmem>>) dst(%dma_wait3A_294 : memref<10240x128xbf16, #tpu.memory_space<vmem_shared>>)
      } else {
      }
      %add3A_142 = arith.constant 7 : i32
      %add3A_143 = arith.addi %add3A_124, %add3A_142 : i32
      %lt3A_144 = arith.constant 80 : i32
      %lt3A_145 = arith.cmpi slt, %add3A_143, %lt3A_144 : i32
      %convert_element_type3A_146 = arith.extui %lt3A_145 : i1 to i32
      %cond3A_147 = arith.constant 0 : i32
      %cond3A_148 = arith.cmpi ne, %convert_element_type3A_146, %cond3A_147 : i32
      scf.if %cond3A_148 {
        %add3A_289 = arith.constant 7 : i32
        %add3A_290 = arith.addi %add3A_124, %add3A_289 : i32
        %dma_start3A_291 = arith.constant 0 : i32
        %dma_start3A_292 = tpu.memref_slice %arg7[%add3A_290, %dma_start3A_291] : memref<80x128xi32, #tpu.memory_space<vmem>> -> memref<1x128xi32, #tpu.memory_space<vmem>>
        %dma_start3A_293 = tpu.memref_squeeze %dma_start3A_292 : memref<1x128xi32, #tpu.memory_space<vmem>> -> memref<128xi32, #tpu.memory_space<vmem>>
        %dma_start3A_294 = arith.constant 0 : i32
        %dma_start3A_295 = arith.constant 0 : i32
        %dma_start3A_296 = tpu.memref_slice %arg2[%dma_start3A_294, %dma_start3A_295] : memref<10000x128xbf16, #tpu.memory_space<hbm>> -> memref<10000x128xbf16, #tpu.memory_space<hbm>>
        tpu.enqueue_indirect_dma source(%dma_start3A_296 : memref<10000x128xbf16, #tpu.memory_space<hbm>>) target(%arg10 : memref<128x128xbf16, #tpu.memory_space<vmem>>) offsets(%dma_start3A_293 : memref<128xi32, #tpu.memory_space<vmem>>) semaphore(%arg18 : memref<!tpu.dma_semaphore, #tpu.memory_space<semaphore_mem>>)
      } else {
      }
      %mul3A_149 = arith.constant 8 : i32
      %mul3A_150 = arith.muli %mul3A_149, %scan3A_68 : i32
      %add3A_151 = arith.constant 3 : i32
      %add3A_152 = arith.addi %mul3A_150, %add3A_151 : i32
      %dma_wait3A_153 = arith.constant 0 : i32
      %dma_wait3A_154 = tpu.memref_slice %arg7[%add3A_152, %dma_wait3A_153] : memref<80x128xi32, #tpu.memory_space<vmem>> -> memref<1x128xi32, #tpu.memory_space<vmem>>
      %dma_wait3A_155 = tpu.memref_squeeze %dma_wait3A_154 : memref<1x128xi32, #tpu.memory_space<vmem>> -> memref<128xi32, #tpu.memory_space<vmem>>
      %dma_wait3A_156 = arith.constant 0 : i32
      %dma_wait3A_157 = arith.constant 0 : i32
      %dma_wait3A_158 = tpu.memref_slice %arg2[%dma_wait3A_156, %dma_wait3A_157] : memref<10000x128xbf16, #tpu.memory_space<hbm>> -> memref<10000x128xbf16, #tpu.memory_space<hbm>>
      tpu.wait_indirect_dma semaphore(%arg20 : memref<!tpu.dma_semaphore, #tpu.memory_space<semaphore_mem>>) src(%dma_wait3A_158 : memref<10000x128xbf16, #tpu.memory_space<hbm>>) dst(%arg12 : memref<128x128xbf16, #tpu.memory_space<vmem>>)
      %dma_start3A_159 = arith.constant 0 : i32
      %dma_start3A_160 = tpu.memref_slice %arg8[%add3A_152, %dma_start3A_159] : memref<80x128xi32, #tpu.memory_space<vmem>> -> memref<1x128xi32, #tpu.memory_space<vmem>>
      %dma_start3A_161 = tpu.memref_squeeze %dma_start3A_160 : memref<1x128xi32, #tpu.memory_space<vmem>> -> memref<128xi32, #tpu.memory_space<vmem>>
      %dma_start3A_162 = arith.constant 0 : i32
      %dma_start3A_163 = arith.constant 0 : i32
      %dma_start3A_164 = tpu.memref_slice %arg33[%dma_start3A_162, %dma_start3A_163] : memref<10240x128xbf16, #tpu.memory_space<vmem_shared>> -> memref<10240x128xbf16, #tpu.memory_space<vmem_shared>>
      tpu.enqueue_indirect_dma source(%arg12 : memref<128x128xbf16, #tpu.memory_space<vmem>>) target(%dma_start3A_164 : memref<10240x128xbf16, #tpu.memory_space<vmem_shared>>) offsets(%dma_start3A_161 : memref<128xi32, #tpu.memory_space<vmem>>) semaphore(%arg28 : memref<!tpu.dma_semaphore, #tpu.memory_space<semaphore_mem>>) {add = true}
      %ge3A_165 = arith.constant 1 : i32
      %ge3A_166 = arith.cmpi sge, %add3A_152, %ge3A_165 : i32
      %convert_element_type3A_167 = arith.extui %ge3A_166 : i1 to i32
      %cond3A_168 = arith.constant 0 : i32
      %cond3A_169 = arith.cmpi ne, %convert_element_type3A_167, %cond3A_168 : i32
      scf.if %cond3A_169 {
        %dma_wait3A_289 = arith.constant 0 : i32
        %dma_wait3A_290 = tpu.memref_slice %arg8[%add3A_152, %dma_wait3A_289] : memref<80x128xi32, #tpu.memory_space<vmem>> -> memref<1x128xi32, #tpu.memory_space<vmem>>
        %dma_wait3A_291 = tpu.memref_squeeze %dma_wait3A_290 : memref<1x128xi32, #tpu.memory_space<vmem>> -> memref<128xi32, #tpu.memory_space<vmem>>
        %dma_wait3A_292 = arith.constant 0 : i32
        %dma_wait3A_293 = arith.constant 0 : i32
        %dma_wait3A_294 = tpu.memref_slice %arg33[%dma_wait3A_292, %dma_wait3A_293] : memref<10240x128xbf16, #tpu.memory_space<vmem_shared>> -> memref<10240x128xbf16, #tpu.memory_space<vmem_shared>>
        tpu.wait_indirect_dma semaphore(%arg27 : memref<!tpu.dma_semaphore, #tpu.memory_space<semaphore_mem>>) src(%arg11 : memref<128x128xbf16, #tpu.memory_space<vmem>>) dst(%dma_wait3A_294 : memref<10240x128xbf16, #tpu.memory_space<vmem_shared>>)
      } else {
      }
      %add3A_170 = arith.constant 7 : i32
      %add3A_171 = arith.addi %add3A_152, %add3A_170 : i32
      %lt3A_172 = arith.constant 80 : i32
      %lt3A_173 = arith.cmpi slt, %add3A_171, %lt3A_172 : i32
      %convert_element_type3A_174 = arith.extui %lt3A_173 : i1 to i32
      %cond3A_175 = arith.constant 0 : i32
      %cond3A_176 = arith.cmpi ne, %convert_element_type3A_174, %cond3A_175 : i32
      scf.if %cond3A_176 {
        %add3A_289 = arith.constant 7 : i32
        %add3A_290 = arith.addi %add3A_152, %add3A_289 : i32
        %dma_start3A_291 = arith.constant 0 : i32
        %dma_start3A_292 = tpu.memref_slice %arg7[%add3A_290, %dma_start3A_291] : memref<80x128xi32, #tpu.memory_space<vmem>> -> memref<1x128xi32, #tpu.memory_space<vmem>>
        %dma_start3A_293 = tpu.memref_squeeze %dma_start3A_292 : memref<1x128xi32, #tpu.memory_space<vmem>> -> memref<128xi32, #tpu.memory_space<vmem>>
        %dma_start3A_294 = arith.constant 0 : i32
        %dma_start3A_295 = arith.constant 0 : i32
        %dma_start3A_296 = tpu.memref_slice %arg2[%dma_start3A_294, %dma_start3A_295] : memref<10000x128xbf16, #tpu.memory_space<hbm>> -> memref<10000x128xbf16, #tpu.memory_space<hbm>>
        tpu.enqueue_indirect_dma source(%dma_start3A_296 : memref<10000x128xbf16, #tpu.memory_space<hbm>>) target(%arg11 : memref<128x128xbf16, #tpu.memory_space<vmem>>) offsets(%dma_start3A_293 : memref<128xi32, #tpu.memory_space<vmem>>) semaphore(%arg19 : memref<!tpu.dma_semaphore, #tpu.memory_space<semaphore_mem>>)
      } else {
      }
      %mul3A_177 = arith.constant 8 : i32
      %mul3A_178 = arith.muli %mul3A_177, %scan3A_68 : i32
      %add3A_179 = arith.constant 4 : i32
      %add3A_180 = arith.addi %mul3A_178, %add3A_179 : i32
      %dma_wait3A_181 = arith.constant 0 : i32
      %dma_wait3A_182 = tpu.memref_slice %arg7[%add3A_180, %dma_wait3A_181] : memref<80x128xi32, #tpu.memory_space<vmem>> -> memref<1x128xi32, #tpu.memory_space<vmem>>
      %dma_wait3A_183 = tpu.memref_squeeze %dma_wait3A_182 : memref<1x128xi32, #tpu.memory_space<vmem>> -> memref<128xi32, #tpu.memory_space<vmem>>
      %dma_wait3A_184 = arith.constant 0 : i32
      %dma_wait3A_185 = arith.constant 0 : i32
      %dma_wait3A_186 = tpu.memref_slice %arg2[%dma_wait3A_184, %dma_wait3A_185] : memref<10000x128xbf16, #tpu.memory_space<hbm>> -> memref<10000x128xbf16, #tpu.memory_space<hbm>>
      tpu.wait_indirect_dma semaphore(%arg21 : memref<!tpu.dma_semaphore, #tpu.memory_space<semaphore_mem>>) src(%dma_wait3A_186 : memref<10000x128xbf16, #tpu.memory_space<hbm>>) dst(%arg13 : memref<128x128xbf16, #tpu.memory_space<vmem>>)
      %dma_start3A_187 = arith.constant 0 : i32
      %dma_start3A_188 = tpu.memref_slice %arg8[%add3A_180, %dma_start3A_187] : memref<80x128xi32, #tpu.memory_space<vmem>> -> memref<1x128xi32, #tpu.memory_space<vmem>>
      %dma_start3A_189 = tpu.memref_squeeze %dma_start3A_188 : memref<1x128xi32, #tpu.memory_space<vmem>> -> memref<128xi32, #tpu.memory_space<vmem>>
      %dma_start3A_190 = arith.constant 0 : i32
      %dma_start3A_191 = arith.constant 0 : i32
      %dma_start3A_192 = tpu.memref_slice %arg33[%dma_start3A_190, %dma_start3A_191] : memref<10240x128xbf16, #tpu.memory_space<vmem_shared>> -> memref<10240x128xbf16, #tpu.memory_space<vmem_shared>>
      tpu.enqueue_indirect_dma source(%arg13 : memref<128x128xbf16, #tpu.memory_space<vmem>>) target(%dma_start3A_192 : memref<10240x128xbf16, #tpu.memory_space<vmem_shared>>) offsets(%dma_start3A_189 : memref<128xi32, #tpu.memory_space<vmem>>) semaphore(%arg29 : memref<!tpu.dma_semaphore, #tpu.memory_space<semaphore_mem>>) {add = true}
      %ge3A_193 = arith.constant 1 : i32
      %ge3A_194 = arith.cmpi sge, %add3A_180, %ge3A_193 : i32
      %convert_element_type3A_195 = arith.extui %ge3A_194 : i1 to i32
      %cond3A_196 = arith.constant 0 : i32
      %cond3A_197 = arith.cmpi ne, %convert_element_type3A_195, %cond3A_196 : i32
      scf.if %cond3A_197 {
        %dma_wait3A_289 = arith.constant 0 : i32
        %dma_wait3A_290 = tpu.memref_slice %arg8[%add3A_180, %dma_wait3A_289] : memref<80x128xi32, #tpu.memory_space<vmem>> -> memref<1x128xi32, #tpu.memory_space<vmem>>
        %dma_wait3A_291 = tpu.memref_squeeze %dma_wait3A_290 : memref<1x128xi32, #tpu.memory_space<vmem>> -> memref<128xi32, #tpu.memory_space<vmem>>
        %dma_wait3A_292 = arith.constant 0 : i32
        %dma_wait3A_293 = arith.constant 0 : i32
        %dma_wait3A_294 = tpu.memref_slice %arg33[%dma_wait3A_292, %dma_wait3A_293] : memref<10240x128xbf16, #tpu.memory_space<vmem_shared>> -> memref<10240x128xbf16, #tpu.memory_space<vmem_shared>>
        tpu.wait_indirect_dma semaphore(%arg28 : memref<!tpu.dma_semaphore, #tpu.memory_space<semaphore_mem>>) src(%arg12 : memref<128x128xbf16, #tpu.memory_space<vmem>>) dst(%dma_wait3A_294 : memref<10240x128xbf16, #tpu.memory_space<vmem_shared>>)
      } else {
      }
      %add3A_198 = arith.constant 7 : i32
      %add3A_199 = arith.addi %add3A_180, %add3A_198 : i32
      %lt3A_200 = arith.constant 80 : i32
      %lt3A_201 = arith.cmpi slt, %add3A_199, %lt3A_200 : i32
      %convert_element_type3A_202 = arith.extui %lt3A_201 : i1 to i32
      %cond3A_203 = arith.constant 0 : i32
      %cond3A_204 = arith.cmpi ne, %convert_element_type3A_202, %cond3A_203 : i32
      scf.if %cond3A_204 {
        %add3A_289 = arith.constant 7 : i32
        %add3A_290 = arith.addi %add3A_180, %add3A_289 : i32
        %dma_start3A_291 = arith.constant 0 : i32
        %dma_start3A_292 = tpu.memref_slice %arg7[%add3A_290, %dma_start3A_291] : memref<80x128xi32, #tpu.memory_space<vmem>> -> memref<1x128xi32, #tpu.memory_space<vmem>>
        %dma_start3A_293 = tpu.memref_squeeze %dma_start3A_292 : memref<1x128xi32, #tpu.memory_space<vmem>> -> memref<128xi32, #tpu.memory_space<vmem>>
        %dma_start3A_294 = arith.constant 0 : i32
        %dma_start3A_295 = arith.constant 0 : i32
        %dma_start3A_296 = tpu.memref_slice %arg2[%dma_start3A_294, %dma_start3A_295] : memref<10000x128xbf16, #tpu.memory_space<hbm>> -> memref<10000x128xbf16, #tpu.memory_space<hbm>>
        tpu.enqueue_indirect_dma source(%dma_start3A_296 : memref<10000x128xbf16, #tpu.memory_space<hbm>>) target(%arg12 : memref<128x128xbf16, #tpu.memory_space<vmem>>) offsets(%dma_start3A_293 : memref<128xi32, #tpu.memory_space<vmem>>) semaphore(%arg20 : memref<!tpu.dma_semaphore, #tpu.memory_space<semaphore_mem>>)
      } else {
      }
      %mul3A_205 = arith.constant 8 : i32
      %mul3A_206 = arith.muli %mul3A_205, %scan3A_68 : i32
      %add3A_207 = arith.constant 5 : i32
      %add3A_208 = arith.addi %mul3A_206, %add3A_207 : i32
      %dma_wait3A_209 = arith.constant 0 : i32
      %dma_wait3A_210 = tpu.memref_slice %arg7[%add3A_208, %dma_wait3A_209] : memref<80x128xi32, #tpu.memory_space<vmem>> -> memref<1x128xi32, #tpu.memory_space<vmem>>
      %dma_wait3A_211 = tpu.memref_squeeze %dma_wait3A_210 : memref<1x128xi32, #tpu.memory_space<vmem>> -> memref<128xi32, #tpu.memory_space<vmem>>
      %dma_wait3A_212 = arith.constant 0 : i32
      %dma_wait3A_213 = arith.constant 0 : i32
      %dma_wait3A_214 = tpu.memref_slice %arg2[%dma_wait3A_212, %dma_wait3A_213] : memref<10000x128xbf16, #tpu.memory_space<hbm>> -> memref<10000x128xbf16, #tpu.memory_space<hbm>>
      tpu.wait_indirect_dma semaphore(%arg22 : memref<!tpu.dma_semaphore, #tpu.memory_space<semaphore_mem>>) src(%dma_wait3A_214 : memref<10000x128xbf16, #tpu.memory_space<hbm>>) dst(%arg14 : memref<128x128xbf16, #tpu.memory_space<vmem>>)
      %dma_start3A_215 = arith.constant 0 : i32
      %dma_start3A_216 = tpu.memref_slice %arg8[%add3A_208, %dma_start3A_215] : memref<80x128xi32, #tpu.memory_space<vmem>> -> memref<1x128xi32, #tpu.memory_space<vmem>>
      %dma_start3A_217 = tpu.memref_squeeze %dma_start3A_216 : memref<1x128xi32, #tpu.memory_space<vmem>> -> memref<128xi32, #tpu.memory_space<vmem>>
      %dma_start3A_218 = arith.constant 0 : i32
      %dma_start3A_219 = arith.constant 0 : i32
      %dma_start3A_220 = tpu.memref_slice %arg33[%dma_start3A_218, %dma_start3A_219] : memref<10240x128xbf16, #tpu.memory_space<vmem_shared>> -> memref<10240x128xbf16, #tpu.memory_space<vmem_shared>>
      tpu.enqueue_indirect_dma source(%arg14 : memref<128x128xbf16, #tpu.memory_space<vmem>>) target(%dma_start3A_220 : memref<10240x128xbf16, #tpu.memory_space<vmem_shared>>) offsets(%dma_start3A_217 : memref<128xi32, #tpu.memory_space<vmem>>) semaphore(%arg30 : memref<!tpu.dma_semaphore, #tpu.memory_space<semaphore_mem>>) {add = true}
      %ge3A_221 = arith.constant 1 : i32
      %ge3A_222 = arith.cmpi sge, %add3A_208, %ge3A_221 : i32
      %convert_element_type3A_223 = arith.extui %ge3A_222 : i1 to i32
      %cond3A_224 = arith.constant 0 : i32
      %cond3A_225 = arith.cmpi ne, %convert_element_type3A_223, %cond3A_224 : i32
      scf.if %cond3A_225 {
        %dma_wait3A_289 = arith.constant 0 : i32
        %dma_wait3A_290 = tpu.memref_slice %arg8[%add3A_208, %dma_wait3A_289] : memref<80x128xi32, #tpu.memory_space<vmem>> -> memref<1x128xi32, #tpu.memory_space<vmem>>
        %dma_wait3A_291 = tpu.memref_squeeze %dma_wait3A_290 : memref<1x128xi32, #tpu.memory_space<vmem>> -> memref<128xi32, #tpu.memory_space<vmem>>
        %dma_wait3A_292 = arith.constant 0 : i32
        %dma_wait3A_293 = arith.constant 0 : i32
        %dma_wait3A_294 = tpu.memref_slice %arg33[%dma_wait3A_292, %dma_wait3A_293] : memref<10240x128xbf16, #tpu.memory_space<vmem_shared>> -> memref<10240x128xbf16, #tpu.memory_space<vmem_shared>>
        tpu.wait_indirect_dma semaphore(%arg29 : memref<!tpu.dma_semaphore, #tpu.memory_space<semaphore_mem>>) src(%arg13 : memref<128x128xbf16, #tpu.memory_space<vmem>>) dst(%dma_wait3A_294 : memref<10240x128xbf16, #tpu.memory_space<vmem_shared>>)
      } else {
      }
      %add3A_226 = arith.constant 7 : i32
      %add3A_227 = arith.addi %add3A_208, %add3A_226 : i32
      %lt3A_228 = arith.constant 80 : i32
      %lt3A_229 = arith.cmpi slt, %add3A_227, %lt3A_228 : i32
      %convert_element_type3A_230 = arith.extui %lt3A_229 : i1 to i32
      %cond3A_231 = arith.constant 0 : i32
      %cond3A_232 = arith.cmpi ne, %convert_element_type3A_230, %cond3A_231 : i32
      scf.if %cond3A_232 {
        %add3A_289 = arith.constant 7 : i32
        %add3A_290 = arith.addi %add3A_208, %add3A_289 : i32
        %dma_start3A_291 = arith.constant 0 : i32
        %dma_start3A_292 = tpu.memref_slice %arg7[%add3A_290, %dma_start3A_291] : memref<80x128xi32, #tpu.memory_space<vmem>> -> memref<1x128xi32, #tpu.memory_space<vmem>>
        %dma_start3A_293 = tpu.memref_squeeze %dma_start3A_292 : memref<1x128xi32, #tpu.memory_space<vmem>> -> memref<128xi32, #tpu.memory_space<vmem>>
        %dma_start3A_294 = arith.constant 0 : i32
        %dma_start3A_295 = arith.constant 0 : i32
        %dma_start3A_296 = tpu.memref_slice %arg2[%dma_start3A_294, %dma_start3A_295] : memref<10000x128xbf16, #tpu.memory_space<hbm>> -> memref<10000x128xbf16, #tpu.memory_space<hbm>>
        tpu.enqueue_indirect_dma source(%dma_start3A_296 : memref<10000x128xbf16, #tpu.memory_space<hbm>>) target(%arg13 : memref<128x128xbf16, #tpu.memory_space<vmem>>) offsets(%dma_start3A_293 : memref<128xi32, #tpu.memory_space<vmem>>) semaphore(%arg21 : memref<!tpu.dma_semaphore, #tpu.memory_space<semaphore_mem>>)
      } else {
      }
      %mul3A_233 = arith.constant 8 : i32
      %mul3A_234 = arith.muli %mul3A_233, %scan3A_68 : i32
      %add3A_235 = arith.constant 6 : i32
      %add3A_236 = arith.addi %mul3A_234, %add3A_235 : i32
      %dma_wait3A_237 = arith.constant 0 : i32
      %dma_wait3A_238 = tpu.memref_slice %arg7[%add3A_236, %dma_wait3A_237] : memref<80x128xi32, #tpu.memory_space<vmem>> -> memref<1x128xi32, #tpu.memory_space<vmem>>
      %dma_wait3A_239 = tpu.memref_squeeze %dma_wait3A_238 : memref<1x128xi32, #tpu.memory_space<vmem>> -> memref<128xi32, #tpu.memory_space<vmem>>
      %dma_wait3A_240 = arith.constant 0 : i32
      %dma_wait3A_241 = arith.constant 0 : i32
      %dma_wait3A_242 = tpu.memref_slice %arg2[%dma_wait3A_240, %dma_wait3A_241] : memref<10000x128xbf16, #tpu.memory_space<hbm>> -> memref<10000x128xbf16, #tpu.memory_space<hbm>>
      tpu.wait_indirect_dma semaphore(%arg23 : memref<!tpu.dma_semaphore, #tpu.memory_space<semaphore_mem>>) src(%dma_wait3A_242 : memref<10000x128xbf16, #tpu.memory_space<hbm>>) dst(%arg15 : memref<128x128xbf16, #tpu.memory_space<vmem>>)
      %dma_start3A_243 = arith.constant 0 : i32
      %dma_start3A_244 = tpu.memref_slice %arg8[%add3A_236, %dma_start3A_243] : memref<80x128xi32, #tpu.memory_space<vmem>> -> memref<1x128xi32, #tpu.memory_space<vmem>>
      %dma_start3A_245 = tpu.memref_squeeze %dma_start3A_244 : memref<1x128xi32, #tpu.memory_space<vmem>> -> memref<128xi32, #tpu.memory_space<vmem>>
      %dma_start3A_246 = arith.constant 0 : i32
      %dma_start3A_247 = arith.constant 0 : i32
      %dma_start3A_248 = tpu.memref_slice %arg33[%dma_start3A_246, %dma_start3A_247] : memref<10240x128xbf16, #tpu.memory_space<vmem_shared>> -> memref<10240x128xbf16, #tpu.memory_space<vmem_shared>>
      tpu.enqueue_indirect_dma source(%arg15 : memref<128x128xbf16, #tpu.memory_space<vmem>>) target(%dma_start3A_248 : memref<10240x128xbf16, #tpu.memory_space<vmem_shared>>) offsets(%dma_start3A_245 : memref<128xi32, #tpu.memory_space<vmem>>) semaphore(%arg31 : memref<!tpu.dma_semaphore, #tpu.memory_space<semaphore_mem>>) {add = true}
      %ge3A_249 = arith.constant 1 : i32
      %ge3A_250 = arith.cmpi sge, %add3A_236, %ge3A_249 : i32
      %convert_element_type3A_251 = arith.extui %ge3A_250 : i1 to i32
      %cond3A_252 = arith.constant 0 : i32
      %cond3A_253 = arith.cmpi ne, %convert_element_type3A_251, %cond3A_252 : i32
      scf.if %cond3A_253 {
        %dma_wait3A_289 = arith.constant 0 : i32
        %dma_wait3A_290 = tpu.memref_slice %arg8[%add3A_236, %dma_wait3A_289] : memref<80x128xi32, #tpu.memory_space<vmem>> -> memref<1x128xi32, #tpu.memory_space<vmem>>
        %dma_wait3A_291 = tpu.memref_squeeze %dma_wait3A_290 : memref<1x128xi32, #tpu.memory_space<vmem>> -> memref<128xi32, #tpu.memory_space<vmem>>
        %dma_wait3A_292 = arith.constant 0 : i32
        %dma_wait3A_293 = arith.constant 0 : i32
        %dma_wait3A_294 = tpu.memref_slice %arg33[%dma_wait3A_292, %dma_wait3A_293] : memref<10240x128xbf16, #tpu.memory_space<vmem_shared>> -> memref<10240x128xbf16, #tpu.memory_space<vmem_shared>>
        tpu.wait_indirect_dma semaphore(%arg30 : memref<!tpu.dma_semaphore, #tpu.memory_space<semaphore_mem>>) src(%arg14 : memref<128x128xbf16, #tpu.memory_space<vmem>>) dst(%dma_wait3A_294 : memref<10240x128xbf16, #tpu.memory_space<vmem_shared>>)
      } else {
      }
      %add3A_254 = arith.constant 7 : i32
      %add3A_255 = arith.addi %add3A_236, %add3A_254 : i32
      %lt3A_256 = arith.constant 80 : i32
      %lt3A_257 = arith.cmpi slt, %add3A_255, %lt3A_256 : i32
      %convert_element_type3A_258 = arith.extui %lt3A_257 : i1 to i32
      %cond3A_259 = arith.constant 0 : i32
      %cond3A_260 = arith.cmpi ne, %convert_element_type3A_258, %cond3A_259 : i32
      scf.if %cond3A_260 {
        %add3A_289 = arith.constant 7 : i32
        %add3A_290 = arith.addi %add3A_236, %add3A_289 : i32
        %dma_start3A_291 = arith.constant 0 : i32
        %dma_start3A_292 = tpu.memref_slice %arg7[%add3A_290, %dma_start3A_291] : memref<80x128xi32, #tpu.memory_space<vmem>> -> memref<1x128xi32, #tpu.memory_space<vmem>>
        %dma_start3A_293 = tpu.memref_squeeze %dma_start3A_292 : memref<1x128xi32, #tpu.memory_space<vmem>> -> memref<128xi32, #tpu.memory_space<vmem>>
        %dma_start3A_294 = arith.constant 0 : i32
        %dma_start3A_295 = arith.constant 0 : i32
        %dma_start3A_296 = tpu.memref_slice %arg2[%dma_start3A_294, %dma_start3A_295] : memref<10000x128xbf16, #tpu.memory_space<hbm>> -> memref<10000x128xbf16, #tpu.memory_space<hbm>>
        tpu.enqueue_indirect_dma source(%dma_start3A_296 : memref<10000x128xbf16, #tpu.memory_space<hbm>>) target(%arg14 : memref<128x128xbf16, #tpu.memory_space<vmem>>) offsets(%dma_start3A_293 : memref<128xi32, #tpu.memory_space<vmem>>) semaphore(%arg22 : memref<!tpu.dma_semaphore, #tpu.memory_space<semaphore_mem>>)
      } else {
      }
      %mul3A_261 = arith.constant 8 : i32
      %mul3A_262 = arith.muli %mul3A_261, %scan3A_68 : i32
      %add3A_263 = arith.constant 7 : i32
      %add3A_264 = arith.addi %mul3A_262, %add3A_263 : i32
      %dma_wait3A_265 = arith.constant 0 : i32
      %dma_wait3A_266 = tpu.memref_slice %arg7[%add3A_264, %dma_wait3A_265] : memref<80x128xi32, #tpu.memory_space<vmem>> -> memref<1x128xi32, #tpu.memory_space<vmem>>
      %dma_wait3A_267 = tpu.memref_squeeze %dma_wait3A_266 : memref<1x128xi32, #tpu.memory_space<vmem>> -> memref<128xi32, #tpu.memory_space<vmem>>
      %dma_wait3A_268 = arith.constant 0 : i32
      %dma_wait3A_269 = arith.constant 0 : i32
      %dma_wait3A_270 = tpu.memref_slice %arg2[%dma_wait3A_268, %dma_wait3A_269] : memref<10000x128xbf16, #tpu.memory_space<hbm>> -> memref<10000x128xbf16, #tpu.memory_space<hbm>>
      tpu.wait_indirect_dma semaphore(%arg24 : memref<!tpu.dma_semaphore, #tpu.memory_space<semaphore_mem>>) src(%dma_wait3A_270 : memref<10000x128xbf16, #tpu.memory_space<hbm>>) dst(%arg16 : memref<128x128xbf16, #tpu.memory_space<vmem>>)
      %dma_start3A_271 = arith.constant 0 : i32
      %dma_start3A_272 = tpu.memref_slice %arg8[%add3A_264, %dma_start3A_271] : memref<80x128xi32, #tpu.memory_space<vmem>> -> memref<1x128xi32, #tpu.memory_space<vmem>>
      %dma_start3A_273 = tpu.memref_squeeze %dma_start3A_272 : memref<1x128xi32, #tpu.memory_space<vmem>> -> memref<128xi32, #tpu.memory_space<vmem>>
      %dma_start3A_274 = arith.constant 0 : i32
      %dma_start3A_275 = arith.constant 0 : i32
      %dma_start3A_276 = tpu.memref_slice %arg33[%dma_start3A_274, %dma_start3A_275] : memref<10240x128xbf16, #tpu.memory_space<vmem_shared>> -> memref<10240x128xbf16, #tpu.memory_space<vmem_shared>>
      tpu.enqueue_indirect_dma source(%arg16 : memref<128x128xbf16, #tpu.memory_space<vmem>>) target(%dma_start3A_276 : memref<10240x128xbf16, #tpu.memory_space<vmem_shared>>) offsets(%dma_start3A_273 : memref<128xi32, #tpu.memory_space<vmem>>) semaphore(%arg32 : memref<!tpu.dma_semaphore, #tpu.memory_space<semaphore_mem>>) {add = true}
      %ge3A_277 = arith.constant 1 : i32
      %ge3A_278 = arith.cmpi sge, %add3A_264, %ge3A_277 : i32
      %convert_element_type3A_279 = arith.extui %ge3A_278 : i1 to i32
      %cond3A_280 = arith.constant 0 : i32
      %cond3A_281 = arith.cmpi ne, %convert_element_type3A_279, %cond3A_280 : i32
      scf.if %cond3A_281 {
        %dma_wait3A_289 = arith.constant 0 : i32
        %dma_wait3A_290 = tpu.memref_slice %arg8[%add3A_264, %dma_wait3A_289] : memref<80x128xi32, #tpu.memory_space<vmem>> -> memref<1x128xi32, #tpu.memory_space<vmem>>
        %dma_wait3A_291 = tpu.memref_squeeze %dma_wait3A_290 : memref<1x128xi32, #tpu.memory_space<vmem>> -> memref<128xi32, #tpu.memory_space<vmem>>
        %dma_wait3A_292 = arith.constant 0 : i32
        %dma_wait3A_293 = arith.constant 0 : i32
        %dma_wait3A_294 = tpu.memref_slice %arg33[%dma_wait3A_292, %dma_wait3A_293] : memref<10240x128xbf16, #tpu.memory_space<vmem_shared>> -> memref<10240x128xbf16, #tpu.memory_space<vmem_shared>>
        tpu.wait_indirect_dma semaphore(%arg31 : memref<!tpu.dma_semaphore, #tpu.memory_space<semaphore_mem>>) src(%arg15 : memref<128x128xbf16, #tpu.memory_space<vmem>>) dst(%dma_wait3A_294 : memref<10240x128xbf16, #tpu.memory_space<vmem_shared>>)
      } else {
      }
      %add3A_282 = arith.constant 7 : i32
      %add3A_283 = arith.addi %add3A_264, %add3A_282 : i32
      %lt3A_284 = arith.constant 80 : i32
      %lt3A_285 = arith.cmpi slt, %add3A_283, %lt3A_284 : i32
      %convert_element_type3A_286 = arith.extui %lt3A_285 : i1 to i32
      %cond3A_287 = arith.constant 0 : i32
      %cond3A_288 = arith.cmpi ne, %convert_element_type3A_286, %cond3A_287 : i32
      scf.if %cond3A_288 {
        %add3A_289 = arith.constant 7 : i32
        %add3A_290 = arith.addi %add3A_264, %add3A_289 : i32
        %dma_start3A_291 = arith.constant 0 : i32
        %dma_start3A_292 = tpu.memref_slice %arg7[%add3A_290, %dma_start3A_291] : memref<80x128xi32, #tpu.memory_space<vmem>> -> memref<1x128xi32, #tpu.memory_space<vmem>>
        %dma_start3A_293 = tpu.memref_squeeze %dma_start3A_292 : memref<1x128xi32, #tpu.memory_space<vmem>> -> memref<128xi32, #tpu.memory_space<vmem>>
        %dma_start3A_294 = arith.constant 0 : i32
        %dma_start3A_295 = arith.constant 0 : i32
        %dma_start3A_296 = tpu.memref_slice %arg2[%dma_start3A_294, %dma_start3A_295] : memref<10000x128xbf16, #tpu.memory_space<hbm>> -> memref<10000x128xbf16, #tpu.memory_space<hbm>>
        tpu.enqueue_indirect_dma source(%dma_start3A_296 : memref<10000x128xbf16, #tpu.memory_space<hbm>>) target(%arg15 : memref<128x128xbf16, #tpu.memory_space<vmem>>) offsets(%dma_start3A_293 : memref<128xi32, #tpu.memory_space<vmem>>) semaphore(%arg23 : memref<!tpu.dma_semaphore, #tpu.memory_space<semaphore_mem>>)
      } else {
      }
    }
    %scan3A_56 = arith.constant 10 : i32
    %dma_wait3A = arith.constant 79 : i32
    %dma_wait3A_57 = arith.constant 0 : i32
    %dma_wait3A_58 = tpu.memref_slice %arg8[%dma_wait3A, %dma_wait3A_57] : memref<80x128xi32, #tpu.memory_space<vmem>> -> memref<1x128xi32, #tpu.memory_space<vmem>>
    %dma_wait3A_59 = tpu.memref_squeeze %dma_wait3A_58 : memref<1x128xi32, #tpu.memory_space<vmem>> -> memref<128xi32, #tpu.memory_space<vmem>>
    %dma_wait3A_60 = arith.constant 0 : i32
    %dma_wait3A_61 = arith.constant 0 : i32
    %dma_wait3A_62 = tpu.memref_slice %arg33[%dma_wait3A_60, %dma_wait3A_61] : memref<10240x128xbf16, #tpu.memory_space<vmem_shared>> -> memref<10240x128xbf16, #tpu.memory_space<vmem_shared>>
    tpu.wait_indirect_dma semaphore(%arg32 : memref<!tpu.dma_semaphore, #tpu.memory_space<semaphore_mem>>) src(%arg16 : memref<128x128xbf16, #tpu.memory_space<vmem>>) dst(%dma_wait3A_62 : memref<10240x128xbf16, #tpu.memory_space<vmem_shared>>)
    %barrier3A_63 = arith.constant 0 : index
    tpu.barrier barrier_id(%barrier3A_63)
    %mul3A_64 = arith.constant 640 : i32
    %mul3A_65 = arith.muli %arg1, %mul3A_64 : i32
    %mul3A_66 = arith.constant 640 : i32
    %mul3A_67 = arith.muli %arg1, %mul3A_66 : i32
    "tpu.region"() ({
      %run_scoped3A = tpu.sem_alloc : memref<!tpu.dma_semaphore, #tpu.memory_space<semaphore_mem>>
      %dma_start3A_68 = arith.constant 0 : i32
      %dma_start3A_69 = tpu.memref_slice %arg6[%arg0, %mul3A_67, %dma_start3A_68] : memref<2x10240x128xbf16, #tpu.memory_space<hbm>> -> memref<1x640x128xbf16, #tpu.memory_space<hbm>>
      %dma_start3A_70 = tpu.memref_squeeze %dma_start3A_69 : memref<1x640x128xbf16, #tpu.memory_space<hbm>> -> memref<640x128xbf16, #tpu.memory_space<hbm>>
      %dma_start3A_71 = arith.constant 0 : i32
      %dma_start3A_72 = tpu.memref_slice %arg33[%mul3A_65, %dma_start3A_71] : memref<10240x128xbf16, #tpu.memory_space<vmem_shared>> -> memref<640x128xbf16, #tpu.memory_space<vmem_shared>>
      tpu.enqueue_dma source(%dma_start3A_72 : memref<640x128xbf16, #tpu.memory_space<vmem_shared>>) target(%dma_start3A_70 : memref<640x128xbf16, #tpu.memory_space<hbm>>) target_semaphore(%run_scoped3A : memref<!tpu.dma_semaphore, #tpu.memory_space<semaphore_mem>>)
      %dma_wait3A_73 = arith.constant 0 : i32
      %dma_wait3A_74 = tpu.memref_slice %arg6[%arg0, %mul3A_67, %dma_wait3A_73] : memref<2x10240x128xbf16, #tpu.memory_space<hbm>> -> memref<1x640x128xbf16, #tpu.memory_space<hbm>>
      %dma_wait3A_75 = tpu.memref_squeeze %dma_wait3A_74 : memref<1x640x128xbf16, #tpu.memory_space<hbm>> -> memref<640x128xbf16, #tpu.memory_space<hbm>>
      %dma_wait3A_76 = arith.constant 0 : i32
      %dma_wait3A_77 = tpu.memref_slice %arg33[%mul3A_65, %dma_wait3A_76] : memref<10240x128xbf16, #tpu.memory_space<vmem_shared>> -> memref<640x128xbf16, #tpu.memory_space<vmem_shared>>
      tpu.wait_dma2 semaphore(%run_scoped3A : memref<!tpu.dma_semaphore, #tpu.memory_space<semaphore_mem>>) src(%dma_wait3A_77 : memref<640x128xbf16, #tpu.memory_space<vmem_shared>>) dst(%dma_wait3A_75 : memref<640x128xbf16, #tpu.memory_space<hbm>>)
      tpu.yield
    }) : () -> ()
    return
  }
}

#map = affine_map<(d0, d1) -> (0, 0)>
#map1 = affine_map<(d0, d1) -> (0, 0, 0)>
module attributes {stable_mosaic.version = 14 : i64} {
  func.func @_edge_kernel(%arg0: i32, %arg1: i32, %arg2: memref<10000x128xbf16, #tpu.memory_space<hbm>>, %arg3: memref<32x80x128xi32, #tpu.memory_space<hbm>>, %arg4: memref<32x80x128xi32, #tpu.memory_space<hbm>>, %arg5: memref<10240x128xbf16, #tpu.memory_space<hbm>>, %arg6: memref<2x10240x128xbf16, #tpu.memory_space<hbm>>, %arg7: memref<80x128xi32, #tpu.memory_space<vmem>>, %arg8: memref<80x128xi32, #tpu.memory_space<vmem>>, %arg9: memref<128x128xbf16, #tpu.memory_space<vmem>>, %arg10: memref<128x128xbf16, #tpu.memory_space<vmem>>, %arg11: memref<128x128xbf16, #tpu.memory_space<vmem>>, %arg12: memref<128x128xbf16, #tpu.memory_space<vmem>>, %arg13: memref<128x128xbf16, #tpu.memory_space<vmem>>, %arg14: memref<128x128xbf16, #tpu.memory_space<vmem>>, %arg15: memref<128x128xbf16, #tpu.memory_space<vmem>>, %arg16: memref<128x128xbf16, #tpu.memory_space<vmem>>, %arg17: memref<!tpu.dma_semaphore, #tpu.memory_space<semaphore_mem>>, %arg18: memref<!tpu.dma_semaphore, #tpu.memory_space<semaphore_mem>>, %arg19: memref<!tpu.dma_semaphore, #tpu.memory_space<semaphore_mem>>, %arg20: memref<!tpu.dma_semaphore, #tpu.memory_space<semaphore_mem>>, %arg21: memref<!tpu.dma_semaphore, #tpu.memory_space<semaphore_mem>>, %arg22: memref<!tpu.dma_semaphore, #tpu.memory_space<semaphore_mem>>, %arg23: memref<!tpu.dma_semaphore, #tpu.memory_space<semaphore_mem>>, %arg24: memref<!tpu.dma_semaphore, #tpu.memory_space<semaphore_mem>>, %arg25: memref<!tpu.dma_semaphore, #tpu.memory_space<semaphore_mem>>, %arg26: memref<!tpu.dma_semaphore, #tpu.memory_space<semaphore_mem>>, %arg27: memref<!tpu.dma_semaphore, #tpu.memory_space<semaphore_mem>>, %arg28: memref<!tpu.dma_semaphore, #tpu.memory_space<semaphore_mem>>, %arg29: memref<!tpu.dma_semaphore, #tpu.memory_space<semaphore_mem>>, %arg30: memref<!tpu.dma_semaphore, #tpu.memory_space<semaphore_mem>>, %arg31: memref<!tpu.dma_semaphore, #tpu.memory_space<semaphore_mem>>, %arg32: memref<!tpu.dma_semaphore, #tpu.memory_space<semaphore_mem>>, %arg33: memref<10240x128xbf16, #tpu.memory_space<vmem_shared>>) attributes {dimension_semantics = [#tpu.dimension_semantics<core_parallel>, #tpu.dimension_semantics<subcore_parallel>], iteration_bounds = array<i64: 2, 16>, scalar_prefetch = 0 : i64, scratch_operands = 27 : i64, tpu.core_type = #tpu.core_type<sc_vector_subcore>, window_params = [{transform_indices = #map}, {transform_indices = #map1}, {transform_indices = #map1}, {transform_indices = #map}, {transform_indices = #map1}]} {
    %mul3A = arith.constant 16 : i32
    %mul3A_0 = arith.muli %arg0, %mul3A : i32
    %add3A = arith.addi %mul3A_0, %arg1 : i32
    "tpu.region"() ({
      %run_scoped3A = tpu.sem_alloc : memref<!tpu.dma_semaphore, #tpu.memory_space<semaphore_mem>>
      %dma_start3A_68 = arith.constant 0 : i32
      %dma_start3A_69 = arith.constant 0 : i32
      %dma_start3A_70 = tpu.memref_slice %arg3[%add3A, %dma_start3A_68, %dma_start3A_69] : memref<32x80x128xi32, #tpu.memory_space<hbm>> -> memref<1x80x128xi32, #tpu.memory_space<hbm>>
      %dma_start3A_71 = tpu.memref_squeeze %dma_start3A_70 : memref<1x80x128xi32, #tpu.memory_space<hbm>> -> memref<80x128xi32, #tpu.memory_space<hbm>>
      %dma_start3A_72 = arith.constant 0 : i32
      %dma_start3A_73 = arith.constant 0 : i32
      %dma_start3A_74 = tpu.memref_slice %arg3[%add3A, %dma_start3A_72, %dma_start3A_73] : memref<32x80x128xi32, #tpu.memory_space<hbm>> -> memref<1x80x128xi32, #tpu.memory_space<hbm>>
      %dma_start3A_75 = tpu.memref_squeeze %dma_start3A_74 : memref<1x80x128xi32, #tpu.memory_space<hbm>> -> memref<80x128xi32, #tpu.memory_space<hbm>>
      tpu.enqueue_dma source(%dma_start3A_75 : memref<80x128xi32, #tpu.memory_space<hbm>>) target(%arg7 : memref<80x128xi32, #tpu.memory_space<vmem>>) target_semaphore(%run_scoped3A : memref<!tpu.dma_semaphore, #tpu.memory_space<semaphore_mem>>)
      %dma_wait3A_76 = arith.constant 0 : i32
      %dma_wait3A_77 = arith.constant 0 : i32
      %dma_wait3A_78 = tpu.memref_slice %arg3[%add3A, %dma_wait3A_76, %dma_wait3A_77] : memref<32x80x128xi32, #tpu.memory_space<hbm>> -> memref<1x80x128xi32, #tpu.memory_space<hbm>>
      %dma_wait3A_79 = tpu.memref_squeeze %dma_wait3A_78 : memref<1x80x128xi32, #tpu.memory_space<hbm>> -> memref<80x128xi32, #tpu.memory_space<hbm>>
      %dma_wait3A_80 = arith.constant 0 : i32
      %dma_wait3A_81 = arith.constant 0 : i32
      %dma_wait3A_82 = tpu.memref_slice %arg3[%add3A, %dma_wait3A_80, %dma_wait3A_81] : memref<32x80x128xi32, #tpu.memory_space<hbm>> -> memref<1x80x128xi32, #tpu.memory_space<hbm>>
      %dma_wait3A_83 = tpu.memref_squeeze %dma_wait3A_82 : memref<1x80x128xi32, #tpu.memory_space<hbm>> -> memref<80x128xi32, #tpu.memory_space<hbm>>
      tpu.wait_dma2 semaphore(%run_scoped3A : memref<!tpu.dma_semaphore, #tpu.memory_space<semaphore_mem>>) src(%dma_wait3A_83 : memref<80x128xi32, #tpu.memory_space<hbm>>) dst(%arg7 : memref<80x128xi32, #tpu.memory_space<vmem>>)
      tpu.yield
    }) : () -> ()
    "tpu.region"() ({
      %run_scoped3A = tpu.sem_alloc : memref<!tpu.dma_semaphore, #tpu.memory_space<semaphore_mem>>
      %dma_start3A_68 = arith.constant 0 : i32
      %dma_start3A_69 = arith.constant 0 : i32
      %dma_start3A_70 = tpu.memref_slice %arg4[%add3A, %dma_start3A_68, %dma_start3A_69] : memref<32x80x128xi32, #tpu.memory_space<hbm>> -> memref<1x80x128xi32, #tpu.memory_space<hbm>>
      %dma_start3A_71 = tpu.memref_squeeze %dma_start3A_70 : memref<1x80x128xi32, #tpu.memory_space<hbm>> -> memref<80x128xi32, #tpu.memory_space<hbm>>
      %dma_start3A_72 = arith.constant 0 : i32
      %dma_start3A_73 = arith.constant 0 : i32
      %dma_start3A_74 = tpu.memref_slice %arg4[%add3A, %dma_start3A_72, %dma_start3A_73] : memref<32x80x128xi32, #tpu.memory_space<hbm>> -> memref<1x80x128xi32, #tpu.memory_space<hbm>>
      %dma_start3A_75 = tpu.memref_squeeze %dma_start3A_74 : memref<1x80x128xi32, #tpu.memory_space<hbm>> -> memref<80x128xi32, #tpu.memory_space<hbm>>
      tpu.enqueue_dma source(%dma_start3A_75 : memref<80x128xi32, #tpu.memory_space<hbm>>) target(%arg8 : memref<80x128xi32, #tpu.memory_space<vmem>>) target_semaphore(%run_scoped3A : memref<!tpu.dma_semaphore, #tpu.memory_space<semaphore_mem>>)
      %dma_wait3A_76 = arith.constant 0 : i32
      %dma_wait3A_77 = arith.constant 0 : i32
      %dma_wait3A_78 = tpu.memref_slice %arg4[%add3A, %dma_wait3A_76, %dma_wait3A_77] : memref<32x80x128xi32, #tpu.memory_space<hbm>> -> memref<1x80x128xi32, #tpu.memory_space<hbm>>
      %dma_wait3A_79 = tpu.memref_squeeze %dma_wait3A_78 : memref<1x80x128xi32, #tpu.memory_space<hbm>> -> memref<80x128xi32, #tpu.memory_space<hbm>>
      %dma_wait3A_80 = arith.constant 0 : i32
      %dma_wait3A_81 = arith.constant 0 : i32
      %dma_wait3A_82 = tpu.memref_slice %arg4[%add3A, %dma_wait3A_80, %dma_wait3A_81] : memref<32x80x128xi32, #tpu.memory_space<hbm>> -> memref<1x80x128xi32, #tpu.memory_space<hbm>>
      %dma_wait3A_83 = tpu.memref_squeeze %dma_wait3A_82 : memref<1x80x128xi32, #tpu.memory_space<hbm>> -> memref<80x128xi32, #tpu.memory_space<hbm>>
      tpu.wait_dma2 semaphore(%run_scoped3A : memref<!tpu.dma_semaphore, #tpu.memory_space<semaphore_mem>>) src(%dma_wait3A_83 : memref<80x128xi32, #tpu.memory_space<hbm>>) dst(%arg8 : memref<80x128xi32, #tpu.memory_space<vmem>>)
      tpu.yield
    }) : () -> ()
    %mul3A_1 = arith.constant 640 : i32
    %mul3A_2 = arith.muli %arg1, %mul3A_1 : i32
    %mul3A_3 = arith.constant 640 : i32
    %mul3A_4 = arith.muli %arg1, %mul3A_3 : i32
    "tpu.region"() ({
      %run_scoped3A = tpu.sem_alloc : memref<!tpu.dma_semaphore, #tpu.memory_space<semaphore_mem>>
      %dma_start3A_68 = arith.constant 0 : i32
      %dma_start3A_69 = tpu.memref_slice %arg33[%mul3A_4, %dma_start3A_68] : memref<10240x128xbf16, #tpu.memory_space<vmem_shared>> -> memref<640x128xbf16, #tpu.memory_space<vmem_shared>>
      %dma_start3A_70 = arith.constant 0 : i32
      %dma_start3A_71 = tpu.memref_slice %arg5[%mul3A_2, %dma_start3A_70] : memref<10240x128xbf16, #tpu.memory_space<hbm>> -> memref<640x128xbf16, #tpu.memory_space<hbm>>
      tpu.enqueue_dma source(%dma_start3A_71 : memref<640x128xbf16, #tpu.memory_space<hbm>>) target(%dma_start3A_69 : memref<640x128xbf16, #tpu.memory_space<vmem_shared>>) target_semaphore(%run_scoped3A : memref<!tpu.dma_semaphore, #tpu.memory_space<semaphore_mem>>)
      %dma_wait3A_72 = arith.constant 0 : i32
      %dma_wait3A_73 = tpu.memref_slice %arg33[%mul3A_4, %dma_wait3A_72] : memref<10240x128xbf16, #tpu.memory_space<vmem_shared>> -> memref<640x128xbf16, #tpu.memory_space<vmem_shared>>
      %dma_wait3A_74 = arith.constant 0 : i32
      %dma_wait3A_75 = tpu.memref_slice %arg5[%mul3A_2, %dma_wait3A_74] : memref<10240x128xbf16, #tpu.memory_space<hbm>> -> memref<640x128xbf16, #tpu.memory_space<hbm>>
      tpu.wait_dma2 semaphore(%run_scoped3A : memref<!tpu.dma_semaphore, #tpu.memory_space<semaphore_mem>>) src(%dma_wait3A_75 : memref<640x128xbf16, #tpu.memory_space<hbm>>) dst(%dma_wait3A_73 : memref<640x128xbf16, #tpu.memory_space<vmem_shared>>)
      tpu.yield
    }) : () -> ()
    %barrier3A = arith.constant 0 : index
    tpu.barrier barrier_id(%barrier3A)
    %dma_start3A = arith.constant 0 : i32
    %dma_start3A_5 = arith.constant 0 : i32
    %dma_start3A_6 = tpu.memref_slice %arg7[%dma_start3A, %dma_start3A_5] : memref<80x128xi32, #tpu.memory_space<vmem>> -> memref<1x128xi32, #tpu.memory_space<vmem>>
    %dma_start3A_7 = tpu.memref_squeeze %dma_start3A_6 : memref<1x128xi32, #tpu.memory_space<vmem>> -> memref<128xi32, #tpu.memory_space<vmem>>
    %dma_start3A_8 = arith.constant 0 : i32
    %dma_start3A_9 = arith.constant 0 : i32
    %dma_start3A_10 = tpu.memref_slice %arg2[%dma_start3A_8, %dma_start3A_9] : memref<10000x128xbf16, #tpu.memory_space<hbm>> -> memref<10000x128xbf16, #tpu.memory_space<hbm>>
    tpu.enqueue_indirect_dma source(%dma_start3A_10 : memref<10000x128xbf16, #tpu.memory_space<hbm>>) target(%arg9 : memref<128x128xbf16, #tpu.memory_space<vmem>>) offsets(%dma_start3A_7 : memref<128xi32, #tpu.memory_space<vmem>>) semaphore(%arg17 : memref<!tpu.dma_semaphore, #tpu.memory_space<semaphore_mem>>)
    %dma_start3A_11 = arith.constant 1 : i32
    %dma_start3A_12 = arith.constant 0 : i32
    %dma_start3A_13 = tpu.memref_slice %arg7[%dma_start3A_11, %dma_start3A_12] : memref<80x128xi32, #tpu.memory_space<vmem>> -> memref<1x128xi32, #tpu.memory_space<vmem>>
    %dma_start3A_14 = tpu.memref_squeeze %dma_start3A_13 : memref<1x128xi32, #tpu.memory_space<vmem>> -> memref<128xi32, #tpu.memory_space<vmem>>
    %dma_start3A_15 = arith.constant 0 : i32
    %dma_start3A_16 = arith.constant 0 : i32
    %dma_start3A_17 = tpu.memref_slice %arg2[%dma_start3A_15, %dma_start3A_16] : memref<10000x128xbf16, #tpu.memory_space<hbm>> -> memref<10000x128xbf16, #tpu.memory_space<hbm>>
    tpu.enqueue_indirect_dma source(%dma_start3A_17 : memref<10000x128xbf16, #tpu.memory_space<hbm>>) target(%arg10 : memref<128x128xbf16, #tpu.memory_space<vmem>>) offsets(%dma_start3A_14 : memref<128xi32, #tpu.memory_space<vmem>>) semaphore(%arg18 : memref<!tpu.dma_semaphore, #tpu.memory_space<semaphore_mem>>)
    %dma_start3A_18 = arith.constant 2 : i32
    %dma_start3A_19 = arith.constant 0 : i32
    %dma_start3A_20 = tpu.memref_slice %arg7[%dma_start3A_18, %dma_start3A_19] : memref<80x128xi32, #tpu.memory_space<vmem>> -> memref<1x128xi32, #tpu.memory_space<vmem>>
    %dma_start3A_21 = tpu.memref_squeeze %dma_start3A_20 : memref<1x128xi32, #tpu.memory_space<vmem>> -> memref<128xi32, #tpu.memory_space<vmem>>
    %dma_start3A_22 = arith.constant 0 : i32
    %dma_start3A_23 = arith.constant 0 : i32
    %dma_start3A_24 = tpu.memref_slice %arg2[%dma_start3A_22, %dma_start3A_23] : memref<10000x128xbf16, #tpu.memory_space<hbm>> -> memref<10000x128xbf16, #tpu.memory_space<hbm>>
    tpu.enqueue_indirect_dma source(%dma_start3A_24 : memref<10000x128xbf16, #tpu.memory_space<hbm>>) target(%arg11 : memref<128x128xbf16, #tpu.memory_space<vmem>>) offsets(%dma_start3A_21 : memref<128xi32, #tpu.memory_space<vmem>>) semaphore(%arg19 : memref<!tpu.dma_semaphore, #tpu.memory_space<semaphore_mem>>)
    %dma_start3A_25 = arith.constant 3 : i32
    %dma_start3A_26 = arith.constant 0 : i32
    %dma_start3A_27 = tpu.memref_slice %arg7[%dma_start3A_25, %dma_start3A_26] : memref<80x128xi32, #tpu.memory_space<vmem>> -> memref<1x128xi32, #tpu.memory_space<vmem>>
    %dma_start3A_28 = tpu.memref_squeeze %dma_start3A_27 : memref<1x128xi32, #tpu.memory_space<vmem>> -> memref<128xi32, #tpu.memory_space<vmem>>
    %dma_start3A_29 = arith.constant 0 : i32
    %dma_start3A_30 = arith.constant 0 : i32
    %dma_start3A_31 = tpu.memref_slice %arg2[%dma_start3A_29, %dma_start3A_30] : memref<10000x128xbf16, #tpu.memory_space<hbm>> -> memref<10000x128xbf16, #tpu.memory_space<hbm>>
    tpu.enqueue_indirect_dma source(%dma_start3A_31 : memref<10000x128xbf16, #tpu.memory_space<hbm>>) target(%arg12 : memref<128x128xbf16, #tpu.memory_space<vmem>>) offsets(%dma_start3A_28 : memref<128xi32, #tpu.memory_space<vmem>>) semaphore(%arg20 : memref<!tpu.dma_semaphore, #tpu.memory_space<semaphore_mem>>)
    %dma_start3A_32 = arith.constant 4 : i32
    %dma_start3A_33 = arith.constant 0 : i32
    %dma_start3A_34 = tpu.memref_slice %arg7[%dma_start3A_32, %dma_start3A_33] : memref<80x128xi32, #tpu.memory_space<vmem>> -> memref<1x128xi32, #tpu.memory_space<vmem>>
    %dma_start3A_35 = tpu.memref_squeeze %dma_start3A_34 : memref<1x128xi32, #tpu.memory_space<vmem>> -> memref<128xi32, #tpu.memory_space<vmem>>
    %dma_start3A_36 = arith.constant 0 : i32
    %dma_start3A_37 = arith.constant 0 : i32
    %dma_start3A_38 = tpu.memref_slice %arg2[%dma_start3A_36, %dma_start3A_37] : memref<10000x128xbf16, #tpu.memory_space<hbm>> -> memref<10000x128xbf16, #tpu.memory_space<hbm>>
    tpu.enqueue_indirect_dma source(%dma_start3A_38 : memref<10000x128xbf16, #tpu.memory_space<hbm>>) target(%arg13 : memref<128x128xbf16, #tpu.memory_space<vmem>>) offsets(%dma_start3A_35 : memref<128xi32, #tpu.memory_space<vmem>>) semaphore(%arg21 : memref<!tpu.dma_semaphore, #tpu.memory_space<semaphore_mem>>)
    %dma_start3A_39 = arith.constant 5 : i32
    %dma_start3A_40 = arith.constant 0 : i32
    %dma_start3A_41 = tpu.memref_slice %arg7[%dma_start3A_39, %dma_start3A_40] : memref<80x128xi32, #tpu.memory_space<vmem>> -> memref<1x128xi32, #tpu.memory_space<vmem>>
    %dma_start3A_42 = tpu.memref_squeeze %dma_start3A_41 : memref<1x128xi32, #tpu.memory_space<vmem>> -> memref<128xi32, #tpu.memory_space<vmem>>
    %dma_start3A_43 = arith.constant 0 : i32
    %dma_start3A_44 = arith.constant 0 : i32
    %dma_start3A_45 = tpu.memref_slice %arg2[%dma_start3A_43, %dma_start3A_44] : memref<10000x128xbf16, #tpu.memory_space<hbm>> -> memref<10000x128xbf16, #tpu.memory_space<hbm>>
    tpu.enqueue_indirect_dma source(%dma_start3A_45 : memref<10000x128xbf16, #tpu.memory_space<hbm>>) target(%arg14 : memref<128x128xbf16, #tpu.memory_space<vmem>>) offsets(%dma_start3A_42 : memref<128xi32, #tpu.memory_space<vmem>>) semaphore(%arg22 : memref<!tpu.dma_semaphore, #tpu.memory_space<semaphore_mem>>)
    %dma_start3A_46 = arith.constant 6 : i32
    %dma_start3A_47 = arith.constant 0 : i32
    %dma_start3A_48 = tpu.memref_slice %arg7[%dma_start3A_46, %dma_start3A_47] : memref<80x128xi32, #tpu.memory_space<vmem>> -> memref<1x128xi32, #tpu.memory_space<vmem>>
    %dma_start3A_49 = tpu.memref_squeeze %dma_start3A_48 : memref<1x128xi32, #tpu.memory_space<vmem>> -> memref<128xi32, #tpu.memory_space<vmem>>
    %dma_start3A_50 = arith.constant 0 : i32
    %dma_start3A_51 = arith.constant 0 : i32
    %dma_start3A_52 = tpu.memref_slice %arg2[%dma_start3A_50, %dma_start3A_51] : memref<10000x128xbf16, #tpu.memory_space<hbm>> -> memref<10000x128xbf16, #tpu.memory_space<hbm>>
    tpu.enqueue_indirect_dma source(%dma_start3A_52 : memref<10000x128xbf16, #tpu.memory_space<hbm>>) target(%arg15 : memref<128x128xbf16, #tpu.memory_space<vmem>>) offsets(%dma_start3A_49 : memref<128xi32, #tpu.memory_space<vmem>>) semaphore(%arg23 : memref<!tpu.dma_semaphore, #tpu.memory_space<semaphore_mem>>)
    %scan3A = arith.constant 0 : i32
    %scan3A_53 = arith.constant 10 : i32
    %scan3A_54 = arith.addi %scan3A, %scan3A_53 : i32
    %scan3A_55 = arith.constant 1 : i32
    scf.for %scan3A_68 = %scan3A to %scan3A_54 step %scan3A_55  : i32 {
      %mul3A_69 = arith.constant 8 : i32
      %mul3A_70 = arith.muli %mul3A_69, %scan3A_68 : i32
      %add3A_71 = arith.constant 0 : i32
      %add3A_72 = arith.addi %mul3A_70, %add3A_71 : i32
      %dma_wait3A_73 = arith.constant 0 : i32
      %dma_wait3A_74 = tpu.memref_slice %arg7[%add3A_72, %dma_wait3A_73] : memref<80x128xi32, #tpu.memory_space<vmem>> -> memref<1x128xi32, #tpu.memory_space<vmem>>
      %dma_wait3A_75 = tpu.memref_squeeze %dma_wait3A_74 : memref<1x128xi32, #tpu.memory_space<vmem>> -> memref<128xi32, #tpu.memory_space<vmem>>
      %dma_wait3A_76 = arith.constant 0 : i32
      %dma_wait3A_77 = arith.constant 0 : i32
      %dma_wait3A_78 = tpu.memref_slice %arg2[%dma_wait3A_76, %dma_wait3A_77] : memref<10000x128xbf16, #tpu.memory_space<hbm>> -> memref<10000x128xbf16, #tpu.memory_space<hbm>>
      tpu.wait_indirect_dma semaphore(%arg17 : memref<!tpu.dma_semaphore, #tpu.memory_space<semaphore_mem>>) src(%dma_wait3A_78 : memref<10000x128xbf16, #tpu.memory_space<hbm>>) dst(%arg9 : memref<128x128xbf16, #tpu.memory_space<vmem>>)
      %dma_start3A_79 = arith.constant 0 : i32
      %dma_start3A_80 = tpu.memref_slice %arg8[%add3A_72, %dma_start3A_79] : memref<80x128xi32, #tpu.memory_space<vmem>> -> memref<1x128xi32, #tpu.memory_space<vmem>>
      %dma_start3A_81 = tpu.memref_squeeze %dma_start3A_80 : memref<1x128xi32, #tpu.memory_space<vmem>> -> memref<128xi32, #tpu.memory_space<vmem>>
      %dma_start3A_82 = arith.constant 0 : i32
      %dma_start3A_83 = arith.constant 0 : i32
      %dma_start3A_84 = tpu.memref_slice %arg33[%dma_start3A_82, %dma_start3A_83] : memref<10240x128xbf16, #tpu.memory_space<vmem_shared>> -> memref<10240x128xbf16, #tpu.memory_space<vmem_shared>>
      tpu.enqueue_indirect_dma source(%arg9 : memref<128x128xbf16, #tpu.memory_space<vmem>>) target(%dma_start3A_84 : memref<10240x128xbf16, #tpu.memory_space<vmem_shared>>) offsets(%dma_start3A_81 : memref<128xi32, #tpu.memory_space<vmem>>) semaphore(%arg25 : memref<!tpu.dma_semaphore, #tpu.memory_space<semaphore_mem>>) {add = true}
      %ge3A = arith.constant 1 : i32
      %ge3A_85 = arith.cmpi sge, %add3A_72, %ge3A : i32
      %convert_element_type3A = arith.extui %ge3A_85 : i1 to i32
      %cond3A = arith.constant 0 : i32
      %cond3A_86 = arith.cmpi ne, %convert_element_type3A, %cond3A : i32
      scf.if %cond3A_86 {
        %dma_wait3A_289 = arith.constant 0 : i32
        %dma_wait3A_290 = tpu.memref_slice %arg8[%add3A_72, %dma_wait3A_289] : memref<80x128xi32, #tpu.memory_space<vmem>> -> memref<1x128xi32, #tpu.memory_space<vmem>>
        %dma_wait3A_291 = tpu.memref_squeeze %dma_wait3A_290 : memref<1x128xi32, #tpu.memory_space<vmem>> -> memref<128xi32, #tpu.memory_space<vmem>>
        %dma_wait3A_292 = arith.constant 0 : i32
        %dma_wait3A_293 = arith.constant 0 : i32
        %dma_wait3A_294 = tpu.memref_slice %arg33[%dma_wait3A_292, %dma_wait3A_293] : memref<10240x128xbf16, #tpu.memory_space<vmem_shared>> -> memref<10240x128xbf16, #tpu.memory_space<vmem_shared>>
        tpu.wait_indirect_dma semaphore(%arg32 : memref<!tpu.dma_semaphore, #tpu.memory_space<semaphore_mem>>) src(%arg16 : memref<128x128xbf16, #tpu.memory_space<vmem>>) dst(%dma_wait3A_294 : memref<10240x128xbf16, #tpu.memory_space<vmem_shared>>)
      } else {
      }
      %add3A_87 = arith.constant 7 : i32
      %add3A_88 = arith.addi %add3A_72, %add3A_87 : i32
      %lt3A = arith.constant 80 : i32
      %lt3A_89 = arith.cmpi slt, %add3A_88, %lt3A : i32
      %convert_element_type3A_90 = arith.extui %lt3A_89 : i1 to i32
      %cond3A_91 = arith.constant 0 : i32
      %cond3A_92 = arith.cmpi ne, %convert_element_type3A_90, %cond3A_91 : i32
      scf.if %cond3A_92 {
        %add3A_289 = arith.constant 7 : i32
        %add3A_290 = arith.addi %add3A_72, %add3A_289 : i32
        %dma_start3A_291 = arith.constant 0 : i32
        %dma_start3A_292 = tpu.memref_slice %arg7[%add3A_290, %dma_start3A_291] : memref<80x128xi32, #tpu.memory_space<vmem>> -> memref<1x128xi32, #tpu.memory_space<vmem>>
        %dma_start3A_293 = tpu.memref_squeeze %dma_start3A_292 : memref<1x128xi32, #tpu.memory_space<vmem>> -> memref<128xi32, #tpu.memory_space<vmem>>
        %dma_start3A_294 = arith.constant 0 : i32
        %dma_start3A_295 = arith.constant 0 : i32
        %dma_start3A_296 = tpu.memref_slice %arg2[%dma_start3A_294, %dma_start3A_295] : memref<10000x128xbf16, #tpu.memory_space<hbm>> -> memref<10000x128xbf16, #tpu.memory_space<hbm>>
        tpu.enqueue_indirect_dma source(%dma_start3A_296 : memref<10000x128xbf16, #tpu.memory_space<hbm>>) target(%arg16 : memref<128x128xbf16, #tpu.memory_space<vmem>>) offsets(%dma_start3A_293 : memref<128xi32, #tpu.memory_space<vmem>>) semaphore(%arg24 : memref<!tpu.dma_semaphore, #tpu.memory_space<semaphore_mem>>)
      } else {
      }
      %mul3A_93 = arith.constant 8 : i32
      %mul3A_94 = arith.muli %mul3A_93, %scan3A_68 : i32
      %add3A_95 = arith.constant 1 : i32
      %add3A_96 = arith.addi %mul3A_94, %add3A_95 : i32
      %dma_wait3A_97 = arith.constant 0 : i32
      %dma_wait3A_98 = tpu.memref_slice %arg7[%add3A_96, %dma_wait3A_97] : memref<80x128xi32, #tpu.memory_space<vmem>> -> memref<1x128xi32, #tpu.memory_space<vmem>>
      %dma_wait3A_99 = tpu.memref_squeeze %dma_wait3A_98 : memref<1x128xi32, #tpu.memory_space<vmem>> -> memref<128xi32, #tpu.memory_space<vmem>>
      %dma_wait3A_100 = arith.constant 0 : i32
      %dma_wait3A_101 = arith.constant 0 : i32
      %dma_wait3A_102 = tpu.memref_slice %arg2[%dma_wait3A_100, %dma_wait3A_101] : memref<10000x128xbf16, #tpu.memory_space<hbm>> -> memref<10000x128xbf16, #tpu.memory_space<hbm>>
      tpu.wait_indirect_dma semaphore(%arg18 : memref<!tpu.dma_semaphore, #tpu.memory_space<semaphore_mem>>) src(%dma_wait3A_102 : memref<10000x128xbf16, #tpu.memory_space<hbm>>) dst(%arg10 : memref<128x128xbf16, #tpu.memory_space<vmem>>)
      %dma_start3A_103 = arith.constant 0 : i32
      %dma_start3A_104 = tpu.memref_slice %arg8[%add3A_96, %dma_start3A_103] : memref<80x128xi32, #tpu.memory_space<vmem>> -> memref<1x128xi32, #tpu.memory_space<vmem>>
      %dma_start3A_105 = tpu.memref_squeeze %dma_start3A_104 : memref<1x128xi32, #tpu.memory_space<vmem>> -> memref<128xi32, #tpu.memory_space<vmem>>
      %dma_start3A_106 = arith.constant 0 : i32
      %dma_start3A_107 = arith.constant 0 : i32
      %dma_start3A_108 = tpu.memref_slice %arg33[%dma_start3A_106, %dma_start3A_107] : memref<10240x128xbf16, #tpu.memory_space<vmem_shared>> -> memref<10240x128xbf16, #tpu.memory_space<vmem_shared>>
      tpu.enqueue_indirect_dma source(%arg10 : memref<128x128xbf16, #tpu.memory_space<vmem>>) target(%dma_start3A_108 : memref<10240x128xbf16, #tpu.memory_space<vmem_shared>>) offsets(%dma_start3A_105 : memref<128xi32, #tpu.memory_space<vmem>>) semaphore(%arg26 : memref<!tpu.dma_semaphore, #tpu.memory_space<semaphore_mem>>) {add = true}
      %ge3A_109 = arith.constant 1 : i32
      %ge3A_110 = arith.cmpi sge, %add3A_96, %ge3A_109 : i32
      %convert_element_type3A_111 = arith.extui %ge3A_110 : i1 to i32
      %cond3A_112 = arith.constant 0 : i32
      %cond3A_113 = arith.cmpi ne, %convert_element_type3A_111, %cond3A_112 : i32
      scf.if %cond3A_113 {
        %dma_wait3A_289 = arith.constant 0 : i32
        %dma_wait3A_290 = tpu.memref_slice %arg8[%add3A_96, %dma_wait3A_289] : memref<80x128xi32, #tpu.memory_space<vmem>> -> memref<1x128xi32, #tpu.memory_space<vmem>>
        %dma_wait3A_291 = tpu.memref_squeeze %dma_wait3A_290 : memref<1x128xi32, #tpu.memory_space<vmem>> -> memref<128xi32, #tpu.memory_space<vmem>>
        %dma_wait3A_292 = arith.constant 0 : i32
        %dma_wait3A_293 = arith.constant 0 : i32
        %dma_wait3A_294 = tpu.memref_slice %arg33[%dma_wait3A_292, %dma_wait3A_293] : memref<10240x128xbf16, #tpu.memory_space<vmem_shared>> -> memref<10240x128xbf16, #tpu.memory_space<vmem_shared>>
        tpu.wait_indirect_dma semaphore(%arg25 : memref<!tpu.dma_semaphore, #tpu.memory_space<semaphore_mem>>) src(%arg9 : memref<128x128xbf16, #tpu.memory_space<vmem>>) dst(%dma_wait3A_294 : memref<10240x128xbf16, #tpu.memory_space<vmem_shared>>)
      } else {
      }
      %add3A_114 = arith.constant 7 : i32
      %add3A_115 = arith.addi %add3A_96, %add3A_114 : i32
      %lt3A_116 = arith.constant 80 : i32
      %lt3A_117 = arith.cmpi slt, %add3A_115, %lt3A_116 : i32
      %convert_element_type3A_118 = arith.extui %lt3A_117 : i1 to i32
      %cond3A_119 = arith.constant 0 : i32
      %cond3A_120 = arith.cmpi ne, %convert_element_type3A_118, %cond3A_119 : i32
      scf.if %cond3A_120 {
        %add3A_289 = arith.constant 7 : i32
        %add3A_290 = arith.addi %add3A_96, %add3A_289 : i32
        %dma_start3A_291 = arith.constant 0 : i32
        %dma_start3A_292 = tpu.memref_slice %arg7[%add3A_290, %dma_start3A_291] : memref<80x128xi32, #tpu.memory_space<vmem>> -> memref<1x128xi32, #tpu.memory_space<vmem>>
        %dma_start3A_293 = tpu.memref_squeeze %dma_start3A_292 : memref<1x128xi32, #tpu.memory_space<vmem>> -> memref<128xi32, #tpu.memory_space<vmem>>
        %dma_start3A_294 = arith.constant 0 : i32
        %dma_start3A_295 = arith.constant 0 : i32
        %dma_start3A_296 = tpu.memref_slice %arg2[%dma_start3A_294, %dma_start3A_295] : memref<10000x128xbf16, #tpu.memory_space<hbm>> -> memref<10000x128xbf16, #tpu.memory_space<hbm>>
        tpu.enqueue_indirect_dma source(%dma_start3A_296 : memref<10000x128xbf16, #tpu.memory_space<hbm>>) target(%arg9 : memref<128x128xbf16, #tpu.memory_space<vmem>>) offsets(%dma_start3A_293 : memref<128xi32, #tpu.memory_space<vmem>>) semaphore(%arg17 : memref<!tpu.dma_semaphore, #tpu.memory_space<semaphore_mem>>)
      } else {
      }
      %mul3A_121 = arith.constant 8 : i32
      %mul3A_122 = arith.muli %mul3A_121, %scan3A_68 : i32
      %add3A_123 = arith.constant 2 : i32
      %add3A_124 = arith.addi %mul3A_122, %add3A_123 : i32
      %dma_wait3A_125 = arith.constant 0 : i32
      %dma_wait3A_126 = tpu.memref_slice %arg7[%add3A_124, %dma_wait3A_125] : memref<80x128xi32, #tpu.memory_space<vmem>> -> memref<1x128xi32, #tpu.memory_space<vmem>>
      %dma_wait3A_127 = tpu.memref_squeeze %dma_wait3A_126 : memref<1x128xi32, #tpu.memory_space<vmem>> -> memref<128xi32, #tpu.memory_space<vmem>>
      %dma_wait3A_128 = arith.constant 0 : i32
      %dma_wait3A_129 = arith.constant 0 : i32
      %dma_wait3A_130 = tpu.memref_slice %arg2[%dma_wait3A_128, %dma_wait3A_129] : memref<10000x128xbf16, #tpu.memory_space<hbm>> -> memref<10000x128xbf16, #tpu.memory_space<hbm>>
      tpu.wait_indirect_dma semaphore(%arg19 : memref<!tpu.dma_semaphore, #tpu.memory_space<semaphore_mem>>) src(%dma_wait3A_130 : memref<10000x128xbf16, #tpu.memory_space<hbm>>) dst(%arg11 : memref<128x128xbf16, #tpu.memory_space<vmem>>)
      %dma_start3A_131 = arith.constant 0 : i32
      %dma_start3A_132 = tpu.memref_slice %arg8[%add3A_124, %dma_start3A_131] : memref<80x128xi32, #tpu.memory_space<vmem>> -> memref<1x128xi32, #tpu.memory_space<vmem>>
      %dma_start3A_133 = tpu.memref_squeeze %dma_start3A_132 : memref<1x128xi32, #tpu.memory_space<vmem>> -> memref<128xi32, #tpu.memory_space<vmem>>
      %dma_start3A_134 = arith.constant 0 : i32
      %dma_start3A_135 = arith.constant 0 : i32
      %dma_start3A_136 = tpu.memref_slice %arg33[%dma_start3A_134, %dma_start3A_135] : memref<10240x128xbf16, #tpu.memory_space<vmem_shared>> -> memref<10240x128xbf16, #tpu.memory_space<vmem_shared>>
      tpu.enqueue_indirect_dma source(%arg11 : memref<128x128xbf16, #tpu.memory_space<vmem>>) target(%dma_start3A_136 : memref<10240x128xbf16, #tpu.memory_space<vmem_shared>>) offsets(%dma_start3A_133 : memref<128xi32, #tpu.memory_space<vmem>>) semaphore(%arg27 : memref<!tpu.dma_semaphore, #tpu.memory_space<semaphore_mem>>) {add = true}
      %ge3A_137 = arith.constant 1 : i32
      %ge3A_138 = arith.cmpi sge, %add3A_124, %ge3A_137 : i32
      %convert_element_type3A_139 = arith.extui %ge3A_138 : i1 to i32
      %cond3A_140 = arith.constant 0 : i32
      %cond3A_141 = arith.cmpi ne, %convert_element_type3A_139, %cond3A_140 : i32
      scf.if %cond3A_141 {
        %dma_wait3A_289 = arith.constant 0 : i32
        %dma_wait3A_290 = tpu.memref_slice %arg8[%add3A_124, %dma_wait3A_289] : memref<80x128xi32, #tpu.memory_space<vmem>> -> memref<1x128xi32, #tpu.memory_space<vmem>>
        %dma_wait3A_291 = tpu.memref_squeeze %dma_wait3A_290 : memref<1x128xi32, #tpu.memory_space<vmem>> -> memref<128xi32, #tpu.memory_space<vmem>>
        %dma_wait3A_292 = arith.constant 0 : i32
        %dma_wait3A_293 = arith.constant 0 : i32
        %dma_wait3A_294 = tpu.memref_slice %arg33[%dma_wait3A_292, %dma_wait3A_293] : memref<10240x128xbf16, #tpu.memory_space<vmem_shared>> -> memref<10240x128xbf16, #tpu.memory_space<vmem_shared>>
        tpu.wait_indirect_dma semaphore(%arg26 : memref<!tpu.dma_semaphore, #tpu.memory_space<semaphore_mem>>) src(%arg10 : memref<128x128xbf16, #tpu.memory_space<vmem>>) dst(%dma_wait3A_294 : memref<10240x128xbf16, #tpu.memory_space<vmem_shared>>)
      } else {
      }
      %add3A_142 = arith.constant 7 : i32
      %add3A_143 = arith.addi %add3A_124, %add3A_142 : i32
      %lt3A_144 = arith.constant 80 : i32
      %lt3A_145 = arith.cmpi slt, %add3A_143, %lt3A_144 : i32
      %convert_element_type3A_146 = arith.extui %lt3A_145 : i1 to i32
      %cond3A_147 = arith.constant 0 : i32
      %cond3A_148 = arith.cmpi ne, %convert_element_type3A_146, %cond3A_147 : i32
      scf.if %cond3A_148 {
        %add3A_289 = arith.constant 7 : i32
        %add3A_290 = arith.addi %add3A_124, %add3A_289 : i32
        %dma_start3A_291 = arith.constant 0 : i32
        %dma_start3A_292 = tpu.memref_slice %arg7[%add3A_290, %dma_start3A_291] : memref<80x128xi32, #tpu.memory_space<vmem>> -> memref<1x128xi32, #tpu.memory_space<vmem>>
        %dma_start3A_293 = tpu.memref_squeeze %dma_start3A_292 : memref<1x128xi32, #tpu.memory_space<vmem>> -> memref<128xi32, #tpu.memory_space<vmem>>
        %dma_start3A_294 = arith.constant 0 : i32
        %dma_start3A_295 = arith.constant 0 : i32
        %dma_start3A_296 = tpu.memref_slice %arg2[%dma_start3A_294, %dma_start3A_295] : memref<10000x128xbf16, #tpu.memory_space<hbm>> -> memref<10000x128xbf16, #tpu.memory_space<hbm>>
        tpu.enqueue_indirect_dma source(%dma_start3A_296 : memref<10000x128xbf16, #tpu.memory_space<hbm>>) target(%arg10 : memref<128x128xbf16, #tpu.memory_space<vmem>>) offsets(%dma_start3A_293 : memref<128xi32, #tpu.memory_space<vmem>>) semaphore(%arg18 : memref<!tpu.dma_semaphore, #tpu.memory_space<semaphore_mem>>)
      } else {
      }
      %mul3A_149 = arith.constant 8 : i32
      %mul3A_150 = arith.muli %mul3A_149, %scan3A_68 : i32
      %add3A_151 = arith.constant 3 : i32
      %add3A_152 = arith.addi %mul3A_150, %add3A_151 : i32
      %dma_wait3A_153 = arith.constant 0 : i32
      %dma_wait3A_154 = tpu.memref_slice %arg7[%add3A_152, %dma_wait3A_153] : memref<80x128xi32, #tpu.memory_space<vmem>> -> memref<1x128xi32, #tpu.memory_space<vmem>>
      %dma_wait3A_155 = tpu.memref_squeeze %dma_wait3A_154 : memref<1x128xi32, #tpu.memory_space<vmem>> -> memref<128xi32, #tpu.memory_space<vmem>>
      %dma_wait3A_156 = arith.constant 0 : i32
      %dma_wait3A_157 = arith.constant 0 : i32
      %dma_wait3A_158 = tpu.memref_slice %arg2[%dma_wait3A_156, %dma_wait3A_157] : memref<10000x128xbf16, #tpu.memory_space<hbm>> -> memref<10000x128xbf16, #tpu.memory_space<hbm>>
      tpu.wait_indirect_dma semaphore(%arg20 : memref<!tpu.dma_semaphore, #tpu.memory_space<semaphore_mem>>) src(%dma_wait3A_158 : memref<10000x128xbf16, #tpu.memory_space<hbm>>) dst(%arg12 : memref<128x128xbf16, #tpu.memory_space<vmem>>)
      %dma_start3A_159 = arith.constant 0 : i32
      %dma_start3A_160 = tpu.memref_slice %arg8[%add3A_152, %dma_start3A_159] : memref<80x128xi32, #tpu.memory_space<vmem>> -> memref<1x128xi32, #tpu.memory_space<vmem>>
      %dma_start3A_161 = tpu.memref_squeeze %dma_start3A_160 : memref<1x128xi32, #tpu.memory_space<vmem>> -> memref<128xi32, #tpu.memory_space<vmem>>
      %dma_start3A_162 = arith.constant 0 : i32
      %dma_start3A_163 = arith.constant 0 : i32
      %dma_start3A_164 = tpu.memref_slice %arg33[%dma_start3A_162, %dma_start3A_163] : memref<10240x128xbf16, #tpu.memory_space<vmem_shared>> -> memref<10240x128xbf16, #tpu.memory_space<vmem_shared>>
      tpu.enqueue_indirect_dma source(%arg12 : memref<128x128xbf16, #tpu.memory_space<vmem>>) target(%dma_start3A_164 : memref<10240x128xbf16, #tpu.memory_space<vmem_shared>>) offsets(%dma_start3A_161 : memref<128xi32, #tpu.memory_space<vmem>>) semaphore(%arg28 : memref<!tpu.dma_semaphore, #tpu.memory_space<semaphore_mem>>) {add = true}
      %ge3A_165 = arith.constant 1 : i32
      %ge3A_166 = arith.cmpi sge, %add3A_152, %ge3A_165 : i32
      %convert_element_type3A_167 = arith.extui %ge3A_166 : i1 to i32
      %cond3A_168 = arith.constant 0 : i32
      %cond3A_169 = arith.cmpi ne, %convert_element_type3A_167, %cond3A_168 : i32
      scf.if %cond3A_169 {
        %dma_wait3A_289 = arith.constant 0 : i32
        %dma_wait3A_290 = tpu.memref_slice %arg8[%add3A_152, %dma_wait3A_289] : memref<80x128xi32, #tpu.memory_space<vmem>> -> memref<1x128xi32, #tpu.memory_space<vmem>>
        %dma_wait3A_291 = tpu.memref_squeeze %dma_wait3A_290 : memref<1x128xi32, #tpu.memory_space<vmem>> -> memref<128xi32, #tpu.memory_space<vmem>>
        %dma_wait3A_292 = arith.constant 0 : i32
        %dma_wait3A_293 = arith.constant 0 : i32
        %dma_wait3A_294 = tpu.memref_slice %arg33[%dma_wait3A_292, %dma_wait3A_293] : memref<10240x128xbf16, #tpu.memory_space<vmem_shared>> -> memref<10240x128xbf16, #tpu.memory_space<vmem_shared>>
        tpu.wait_indirect_dma semaphore(%arg27 : memref<!tpu.dma_semaphore, #tpu.memory_space<semaphore_mem>>) src(%arg11 : memref<128x128xbf16, #tpu.memory_space<vmem>>) dst(%dma_wait3A_294 : memref<10240x128xbf16, #tpu.memory_space<vmem_shared>>)
      } else {
      }
      %add3A_170 = arith.constant 7 : i32
      %add3A_171 = arith.addi %add3A_152, %add3A_170 : i32
      %lt3A_172 = arith.constant 80 : i32
      %lt3A_173 = arith.cmpi slt, %add3A_171, %lt3A_172 : i32
      %convert_element_type3A_174 = arith.extui %lt3A_173 : i1 to i32
      %cond3A_175 = arith.constant 0 : i32
      %cond3A_176 = arith.cmpi ne, %convert_element_type3A_174, %cond3A_175 : i32
      scf.if %cond3A_176 {
        %add3A_289 = arith.constant 7 : i32
        %add3A_290 = arith.addi %add3A_152, %add3A_289 : i32
        %dma_start3A_291 = arith.constant 0 : i32
        %dma_start3A_292 = tpu.memref_slice %arg7[%add3A_290, %dma_start3A_291] : memref<80x128xi32, #tpu.memory_space<vmem>> -> memref<1x128xi32, #tpu.memory_space<vmem>>
        %dma_start3A_293 = tpu.memref_squeeze %dma_start3A_292 : memref<1x128xi32, #tpu.memory_space<vmem>> -> memref<128xi32, #tpu.memory_space<vmem>>
        %dma_start3A_294 = arith.constant 0 : i32
        %dma_start3A_295 = arith.constant 0 : i32
        %dma_start3A_296 = tpu.memref_slice %arg2[%dma_start3A_294, %dma_start3A_295] : memref<10000x128xbf16, #tpu.memory_space<hbm>> -> memref<10000x128xbf16, #tpu.memory_space<hbm>>
        tpu.enqueue_indirect_dma source(%dma_start3A_296 : memref<10000x128xbf16, #tpu.memory_space<hbm>>) target(%arg11 : memref<128x128xbf16, #tpu.memory_space<vmem>>) offsets(%dma_start3A_293 : memref<128xi32, #tpu.memory_space<vmem>>) semaphore(%arg19 : memref<!tpu.dma_semaphore, #tpu.memory_space<semaphore_mem>>)
      } else {
      }
      %mul3A_177 = arith.constant 8 : i32
      %mul3A_178 = arith.muli %mul3A_177, %scan3A_68 : i32
      %add3A_179 = arith.constant 4 : i32
      %add3A_180 = arith.addi %mul3A_178, %add3A_179 : i32
      %dma_wait3A_181 = arith.constant 0 : i32
      %dma_wait3A_182 = tpu.memref_slice %arg7[%add3A_180, %dma_wait3A_181] : memref<80x128xi32, #tpu.memory_space<vmem>> -> memref<1x128xi32, #tpu.memory_space<vmem>>
      %dma_wait3A_183 = tpu.memref_squeeze %dma_wait3A_182 : memref<1x128xi32, #tpu.memory_space<vmem>> -> memref<128xi32, #tpu.memory_space<vmem>>
      %dma_wait3A_184 = arith.constant 0 : i32
      %dma_wait3A_185 = arith.constant 0 : i32
      %dma_wait3A_186 = tpu.memref_slice %arg2[%dma_wait3A_184, %dma_wait3A_185] : memref<10000x128xbf16, #tpu.memory_space<hbm>> -> memref<10000x128xbf16, #tpu.memory_space<hbm>>
      tpu.wait_indirect_dma semaphore(%arg21 : memref<!tpu.dma_semaphore, #tpu.memory_space<semaphore_mem>>) src(%dma_wait3A_186 : memref<10000x128xbf16, #tpu.memory_space<hbm>>) dst(%arg13 : memref<128x128xbf16, #tpu.memory_space<vmem>>)
      %dma_start3A_187 = arith.constant 0 : i32
      %dma_start3A_188 = tpu.memref_slice %arg8[%add3A_180, %dma_start3A_187] : memref<80x128xi32, #tpu.memory_space<vmem>> -> memref<1x128xi32, #tpu.memory_space<vmem>>
      %dma_start3A_189 = tpu.memref_squeeze %dma_start3A_188 : memref<1x128xi32, #tpu.memory_space<vmem>> -> memref<128xi32, #tpu.memory_space<vmem>>
      %dma_start3A_190 = arith.constant 0 : i32
      %dma_start3A_191 = arith.constant 0 : i32
      %dma_start3A_192 = tpu.memref_slice %arg33[%dma_start3A_190, %dma_start3A_191] : memref<10240x128xbf16, #tpu.memory_space<vmem_shared>> -> memref<10240x128xbf16, #tpu.memory_space<vmem_shared>>
      tpu.enqueue_indirect_dma source(%arg13 : memref<128x128xbf16, #tpu.memory_space<vmem>>) target(%dma_start3A_192 : memref<10240x128xbf16, #tpu.memory_space<vmem_shared>>) offsets(%dma_start3A_189 : memref<128xi32, #tpu.memory_space<vmem>>) semaphore(%arg29 : memref<!tpu.dma_semaphore, #tpu.memory_space<semaphore_mem>>) {add = true}
      %ge3A_193 = arith.constant 1 : i32
      %ge3A_194 = arith.cmpi sge, %add3A_180, %ge3A_193 : i32
      %convert_element_type3A_195 = arith.extui %ge3A_194 : i1 to i32
      %cond3A_196 = arith.constant 0 : i32
      %cond3A_197 = arith.cmpi ne, %convert_element_type3A_195, %cond3A_196 : i32
      scf.if %cond3A_197 {
        %dma_wait3A_289 = arith.constant 0 : i32
        %dma_wait3A_290 = tpu.memref_slice %arg8[%add3A_180, %dma_wait3A_289] : memref<80x128xi32, #tpu.memory_space<vmem>> -> memref<1x128xi32, #tpu.memory_space<vmem>>
        %dma_wait3A_291 = tpu.memref_squeeze %dma_wait3A_290 : memref<1x128xi32, #tpu.memory_space<vmem>> -> memref<128xi32, #tpu.memory_space<vmem>>
        %dma_wait3A_292 = arith.constant 0 : i32
        %dma_wait3A_293 = arith.constant 0 : i32
        %dma_wait3A_294 = tpu.memref_slice %arg33[%dma_wait3A_292, %dma_wait3A_293] : memref<10240x128xbf16, #tpu.memory_space<vmem_shared>> -> memref<10240x128xbf16, #tpu.memory_space<vmem_shared>>
        tpu.wait_indirect_dma semaphore(%arg28 : memref<!tpu.dma_semaphore, #tpu.memory_space<semaphore_mem>>) src(%arg12 : memref<128x128xbf16, #tpu.memory_space<vmem>>) dst(%dma_wait3A_294 : memref<10240x128xbf16, #tpu.memory_space<vmem_shared>>)
      } else {
      }
      %add3A_198 = arith.constant 7 : i32
      %add3A_199 = arith.addi %add3A_180, %add3A_198 : i32
      %lt3A_200 = arith.constant 80 : i32
      %lt3A_201 = arith.cmpi slt, %add3A_199, %lt3A_200 : i32
      %convert_element_type3A_202 = arith.extui %lt3A_201 : i1 to i32
      %cond3A_203 = arith.constant 0 : i32
      %cond3A_204 = arith.cmpi ne, %convert_element_type3A_202, %cond3A_203 : i32
      scf.if %cond3A_204 {
        %add3A_289 = arith.constant 7 : i32
        %add3A_290 = arith.addi %add3A_180, %add3A_289 : i32
        %dma_start3A_291 = arith.constant 0 : i32
        %dma_start3A_292 = tpu.memref_slice %arg7[%add3A_290, %dma_start3A_291] : memref<80x128xi32, #tpu.memory_space<vmem>> -> memref<1x128xi32, #tpu.memory_space<vmem>>
        %dma_start3A_293 = tpu.memref_squeeze %dma_start3A_292 : memref<1x128xi32, #tpu.memory_space<vmem>> -> memref<128xi32, #tpu.memory_space<vmem>>
        %dma_start3A_294 = arith.constant 0 : i32
        %dma_start3A_295 = arith.constant 0 : i32
        %dma_start3A_296 = tpu.memref_slice %arg2[%dma_start3A_294, %dma_start3A_295] : memref<10000x128xbf16, #tpu.memory_space<hbm>> -> memref<10000x128xbf16, #tpu.memory_space<hbm>>
        tpu.enqueue_indirect_dma source(%dma_start3A_296 : memref<10000x128xbf16, #tpu.memory_space<hbm>>) target(%arg12 : memref<128x128xbf16, #tpu.memory_space<vmem>>) offsets(%dma_start3A_293 : memref<128xi32, #tpu.memory_space<vmem>>) semaphore(%arg20 : memref<!tpu.dma_semaphore, #tpu.memory_space<semaphore_mem>>)
      } else {
      }
      %mul3A_205 = arith.constant 8 : i32
      %mul3A_206 = arith.muli %mul3A_205, %scan3A_68 : i32
      %add3A_207 = arith.constant 5 : i32
      %add3A_208 = arith.addi %mul3A_206, %add3A_207 : i32
      %dma_wait3A_209 = arith.constant 0 : i32
      %dma_wait3A_210 = tpu.memref_slice %arg7[%add3A_208, %dma_wait3A_209] : memref<80x128xi32, #tpu.memory_space<vmem>> -> memref<1x128xi32, #tpu.memory_space<vmem>>
      %dma_wait3A_211 = tpu.memref_squeeze %dma_wait3A_210 : memref<1x128xi32, #tpu.memory_space<vmem>> -> memref<128xi32, #tpu.memory_space<vmem>>
      %dma_wait3A_212 = arith.constant 0 : i32
      %dma_wait3A_213 = arith.constant 0 : i32
      %dma_wait3A_214 = tpu.memref_slice %arg2[%dma_wait3A_212, %dma_wait3A_213] : memref<10000x128xbf16, #tpu.memory_space<hbm>> -> memref<10000x128xbf16, #tpu.memory_space<hbm>>
      tpu.wait_indirect_dma semaphore(%arg22 : memref<!tpu.dma_semaphore, #tpu.memory_space<semaphore_mem>>) src(%dma_wait3A_214 : memref<10000x128xbf16, #tpu.memory_space<hbm>>) dst(%arg14 : memref<128x128xbf16, #tpu.memory_space<vmem>>)
      %dma_start3A_215 = arith.constant 0 : i32
      %dma_start3A_216 = tpu.memref_slice %arg8[%add3A_208, %dma_start3A_215] : memref<80x128xi32, #tpu.memory_space<vmem>> -> memref<1x128xi32, #tpu.memory_space<vmem>>
      %dma_start3A_217 = tpu.memref_squeeze %dma_start3A_216 : memref<1x128xi32, #tpu.memory_space<vmem>> -> memref<128xi32, #tpu.memory_space<vmem>>
      %dma_start3A_218 = arith.constant 0 : i32
      %dma_start3A_219 = arith.constant 0 : i32
      %dma_start3A_220 = tpu.memref_slice %arg33[%dma_start3A_218, %dma_start3A_219] : memref<10240x128xbf16, #tpu.memory_space<vmem_shared>> -> memref<10240x128xbf16, #tpu.memory_space<vmem_shared>>
      tpu.enqueue_indirect_dma source(%arg14 : memref<128x128xbf16, #tpu.memory_space<vmem>>) target(%dma_start3A_220 : memref<10240x128xbf16, #tpu.memory_space<vmem_shared>>) offsets(%dma_start3A_217 : memref<128xi32, #tpu.memory_space<vmem>>) semaphore(%arg30 : memref<!tpu.dma_semaphore, #tpu.memory_space<semaphore_mem>>) {add = true}
      %ge3A_221 = arith.constant 1 : i32
      %ge3A_222 = arith.cmpi sge, %add3A_208, %ge3A_221 : i32
      %convert_element_type3A_223 = arith.extui %ge3A_222 : i1 to i32
      %cond3A_224 = arith.constant 0 : i32
      %cond3A_225 = arith.cmpi ne, %convert_element_type3A_223, %cond3A_224 : i32
      scf.if %cond3A_225 {
        %dma_wait3A_289 = arith.constant 0 : i32
        %dma_wait3A_290 = tpu.memref_slice %arg8[%add3A_208, %dma_wait3A_289] : memref<80x128xi32, #tpu.memory_space<vmem>> -> memref<1x128xi32, #tpu.memory_space<vmem>>
        %dma_wait3A_291 = tpu.memref_squeeze %dma_wait3A_290 : memref<1x128xi32, #tpu.memory_space<vmem>> -> memref<128xi32, #tpu.memory_space<vmem>>
        %dma_wait3A_292 = arith.constant 0 : i32
        %dma_wait3A_293 = arith.constant 0 : i32
        %dma_wait3A_294 = tpu.memref_slice %arg33[%dma_wait3A_292, %dma_wait3A_293] : memref<10240x128xbf16, #tpu.memory_space<vmem_shared>> -> memref<10240x128xbf16, #tpu.memory_space<vmem_shared>>
        tpu.wait_indirect_dma semaphore(%arg29 : memref<!tpu.dma_semaphore, #tpu.memory_space<semaphore_mem>>) src(%arg13 : memref<128x128xbf16, #tpu.memory_space<vmem>>) dst(%dma_wait3A_294 : memref<10240x128xbf16, #tpu.memory_space<vmem_shared>>)
      } else {
      }
      %add3A_226 = arith.constant 7 : i32
      %add3A_227 = arith.addi %add3A_208, %add3A_226 : i32
      %lt3A_228 = arith.constant 80 : i32
      %lt3A_229 = arith.cmpi slt, %add3A_227, %lt3A_228 : i32
      %convert_element_type3A_230 = arith.extui %lt3A_229 : i1 to i32
      %cond3A_231 = arith.constant 0 : i32
      %cond3A_232 = arith.cmpi ne, %convert_element_type3A_230, %cond3A_231 : i32
      scf.if %cond3A_232 {
        %add3A_289 = arith.constant 7 : i32
        %add3A_290 = arith.addi %add3A_208, %add3A_289 : i32
        %dma_start3A_291 = arith.constant 0 : i32
        %dma_start3A_292 = tpu.memref_slice %arg7[%add3A_290, %dma_start3A_291] : memref<80x128xi32, #tpu.memory_space<vmem>> -> memref<1x128xi32, #tpu.memory_space<vmem>>
        %dma_start3A_293 = tpu.memref_squeeze %dma_start3A_292 : memref<1x128xi32, #tpu.memory_space<vmem>> -> memref<128xi32, #tpu.memory_space<vmem>>
        %dma_start3A_294 = arith.constant 0 : i32
        %dma_start3A_295 = arith.constant 0 : i32
        %dma_start3A_296 = tpu.memref_slice %arg2[%dma_start3A_294, %dma_start3A_295] : memref<10000x128xbf16, #tpu.memory_space<hbm>> -> memref<10000x128xbf16, #tpu.memory_space<hbm>>
        tpu.enqueue_indirect_dma source(%dma_start3A_296 : memref<10000x128xbf16, #tpu.memory_space<hbm>>) target(%arg13 : memref<128x128xbf16, #tpu.memory_space<vmem>>) offsets(%dma_start3A_293 : memref<128xi32, #tpu.memory_space<vmem>>) semaphore(%arg21 : memref<!tpu.dma_semaphore, #tpu.memory_space<semaphore_mem>>)
      } else {
      }
      %mul3A_233 = arith.constant 8 : i32
      %mul3A_234 = arith.muli %mul3A_233, %scan3A_68 : i32
      %add3A_235 = arith.constant 6 : i32
      %add3A_236 = arith.addi %mul3A_234, %add3A_235 : i32
      %dma_wait3A_237 = arith.constant 0 : i32
      %dma_wait3A_238 = tpu.memref_slice %arg7[%add3A_236, %dma_wait3A_237] : memref<80x128xi32, #tpu.memory_space<vmem>> -> memref<1x128xi32, #tpu.memory_space<vmem>>
      %dma_wait3A_239 = tpu.memref_squeeze %dma_wait3A_238 : memref<1x128xi32, #tpu.memory_space<vmem>> -> memref<128xi32, #tpu.memory_space<vmem>>
      %dma_wait3A_240 = arith.constant 0 : i32
      %dma_wait3A_241 = arith.constant 0 : i32
      %dma_wait3A_242 = tpu.memref_slice %arg2[%dma_wait3A_240, %dma_wait3A_241] : memref<10000x128xbf16, #tpu.memory_space<hbm>> -> memref<10000x128xbf16, #tpu.memory_space<hbm>>
      tpu.wait_indirect_dma semaphore(%arg23 : memref<!tpu.dma_semaphore, #tpu.memory_space<semaphore_mem>>) src(%dma_wait3A_242 : memref<10000x128xbf16, #tpu.memory_space<hbm>>) dst(%arg15 : memref<128x128xbf16, #tpu.memory_space<vmem>>)
      %dma_start3A_243 = arith.constant 0 : i32
      %dma_start3A_244 = tpu.memref_slice %arg8[%add3A_236, %dma_start3A_243] : memref<80x128xi32, #tpu.memory_space<vmem>> -> memref<1x128xi32, #tpu.memory_space<vmem>>
      %dma_start3A_245 = tpu.memref_squeeze %dma_start3A_244 : memref<1x128xi32, #tpu.memory_space<vmem>> -> memref<128xi32, #tpu.memory_space<vmem>>
      %dma_start3A_246 = arith.constant 0 : i32
      %dma_start3A_247 = arith.constant 0 : i32
      %dma_start3A_248 = tpu.memref_slice %arg33[%dma_start3A_246, %dma_start3A_247] : memref<10240x128xbf16, #tpu.memory_space<vmem_shared>> -> memref<10240x128xbf16, #tpu.memory_space<vmem_shared>>
      tpu.enqueue_indirect_dma source(%arg15 : memref<128x128xbf16, #tpu.memory_space<vmem>>) target(%dma_start3A_248 : memref<10240x128xbf16, #tpu.memory_space<vmem_shared>>) offsets(%dma_start3A_245 : memref<128xi32, #tpu.memory_space<vmem>>) semaphore(%arg31 : memref<!tpu.dma_semaphore, #tpu.memory_space<semaphore_mem>>) {add = true}
      %ge3A_249 = arith.constant 1 : i32
      %ge3A_250 = arith.cmpi sge, %add3A_236, %ge3A_249 : i32
      %convert_element_type3A_251 = arith.extui %ge3A_250 : i1 to i32
      %cond3A_252 = arith.constant 0 : i32
      %cond3A_253 = arith.cmpi ne, %convert_element_type3A_251, %cond3A_252 : i32
      scf.if %cond3A_253 {
        %dma_wait3A_289 = arith.constant 0 : i32
        %dma_wait3A_290 = tpu.memref_slice %arg8[%add3A_236, %dma_wait3A_289] : memref<80x128xi32, #tpu.memory_space<vmem>> -> memref<1x128xi32, #tpu.memory_space<vmem>>
        %dma_wait3A_291 = tpu.memref_squeeze %dma_wait3A_290 : memref<1x128xi32, #tpu.memory_space<vmem>> -> memref<128xi32, #tpu.memory_space<vmem>>
        %dma_wait3A_292 = arith.constant 0 : i32
        %dma_wait3A_293 = arith.constant 0 : i32
        %dma_wait3A_294 = tpu.memref_slice %arg33[%dma_wait3A_292, %dma_wait3A_293] : memref<10240x128xbf16, #tpu.memory_space<vmem_shared>> -> memref<10240x128xbf16, #tpu.memory_space<vmem_shared>>
        tpu.wait_indirect_dma semaphore(%arg30 : memref<!tpu.dma_semaphore, #tpu.memory_space<semaphore_mem>>) src(%arg14 : memref<128x128xbf16, #tpu.memory_space<vmem>>) dst(%dma_wait3A_294 : memref<10240x128xbf16, #tpu.memory_space<vmem_shared>>)
      } else {
      }
      %add3A_254 = arith.constant 7 : i32
      %add3A_255 = arith.addi %add3A_236, %add3A_254 : i32
      %lt3A_256 = arith.constant 80 : i32
      %lt3A_257 = arith.cmpi slt, %add3A_255, %lt3A_256 : i32
      %convert_element_type3A_258 = arith.extui %lt3A_257 : i1 to i32
      %cond3A_259 = arith.constant 0 : i32
      %cond3A_260 = arith.cmpi ne, %convert_element_type3A_258, %cond3A_259 : i32
      scf.if %cond3A_260 {
        %add3A_289 = arith.constant 7 : i32
        %add3A_290 = arith.addi %add3A_236, %add3A_289 : i32
        %dma_start3A_291 = arith.constant 0 : i32
        %dma_start3A_292 = tpu.memref_slice %arg7[%add3A_290, %dma_start3A_291] : memref<80x128xi32, #tpu.memory_space<vmem>> -> memref<1x128xi32, #tpu.memory_space<vmem>>
        %dma_start3A_293 = tpu.memref_squeeze %dma_start3A_292 : memref<1x128xi32, #tpu.memory_space<vmem>> -> memref<128xi32, #tpu.memory_space<vmem>>
        %dma_start3A_294 = arith.constant 0 : i32
        %dma_start3A_295 = arith.constant 0 : i32
        %dma_start3A_296 = tpu.memref_slice %arg2[%dma_start3A_294, %dma_start3A_295] : memref<10000x128xbf16, #tpu.memory_space<hbm>> -> memref<10000x128xbf16, #tpu.memory_space<hbm>>
        tpu.enqueue_indirect_dma source(%dma_start3A_296 : memref<10000x128xbf16, #tpu.memory_space<hbm>>) target(%arg14 : memref<128x128xbf16, #tpu.memory_space<vmem>>) offsets(%dma_start3A_293 : memref<128xi32, #tpu.memory_space<vmem>>) semaphore(%arg22 : memref<!tpu.dma_semaphore, #tpu.memory_space<semaphore_mem>>)
      } else {
      }
      %mul3A_261 = arith.constant 8 : i32
      %mul3A_262 = arith.muli %mul3A_261, %scan3A_68 : i32
      %add3A_263 = arith.constant 7 : i32
      %add3A_264 = arith.addi %mul3A_262, %add3A_263 : i32
      %dma_wait3A_265 = arith.constant 0 : i32
      %dma_wait3A_266 = tpu.memref_slice %arg7[%add3A_264, %dma_wait3A_265] : memref<80x128xi32, #tpu.memory_space<vmem>> -> memref<1x128xi32, #tpu.memory_space<vmem>>
      %dma_wait3A_267 = tpu.memref_squeeze %dma_wait3A_266 : memref<1x128xi32, #tpu.memory_space<vmem>> -> memref<128xi32, #tpu.memory_space<vmem>>
      %dma_wait3A_268 = arith.constant 0 : i32
      %dma_wait3A_269 = arith.constant 0 : i32
      %dma_wait3A_270 = tpu.memref_slice %arg2[%dma_wait3A_268, %dma_wait3A_269] : memref<10000x128xbf16, #tpu.memory_space<hbm>> -> memref<10000x128xbf16, #tpu.memory_space<hbm>>
      tpu.wait_indirect_dma semaphore(%arg24 : memref<!tpu.dma_semaphore, #tpu.memory_space<semaphore_mem>>) src(%dma_wait3A_270 : memref<10000x128xbf16, #tpu.memory_space<hbm>>) dst(%arg16 : memref<128x128xbf16, #tpu.memory_space<vmem>>)
      %dma_start3A_271 = arith.constant 0 : i32
      %dma_start3A_272 = tpu.memref_slice %arg8[%add3A_264, %dma_start3A_271] : memref<80x128xi32, #tpu.memory_space<vmem>> -> memref<1x128xi32, #tpu.memory_space<vmem>>
      %dma_start3A_273 = tpu.memref_squeeze %dma_start3A_272 : memref<1x128xi32, #tpu.memory_space<vmem>> -> memref<128xi32, #tpu.memory_space<vmem>>
      %dma_start3A_274 = arith.constant 0 : i32
      %dma_start3A_275 = arith.constant 0 : i32
      %dma_start3A_276 = tpu.memref_slice %arg33[%dma_start3A_274, %dma_start3A_275] : memref<10240x128xbf16, #tpu.memory_space<vmem_shared>> -> memref<10240x128xbf16, #tpu.memory_space<vmem_shared>>
      tpu.enqueue_indirect_dma source(%arg16 : memref<128x128xbf16, #tpu.memory_space<vmem>>) target(%dma_start3A_276 : memref<10240x128xbf16, #tpu.memory_space<vmem_shared>>) offsets(%dma_start3A_273 : memref<128xi32, #tpu.memory_space<vmem>>) semaphore(%arg32 : memref<!tpu.dma_semaphore, #tpu.memory_space<semaphore_mem>>) {add = true}
      %ge3A_277 = arith.constant 1 : i32
      %ge3A_278 = arith.cmpi sge, %add3A_264, %ge3A_277 : i32
      %convert_element_type3A_279 = arith.extui %ge3A_278 : i1 to i32
      %cond3A_280 = arith.constant 0 : i32
      %cond3A_281 = arith.cmpi ne, %convert_element_type3A_279, %cond3A_280 : i32
      scf.if %cond3A_281 {
        %dma_wait3A_289 = arith.constant 0 : i32
        %dma_wait3A_290 = tpu.memref_slice %arg8[%add3A_264, %dma_wait3A_289] : memref<80x128xi32, #tpu.memory_space<vmem>> -> memref<1x128xi32, #tpu.memory_space<vmem>>
        %dma_wait3A_291 = tpu.memref_squeeze %dma_wait3A_290 : memref<1x128xi32, #tpu.memory_space<vmem>> -> memref<128xi32, #tpu.memory_space<vmem>>
        %dma_wait3A_292 = arith.constant 0 : i32
        %dma_wait3A_293 = arith.constant 0 : i32
        %dma_wait3A_294 = tpu.memref_slice %arg33[%dma_wait3A_292, %dma_wait3A_293] : memref<10240x128xbf16, #tpu.memory_space<vmem_shared>> -> memref<10240x128xbf16, #tpu.memory_space<vmem_shared>>
        tpu.wait_indirect_dma semaphore(%arg31 : memref<!tpu.dma_semaphore, #tpu.memory_space<semaphore_mem>>) src(%arg15 : memref<128x128xbf16, #tpu.memory_space<vmem>>) dst(%dma_wait3A_294 : memref<10240x128xbf16, #tpu.memory_space<vmem_shared>>)
      } else {
      }
      %add3A_282 = arith.constant 7 : i32
      %add3A_283 = arith.addi %add3A_264, %add3A_282 : i32
      %lt3A_284 = arith.constant 80 : i32
      %lt3A_285 = arith.cmpi slt, %add3A_283, %lt3A_284 : i32
      %convert_element_type3A_286 = arith.extui %lt3A_285 : i1 to i32
      %cond3A_287 = arith.constant 0 : i32
      %cond3A_288 = arith.cmpi ne, %convert_element_type3A_286, %cond3A_287 : i32
      scf.if %cond3A_288 {
        %add3A_289 = arith.constant 7 : i32
        %add3A_290 = arith.addi %add3A_264, %add3A_289 : i32
        %dma_start3A_291 = arith.constant 0 : i32
        %dma_start3A_292 = tpu.memref_slice %arg7[%add3A_290, %dma_start3A_291] : memref<80x128xi32, #tpu.memory_space<vmem>> -> memref<1x128xi32, #tpu.memory_space<vmem>>
        %dma_start3A_293 = tpu.memref_squeeze %dma_start3A_292 : memref<1x128xi32, #tpu.memory_space<vmem>> -> memref<128xi32, #tpu.memory_space<vmem>>
        %dma_start3A_294 = arith.constant 0 : i32
        %dma_start3A_295 = arith.constant 0 : i32
        %dma_start3A_296 = tpu.memref_slice %arg2[%dma_start3A_294, %dma_start3A_295] : memref<10000x128xbf16, #tpu.memory_space<hbm>> -> memref<10000x128xbf16, #tpu.memory_space<hbm>>
        tpu.enqueue_indirect_dma source(%dma_start3A_296 : memref<10000x128xbf16, #tpu.memory_space<hbm>>) target(%arg15 : memref<128x128xbf16, #tpu.memory_space<vmem>>) offsets(%dma_start3A_293 : memref<128xi32, #tpu.memory_space<vmem>>) semaphore(%arg23 : memref<!tpu.dma_semaphore, #tpu.memory_space<semaphore_mem>>)
      } else {
      }
    }
    %scan3A_56 = arith.constant 10 : i32
    %dma_wait3A = arith.constant 79 : i32
    %dma_wait3A_57 = arith.constant 0 : i32
    %dma_wait3A_58 = tpu.memref_slice %arg8[%dma_wait3A, %dma_wait3A_57] : memref<80x128xi32, #tpu.memory_space<vmem>> -> memref<1x128xi32, #tpu.memory_space<vmem>>
    %dma_wait3A_59 = tpu.memref_squeeze %dma_wait3A_58 : memref<1x128xi32, #tpu.memory_space<vmem>> -> memref<128xi32, #tpu.memory_space<vmem>>
    %dma_wait3A_60 = arith.constant 0 : i32
    %dma_wait3A_61 = arith.constant 0 : i32
    %dma_wait3A_62 = tpu.memref_slice %arg33[%dma_wait3A_60, %dma_wait3A_61] : memref<10240x128xbf16, #tpu.memory_space<vmem_shared>> -> memref<10240x128xbf16, #tpu.memory_space<vmem_shared>>
    tpu.wait_indirect_dma semaphore(%arg32 : memref<!tpu.dma_semaphore, #tpu.memory_space<semaphore_mem>>) src(%arg16 : memref<128x128xbf16, #tpu.memory_space<vmem>>) dst(%dma_wait3A_62 : memref<10240x128xbf16, #tpu.memory_space<vmem_shared>>)
    %barrier3A_63 = arith.constant 0 : index
    tpu.barrier barrier_id(%barrier3A_63)
    %mul3A_64 = arith.constant 640 : i32
    %mul3A_65 = arith.muli %arg1, %mul3A_64 : i32
    %mul3A_66 = arith.constant 640 : i32
    %mul3A_67 = arith.muli %arg1, %mul3A_66 : i32
    "tpu.region"() ({
      %run_scoped3A = tpu.sem_alloc : memref<!tpu.dma_semaphore, #tpu.memory_space<semaphore_mem>>
      %dma_start3A_68 = arith.constant 0 : i32
      %dma_start3A_69 = tpu.memref_slice %arg6[%arg0, %mul3A_67, %dma_start3A_68] : memref<2x10240x128xbf16, #tpu.memory_space<hbm>> -> memref<1x640x128xbf16, #tpu.memory_space<hbm>>
      %dma_start3A_70 = tpu.memref_squeeze %dma_start3A_69 : memref<1x640x128xbf16, #tpu.memory_space<hbm>> -> memref<640x128xbf16, #tpu.memory_space<hbm>>
      %dma_start3A_71 = arith.constant 0 : i32
      %dma_start3A_72 = tpu.memref_slice %arg33[%mul3A_65, %dma_start3A_71] : memref<10240x128xbf16, #tpu.memory_space<vmem_shared>> -> memref<640x128xbf16, #tpu.memory_space<vmem_shared>>
      tpu.enqueue_dma source(%dma_start3A_72 : memref<640x128xbf16, #tpu.memory_space<vmem_shared>>) target(%dma_start3A_70 : memref<640x128xbf16, #tpu.memory_space<hbm>>) target_semaphore(%run_scoped3A : memref<!tpu.dma_semaphore, #tpu.memory_space<semaphore_mem>>)
      %dma_wait3A_73 = arith.constant 0 : i32
      %dma_wait3A_74 = tpu.memref_slice %arg6[%arg0, %mul3A_67, %dma_wait3A_73] : memref<2x10240x128xbf16, #tpu.memory_space<hbm>> -> memref<1x640x128xbf16, #tpu.memory_space<hbm>>
      %dma_wait3A_75 = tpu.memref_squeeze %dma_wait3A_74 : memref<1x640x128xbf16, #tpu.memory_space<hbm>> -> memref<640x128xbf16, #tpu.memory_space<hbm>>
      %dma_wait3A_76 = arith.constant 0 : i32
      %dma_wait3A_77 = tpu.memref_slice %arg33[%mul3A_65, %dma_wait3A_76] : memref<10240x128xbf16, #tpu.memory_space<vmem_shared>> -> memref<640x128xbf16, #tpu.memory_space<vmem_shared>>
      tpu.wait_dma2 semaphore(%run_scoped3A : memref<!tpu.dma_semaphore, #tpu.memory_space<semaphore_mem>>) src(%dma_wait3A_77 : memref<640x128xbf16, #tpu.memory_space<vmem_shared>>) dst(%dma_wait3A_75 : memref<640x128xbf16, #tpu.memory_space<hbm>>)
      tpu.yield
    }) : () -> ()
    return
  }
}

module attributes {stable_mosaic.version = 14 : i64} {
  func.func @_tc1_body(%arg0: i32, %arg1: memref<2x1000x16xf32, #tpu.memory_space<vmem>>, %arg2: memref<1000x128xf32, #tpu.memory_space<vmem>>, %arg3: memref<128x128xf32, #tpu.memory_space<vmem>>, %arg4: memref<1000x1xf32, #tpu.memory_space<vmem>>, %arg5: memref<1000x128xf32, #tpu.memory_space<vmem>>, %arg6: memref<1000x128xbf16, #tpu.memory_space<vmem>>) attributes {dimension_semantics = [#tpu.dimension_semantics<arbitrary>], iteration_bounds = array<i64: 10>, scalar_prefetch = 0 : i64, scratch_operands = 0 : i64, tpu.core_type = #tpu.core_type<tc>, window_params = [{transform_indices = @transform_0, window_bounds = array<i64: 2, 1000, 16>}, {transform_indices = @transform_1, window_bounds = array<i64: 1000, 128>}, {pipeline_mode = #tpu.pipeline_mode<synchronous>, transform_indices = @transform_2, window_bounds = array<i64: 128, 128>}, {transform_indices = @transform_3, window_bounds = array<i64: 1000, 1>}, {transform_indices = @transform_4, window_bounds = array<i64: 1000, 128>}, {transform_indices = @transform_5, window_bounds = array<i64: 1000, 128>}]} {
    %get3A = arith.constant 0 : index
    %get3A_0 = arith.constant 0 : index
    %get3A_1 = arith.constant 0 : index
    %get3A_2 = vector.load %arg1[%get3A, %get3A_0, %get3A_1] : memref<2x1000x16xf32, #tpu.memory_space<vmem>>, vector<1x1000x1xf32>
    %get3A_3 = vector.shape_cast %get3A_2 : vector<1x1000x1xf32> to vector<1000x1xf32>
    %get3A_4 = arith.constant 1 : index
    %get3A_5 = arith.constant 0 : index
    %get3A_6 = arith.constant 0 : index
    %get3A_7 = vector.load %arg1[%get3A_4, %get3A_5, %get3A_6] : memref<2x1000x16xf32, #tpu.memory_space<vmem>>, vector<1x1000x1xf32>
    %get3A_8 = vector.shape_cast %get3A_7 : vector<1x1000x1xf32> to vector<1000x1xf32>
    %add3A = arith.addf %get3A_3, %get3A_8 : vector<1000x1xf32>
    %add3A_9 = arith.constant 1.000000e+00 : f32
    %add3A_10 = vector.broadcast %add3A_9 : f32 to vector<1000x1xf32>
    %add3A_11 = arith.addf %add3A, %add3A_10 : vector<1000x1xf32>
    %rsqrt3A = math.rsqrt %add3A_11 : vector<1000x1xf32>
    %get3A_12 = arith.constant 0 : index
    %get3A_13 = arith.constant 0 : index
    %get3A_14 = vector.load %arg2[%get3A_12, %get3A_13] : memref<1000x128xf32, #tpu.memory_space<vmem>>, vector<1000x128xf32>
    %get3A_15 = arith.constant 0 : index
    %get3A_16 = arith.constant 0 : index
    %get3A_17 = vector.load %arg3[%get3A_15, %get3A_16] : memref<128x128xf32, #tpu.memory_space<vmem>>, vector<128x128xf32>
    %dot_general3A = arith.constant dense<0.000000e+00> : vector<1000x128xf32>
    %dot_general3A_18 = tpu.matmul %get3A_14, %get3A_17, %dot_general3A {dimension_numbers = #tpu.dot_dimension_numbers<[1], [0], [0], [1], [0, 0, 1, 1], [], []>, precision = #tpu.contract_precision<fp32>, transpose_lhs_hint = false} : vector<1000x128xf32>, vector<128x128xf32>, vector<1000x128xf32> -> vector<1000x128xf32>
    %mul3A = vector.broadcast %rsqrt3A : vector<1000x1xf32> to vector<1000x128xf32>
    %mul3A_19 = arith.mulf %mul3A, %dot_general3A_18 : vector<1000x128xf32>
    %swap3A = arith.constant 0 : index
    %swap3A_20 = arith.constant 0 : index
    %swap3A_21 = vector.load %arg4[%swap3A, %swap3A_20] : memref<1000x1xf32, #tpu.memory_space<vmem>>, vector<1000x1xf32>
    tpu.vector_store %arg4[%swap3A, %swap3A_20], %rsqrt3A {strides = array<i32>} : memref<1000x1xf32, #tpu.memory_space<vmem>>, vector<1000x1xf32>,
    %swap3A_22 = arith.constant 0 : index
    %swap3A_23 = arith.constant 0 : index
    %swap3A_24 = vector.load %arg5[%swap3A_22, %swap3A_23] : memref<1000x128xf32, #tpu.memory_space<vmem>>, vector<1000x128xf32>
    tpu.vector_store %arg5[%swap3A_22, %swap3A_23], %mul3A_19 {strides = array<i32>} : memref<1000x128xf32, #tpu.memory_space<vmem>>, vector<1000x128xf32>,
    %convert_element_type3A = arith.truncf %mul3A_19 : vector<1000x128xf32> to vector<1000x128xbf16>
    %swap3A_25 = arith.constant 0 : index
    %swap3A_26 = arith.constant 0 : index
    %swap3A_27 = vector.load %arg6[%swap3A_25, %swap3A_26] : memref<1000x128xbf16, #tpu.memory_space<vmem>>, vector<1000x128xbf16>
    tpu.vector_store %arg6[%swap3A_25, %swap3A_26], %convert_element_type3A {strides = array<i32>} : memref<1000x128xbf16, #tpu.memory_space<vmem>>, vector<1000x128xbf16>,
    return
  }
  func.func @transform_0(%arg0: i32) -> (i32, i32, i32) {
    %c0_i32 = arith.constant 0 : i32
    %c0_i32_0 = arith.constant 0 : i32
    %c0_i32_1 = arith.constant 0 : i32
    return %c0_i32, %arg0, %c0_i32_0 : i32, i32, i32
  }
  func.func @transform_1(%arg0: i32) -> (i32, i32) {
    %c0_i32 = arith.constant 0 : i32
    %c0_i32_0 = arith.constant 0 : i32
    return %arg0, %c0_i32 : i32, i32
  }
  func.func @transform_2(%arg0: i32) -> (i32, i32) {
    %c0_i32 = arith.constant 0 : i32
    %c0_i32_0 = arith.constant 0 : i32
    %c0_i32_1 = arith.constant 0 : i32
    return %c0_i32, %c0_i32_0 : i32, i32
  }
  func.func @transform_3(%arg0: i32) -> (i32, i32) {
    %c0_i32 = arith.constant 0 : i32
    %c0_i32_0 = arith.constant 0 : i32
    return %arg0, %c0_i32 : i32, i32
  }
  func.func @transform_4(%arg0: i32) -> (i32, i32) {
    %c0_i32 = arith.constant 0 : i32
    %c0_i32_0 = arith.constant 0 : i32
    return %arg0, %c0_i32 : i32, i32
  }
  func.func @transform_5(%arg0: i32) -> (i32, i32) {
    %c0_i32 = arith.constant 0 : i32
    %c0_i32_0 = arith.constant 0 : i32
    return %arg0, %c0_i32 : i32, i32
  }
}

module attributes {stable_mosaic.version = 14 : i64} {
  func.func @_tc2_body(%arg0: i32, %arg1: memref<2x1000x128xbf16, #tpu.memory_space<vmem>>, %arg2: memref<1000x128xf32, #tpu.memory_space<vmem>>, %arg3: memref<1000x1xf32, #tpu.memory_space<vmem>>, %arg4: memref<1x128xf32, #tpu.memory_space<vmem>>, %arg5: memref<128x128xf32, #tpu.memory_space<vmem>>, %arg6: memref<1000x128xf32, #tpu.memory_space<vmem>>, %arg7: memref<1000x128xbf16, #tpu.memory_space<vmem>>) attributes {dimension_semantics = [#tpu.dimension_semantics<arbitrary>], iteration_bounds = array<i64: 10>, scalar_prefetch = 0 : i64, scratch_operands = 0 : i64, tpu.core_type = #tpu.core_type<tc>, window_params = [{transform_indices = @transform_0, window_bounds = array<i64: 2, 1000, 128>}, {transform_indices = @transform_1, window_bounds = array<i64: 1000, 128>}, {transform_indices = @transform_2, window_bounds = array<i64: 1000, 1>}, {pipeline_mode = #tpu.pipeline_mode<synchronous>, transform_indices = @transform_3, window_bounds = array<i64: 1, 128>}, {pipeline_mode = #tpu.pipeline_mode<synchronous>, transform_indices = @transform_4, window_bounds = array<i64: 128, 128>}, {transform_indices = @transform_5, window_bounds = array<i64: 1000, 128>}, {transform_indices = @transform_6, window_bounds = array<i64: 1000, 128>}]} {
    %get3A = arith.constant 0 : index
    %get3A_0 = arith.constant 0 : index
    %get3A_1 = vector.load %arg3[%get3A, %get3A_0] : memref<1000x1xf32, #tpu.memory_space<vmem>>, vector<1000x1xf32>
    %get3A_2 = arith.constant 0 : index
    %get3A_3 = arith.constant 0 : index
    %get3A_4 = arith.constant 0 : index
    %get3A_5 = vector.load %arg1[%get3A_2, %get3A_3, %get3A_4] : memref<2x1000x128xbf16, #tpu.memory_space<vmem>>, vector<1x1000x128xbf16>
    %get3A_6 = vector.shape_cast %get3A_5 : vector<1x1000x128xbf16> to vector<1000x128xbf16>
    %convert_element_type3A = arith.extf %get3A_6 : vector<1000x128xbf16> to vector<1000x128xf32>
    %get3A_7 = arith.constant 1 : index
    %get3A_8 = arith.constant 0 : index
    %get3A_9 = arith.constant 0 : index
    %get3A_10 = vector.load %arg1[%get3A_7, %get3A_8, %get3A_9] : memref<2x1000x128xbf16, #tpu.memory_space<vmem>>, vector<1x1000x128xbf16>
    %get3A_11 = vector.shape_cast %get3A_10 : vector<1x1000x128xbf16> to vector<1000x128xbf16>
    %convert_element_type3A_12 = arith.extf %get3A_11 : vector<1000x128xbf16> to vector<1000x128xf32>
    %add3A = arith.addf %convert_element_type3A, %convert_element_type3A_12 : vector<1000x128xf32>
    %get3A_13 = arith.constant 0 : index
    %get3A_14 = arith.constant 0 : index
    %get3A_15 = vector.load %arg2[%get3A_13, %get3A_14] : memref<1000x128xf32, #tpu.memory_space<vmem>>, vector<1000x128xf32>
    %add3A_16 = arith.addf %add3A, %get3A_15 : vector<1000x128xf32>
    %mul3A = vector.broadcast %get3A_1 : vector<1000x1xf32> to vector<1000x128xf32>
    %mul3A_17 = arith.mulf %add3A_16, %mul3A : vector<1000x128xf32>
    %get3A_18 = arith.constant 0 : index
    %get3A_19 = arith.constant 0 : index
    %get3A_20 = vector.load %arg4[%get3A_18, %get3A_19] : memref<1x128xf32, #tpu.memory_space<vmem>>, vector<1x128xf32>
    %add3A_21 = vector.broadcast %get3A_20 : vector<1x128xf32> to vector<1000x128xf32>
    %add3A_22 = arith.addf %mul3A_17, %add3A_21 : vector<1000x128xf32>
    %max3A = arith.constant 0.000000e+00 : f32
    %max3A_23 = vector.broadcast %max3A : f32 to vector<1000x128xf32>
    %max3A_24 = arith.maximumf %add3A_22, %max3A_23 : vector<1000x128xf32>
    %get3A_25 = arith.constant 0 : index
    %get3A_26 = arith.constant 0 : index
    %get3A_27 = vector.load %arg5[%get3A_25, %get3A_26] : memref<128x128xf32, #tpu.memory_space<vmem>>, vector<128x128xf32>
    %dot_general3A = arith.constant dense<0.000000e+00> : vector<1000x128xf32>
    %dot_general3A_28 = tpu.matmul %max3A_24, %get3A_27, %dot_general3A {dimension_numbers = #tpu.dot_dimension_numbers<[1], [0], [0], [1], [0, 0, 1, 1], [], []>, precision = #tpu.contract_precision<fp32>, transpose_lhs_hint = false} : vector<1000x128xf32>, vector<128x128xf32>, vector<1000x128xf32> -> vector<1000x128xf32>
    %mul3A_29 = vector.broadcast %get3A_1 : vector<1000x1xf32> to vector<1000x128xf32>
    %mul3A_30 = arith.mulf %mul3A_29, %dot_general3A_28 : vector<1000x128xf32>
    %swap3A = arith.constant 0 : index
    %swap3A_31 = arith.constant 0 : index
    %swap3A_32 = vector.load %arg6[%swap3A, %swap3A_31] : memref<1000x128xf32, #tpu.memory_space<vmem>>, vector<1000x128xf32>
    tpu.vector_store %arg6[%swap3A, %swap3A_31], %mul3A_30 {strides = array<i32>} : memref<1000x128xf32, #tpu.memory_space<vmem>>, vector<1000x128xf32>,
    %convert_element_type3A_33 = arith.truncf %mul3A_30 : vector<1000x128xf32> to vector<1000x128xbf16>
    %swap3A_34 = arith.constant 0 : index
    %swap3A_35 = arith.constant 0 : index
    %swap3A_36 = vector.load %arg7[%swap3A_34, %swap3A_35] : memref<1000x128xbf16, #tpu.memory_space<vmem>>, vector<1000x128xbf16>
    tpu.vector_store %arg7[%swap3A_34, %swap3A_35], %convert_element_type3A_33 {strides = array<i32>} : memref<1000x128xbf16, #tpu.memory_space<vmem>>, vector<1000x128xbf16>,
    return
  }
  func.func @transform_0(%arg0: i32) -> (i32, i32, i32) {
    %c0_i32 = arith.constant 0 : i32
    %c0_i32_0 = arith.constant 0 : i32
    %c0_i32_1 = arith.constant 0 : i32
    return %c0_i32, %arg0, %c0_i32_0 : i32, i32, i32
  }
  func.func @transform_1(%arg0: i32) -> (i32, i32) {
    %c0_i32 = arith.constant 0 : i32
    %c0_i32_0 = arith.constant 0 : i32
    return %arg0, %c0_i32 : i32, i32
  }
  func.func @transform_2(%arg0: i32) -> (i32, i32) {
    %c0_i32 = arith.constant 0 : i32
    %c0_i32_0 = arith.constant 0 : i32
    return %arg0, %c0_i32 : i32, i32
  }
  func.func @transform_3(%arg0: i32) -> (i32, i32) {
    %c0_i32 = arith.constant 0 : i32
    %c0_i32_0 = arith.constant 0 : i32
    %c0_i32_1 = arith.constant 0 : i32
    return %c0_i32, %c0_i32_0 : i32, i32
  }
  func.func @transform_4(%arg0: i32) -> (i32, i32) {
    %c0_i32 = arith.constant 0 : i32
    %c0_i32_0 = arith.constant 0 : i32
    %c0_i32_1 = arith.constant 0 : i32
    return %c0_i32, %c0_i32_0 : i32, i32
  }
  func.func @transform_5(%arg0: i32) -> (i32, i32) {
    %c0_i32 = arith.constant 0 : i32
    %c0_i32_0 = arith.constant 0 : i32
    return %arg0, %c0_i32 : i32, i32
  }
  func.func @transform_6(%arg0: i32) -> (i32, i32) {
    %c0_i32 = arith.constant 0 : i32
    %c0_i32_0 = arith.constant 0 : i32
    return %arg0, %c0_i32 : i32, i32
  }
}

module attributes {stable_mosaic.version = 14 : i64} {
  func.func @_tc3_body(%arg0: i32, %arg1: memref<2x1000x128xbf16, #tpu.memory_space<vmem>>, %arg2: memref<1000x128xf32, #tpu.memory_space<vmem>>, %arg3: memref<1000x1xf32, #tpu.memory_space<vmem>>, %arg4: memref<1x128xf32, #tpu.memory_space<vmem>>, %arg5: memref<1000x128xf32, #tpu.memory_space<vmem>>) attributes {dimension_semantics = [#tpu.dimension_semantics<arbitrary>], iteration_bounds = array<i64: 10>, scalar_prefetch = 0 : i64, scratch_operands = 0 : i64, tpu.core_type = #tpu.core_type<tc>, window_params = [{transform_indices = @transform_0, window_bounds = array<i64: 2, 1000, 128>}, {transform_indices = @transform_1, window_bounds = array<i64: 1000, 128>}, {transform_indices = @transform_2, window_bounds = array<i64: 1000, 1>}, {pipeline_mode = #tpu.pipeline_mode<synchronous>, transform_indices = @transform_3, window_bounds = array<i64: 1, 128>}, {transform_indices = @transform_4, window_bounds = array<i64: 1000, 128>}]} {
    %get3A = arith.constant 0 : index
    %get3A_0 = arith.constant 0 : index
    %get3A_1 = arith.constant 0 : index
    %get3A_2 = vector.load %arg1[%get3A, %get3A_0, %get3A_1] : memref<2x1000x128xbf16, #tpu.memory_space<vmem>>, vector<1x1000x128xbf16>
    %get3A_3 = vector.shape_cast %get3A_2 : vector<1x1000x128xbf16> to vector<1000x128xbf16>
    %convert_element_type3A = arith.extf %get3A_3 : vector<1000x128xbf16> to vector<1000x128xf32>
    %get3A_4 = arith.constant 1 : index
    %get3A_5 = arith.constant 0 : index
    %get3A_6 = arith.constant 0 : index
    %get3A_7 = vector.load %arg1[%get3A_4, %get3A_5, %get3A_6] : memref<2x1000x128xbf16, #tpu.memory_space<vmem>>, vector<1x1000x128xbf16>
    %get3A_8 = vector.shape_cast %get3A_7 : vector<1x1000x128xbf16> to vector<1000x128xbf16>
    %convert_element_type3A_9 = arith.extf %get3A_8 : vector<1000x128xbf16> to vector<1000x128xf32>
    %add3A = arith.addf %convert_element_type3A, %convert_element_type3A_9 : vector<1000x128xf32>
    %get3A_10 = arith.constant 0 : index
    %get3A_11 = arith.constant 0 : index
    %get3A_12 = vector.load %arg2[%get3A_10, %get3A_11] : memref<1000x128xf32, #tpu.memory_space<vmem>>, vector<1000x128xf32>
    %add3A_13 = arith.addf %add3A, %get3A_12 : vector<1000x128xf32>
    %get3A_14 = arith.constant 0 : index
    %get3A_15 = arith.constant 0 : index
    %get3A_16 = vector.load %arg3[%get3A_14, %get3A_15] : memref<1000x1xf32, #tpu.memory_space<vmem>>, vector<1000x1xf32>
    %mul3A = vector.broadcast %get3A_16 : vector<1000x1xf32> to vector<1000x128xf32>
    %mul3A_17 = arith.mulf %add3A_13, %mul3A : vector<1000x128xf32>
    %get3A_18 = arith.constant 0 : index
    %get3A_19 = arith.constant 0 : index
    %get3A_20 = vector.load %arg4[%get3A_18, %get3A_19] : memref<1x128xf32, #tpu.memory_space<vmem>>, vector<1x128xf32>
    %add3A_21 = vector.broadcast %get3A_20 : vector<1x128xf32> to vector<1000x128xf32>
    %add3A_22 = arith.addf %mul3A_17, %add3A_21 : vector<1000x128xf32>
    %swap3A = arith.constant 0 : index
    %swap3A_23 = arith.constant 0 : index
    %swap3A_24 = vector.load %arg5[%swap3A, %swap3A_23] : memref<1000x128xf32, #tpu.memory_space<vmem>>, vector<1000x128xf32>
    tpu.vector_store %arg5[%swap3A, %swap3A_23], %add3A_22 {strides = array<i32>} : memref<1000x128xf32, #tpu.memory_space<vmem>>, vector<1000x128xf32>,
    return
  }
  func.func @transform_0(%arg0: i32) -> (i32, i32, i32) {
    %c0_i32 = arith.constant 0 : i32
    %c0_i32_0 = arith.constant 0 : i32
    %c0_i32_1 = arith.constant 0 : i32
    return %c0_i32, %arg0, %c0_i32_0 : i32, i32, i32
  }
  func.func @transform_1(%arg0: i32) -> (i32, i32) {
    %c0_i32 = arith.constant 0 : i32
    %c0_i32_0 = arith.constant 0 : i32
    return %arg0, %c0_i32 : i32, i32
  }
  func.func @transform_2(%arg0: i32) -> (i32, i32) {
    %c0_i32 = arith.constant 0 : i32
    %c0_i32_0 = arith.constant 0 : i32
    return %arg0, %c0_i32 : i32, i32
  }
  func.func @transform_3(%arg0: i32) -> (i32, i32) {
    %c0_i32 = arith.constant 0 : i32
    %c0_i32_0 = arith.constant 0 : i32
    %c0_i32_1 = arith.constant 0 : i32
    return %c0_i32, %c0_i32_0 : i32, i32
  }
  func.func @transform_4(%arg0: i32) -> (i32, i32) {
    %c0_i32 = arith.constant 0 : i32
    %c0_i32_0 = arith.constant 0 : i32
    return %arg0, %c0_i32 : i32, i32
  }
}

</mosaic_0001>

<sc_bundles>
// kernel: kernel.11.cloned.1.call-start
scs
__scs_entry_jumppad:
0x0: {  	(pc) =	sbr.rel $0x88, $3  }
0x1: {  	(tag) =	ssettag $0x0;
	lr =	simm.s32 $0x1  }
0x2: {  	[smem:$0x3F9B] =	sst lr;
	_ =	strace $0xD0000000  }
0x3: {  	_ = 	snop  }
0x4: {  	_ = 	snop  }
0x5: {  	_ = 	snop  }
0x6: {  	_ = 	snop  }
0x7: {  	_ = 	snop  }
__scs_overlays_trampoline_lowered:
0x8: {  	[smem:$0x3FAA] =	sst s0  }
0x9: {  	[smem:$0x3FAB] =	sst s1  }
0xa: {  	[smem:$0x3FAC] =	sst s2  }
0xb: {  	[smem:$0x3FAD] =	sst s3  }
0xc: {  	[smem:$0x3FAE] =	sst s4  }
0xd: {  	[smem:$0x3FAF] =	sst s5  }
0xe: {  	[smem:$0x3FB0] =	sst s6  }
0xf: {  	[smem:$0x3FB1] =	sst s7  }
0x10: {  	[smem:$0x3FB2] =	sst s8  }
0x11: {  	[smem:$0x3FB3] =	sst s9;
	s0 =	simm.s32 @!p0 $0x0  }
0x12: {  	s1 =	sld [smem:$0x3F99];
	s0 =	simm.s32 @p0 $0x1  }
0x13: {  	[smem:$0x3FB4] =	sst s0;
	s0 =	simm.s32 @!p1 $0x0  }
0x14: {  	s2 =	sld [smem:$0x3F98];
	s0 =	simm.s32 @p1 $0x1  }
0x15: {  	[smem:$0x3FB5] =	sst s0;
	s0 =	simm.s32 @!p2 $0x0  }
0x16: {  	s3 =	sld [smem:$0x3FDB];
	s0 =	simm.s32 @p2 $0x1  }
0x17: {  	s4 =	simm.s32 $0x1BF5;
	[smem:$0x3FB7] =	sst s0  }
0x18: {  	s0 =	sld [smem:$0x3F9A];
	_ =	swait.ge [sflag:s4], $0x0  }
0x19: {  	s7 =	sld [smem:$0x3F9B]  }
0x1a: {  	s8 =	sadd.s32 $0xFFFFE003, lr  }
0x1b: {  	s9 =	sadd.s32 $0xFFFFFEF7, lr;
	s5 =	simm.s32 $0xFFFFFFFF;
	p2 =	slt.u32 s8, $0xFFFFF086  }
0x1c: {  	p1 =	slt.u32 s9, $0xF7A;
	s5 =	simm.s32 @!p2 $0x0  }
0x1d: {  	s5 =	simm.s32 @p1 $0x1;
	p0 =	seq.s32 s7, s2  }
0x1e: {  	s7 =	smul.u32 @!p0 $0xF7A, s2;
	p2 =	seq.s32 @!p0 s5, $0x0  }
0x1f: {  	s9 =	smul.u32 $0xF7A, s1;
	s8 =	simm.s32 @!p0 $0x1BF5;
	p2 =	por !p2, p0  }
0x20: {  	[sflag:s8] =	ssyncset.s32 @!p0 $0xFFFFF086;
	s6 =	sadd.s32 @!p0 s3, s7;
	s7 =	simm.s32 @!p0 $0x108  }
0x21: {  	s3 =	sadd.s32 s3, s9;
	s6 =	sadd.s32 @!p0 $0x88, s6;
	s7 =	simm.s32 @p2 $0x1082  }
0x22: {  	[simem:s7], [sflag:s8] =	dma.local @!p0 [hbm:s6], $0xF7A  }
0x23: {  	s9 =	sor.u32 $0xD0000000, s2;
	s6 =	simm.s32 $0x108;
	_ =	swait.ge @!p0 [sflag:s8], $0x0  }
0x24: {  	s3 =	sadd.s32 $0x88, s3;
	s6 =	simm.s32 @!p1 $0x1082;
	[sflag:s4] =	ssyncset.s32 $0xFFFFF086  }
0x25: {  	[simem:s6], [sflag:s4] =	dma.local [hbm:s3], $0xF7A  }
0x26: {  	[smem:$0x3F9B] =	sst s1;
	(tag) =	ssettag s2;
	_ =	strace s9  }
0x27: {  	s1 =	sld [smem:$0x3FAB]  }
0x28: {  	s2 =	sld [smem:$0x3FAC]  }
0x29: {  	s4 =	sld [smem:$0x3FAE]  }
0x2a: {  	p0 =	seq.s32 s5, $0x0;
	s5 =	sld [smem:$0x3FAF]  }
0x2b: {  	s6 =	sld [smem:$0x3FB0]  }
0x2c: {  	s7 =	sld [smem:$0x3FB1]  }
0x2d: {  	s3 =	simm.s32 $0x108;
	s8 =	sld [smem:$0x3FB2]  }
0x2e: {  	s3 =	simm.s32 @!p0 $0x1082;
	s9 =	sld [smem:$0x3FB3]  }
0x2f: {  	lr =	sadd.s32 s0, s3;
	s0 =	sld [smem:$0x3FAA]  }
0x30: {  	s3 =	sld [smem:$0x3FAD]  }
0x31: {  	[smem:$0x3FB6] =	sst s10  }
0x32: {  	s10 =	sld [smem:$0x3FB4];
	_ =	sdelay $0x3  }
0x33: {  	p0 =	seq.s32 s10, $0x1;
	s10 =	sld [smem:$0x3FB6];
	_ =	sdelay $0x3  }
0x34: {  	[smem:$0x3FB6] =	sst s10  }
0x35: {  	s10 =	sld [smem:$0x3FB5];
	_ =	sdelay $0x3  }
0x36: {  	p1 =	seq.s32 s10, $0x1;
	s10 =	sld [smem:$0x3FB6];
	_ =	sdelay $0x3  }
0x37: {  	[smem:$0x3FB6] =	sst s10  }
0x38: {  	s10 =	sld [smem:$0x3FB7]  }
0x39: {  	_ = 	snop;
	(pc) =	sbr.ind lr, $3  }
0x3a: {  	_ = 	snop  }
0x3b: {  	_ = 	snop  }
0x3c: {  	p2 =	seq.s32 s10, $0x1;
	s10 =	sld [smem:$0x3FB6]  }
0x3d: {  	_ =	shalt  }
0x3e: {  	_ =	shalt  }
0x3f: {  	_ =	shalt  }
0x40: {  	_ =	shalt  }
0x41: {  	_ =	shalt  }
0x42: {  	_ =	shalt  }
0x43: {  	_ =	shalt  }
0x44: {  	_ =	shalt  }
0x45: {  	_ =	shalt  }
0x46: {  	_ =	shalt  }
0x47: {  	_ =	shalt  }
0x48: {  	_ =	shalt  }
0x49: {  	_ =	shalt  }
0x4a: {  	_ =	shalt  }
0x4b: {  	_ =	shalt  }
0x4c: {  	_ =	shalt  }
0x4d: {  	_ =	shalt  }
0x4e: {  	_ =	shalt  }
0x4f: {  	_ =	shalt  }
0x50: {  	_ =	shalt  }
0x51: {  	_ =	shalt  }
0x52: {  	_ =	shalt  }
0x53: {  	_ =	shalt  }
0x54: {  	_ =	shalt  }
0x55: {  	_ =	shalt  }
0x56: {  	_ =	shalt  }
0x57: {  	_ =	shalt  }
0x58: {  	_ =	shalt  }
0x59: {  	_ =	shalt  }
0x5a: {  	_ =	shalt  }
0x5b: {  	_ =	shalt  }
0x5c: {  	_ =	shalt  }
0x5d: {  	_ =	shalt  }
0x5e: {  	_ =	shalt  }
0x5f: {  	_ =	shalt  }
0x60: {  	_ =	shalt  }
0x61: {  	_ =	shalt  }
0x62: {  	_ =	shalt  }
0x63: {  	_ =	shalt  }
0x64: {  	_ =	shalt  }
0x65: {  	_ =	shalt  }
0x66: {  	_ =	shalt  }
0x67: {  	_ =	shalt  }
0x68: {  	_ =	shalt  }
0x69: {  	_ =	shalt  }
0x6a: {  	_ =	shalt  }
0x6b: {  	_ =	shalt  }
0x6c: {  	_ =	shalt  }
0x6d: {  	_ =	shalt  }
0x6e: {  	_ =	shalt  }
0x6f: {  	_ =	shalt  }
0x70: {  	_ =	shalt  }
0x71: {  	_ =	shalt  }
0x72: {  	_ =	shalt  }
0x73: {  	_ =	shalt  }
0x74: {  	_ =	shalt  }
0x75: {  	_ =	shalt  }
0x76: {  	_ =	shalt  }
0x77: {  	_ =	shalt  }
0x78: {  	_ =	shalt  }
0x79: {  	_ =	shalt  }
0x7a: {  	_ =	shalt  }
0x7b: {  	_ =	shalt  }
0x7c: {  	_ =	shalt  }
0x7d: {  	_ =	shalt  }
0x7e: {  	_ =	shalt  }
0x7f: {  	_ =	shalt  }
0x80: {  	_ =	shalt  }
0x81: {  	_ =	shalt  }
0x82: {  	_ =	shalt  }
0x83: {  	_ =	shalt  }
0x84: {  	_ =	shalt  }
0x85: {  	_ =	shalt  }
0x86: {  	_ =	shalt  }
0x87: {  	_ =	shalt  }
.Lfunc_end0:
.L_simem_size_0:
called_computation.1_lowered:
.L_overlay_start_0:
0x88: {  	s2 =	sld [smem:$0x3FD9]  }
0x89: {  	s3 =	sld [smem:$0x3FFE];
	_ =	sdelay $0x1  }
0x8a: {  	s1 =	srdreg.scid  }
0x8b: {  	s0 =	sand.u32 $0x1, s1  }
0x8c: {  	s17 =	sshll.u32 s0, $0xA;
	s2 =	sadd.s32 s3, s2  }
0x8d: {  	s2 =	sadd.s32 s2, s17  }
0x8e: {  	[smem:$0x3FC2] =	sst s2  }
0x8f: {  	_ = 	snop  }
0x90: {  	s2 =	sld [smem:$0x3FD0];
	(tm) =	ssettm $0x1  }
0x91: {  	s18 =	sld [smem:$0x3FFB];
	_ =	sdelay $0x3  }
0x92: {  	_ =	strace s18  }
0x93: {  	s3 =	sld [smem:$0x3FFC];
	_ =	sdelay $0x3  }
0x94: {  	_ =	strace s3  }
0x95: {  	s3 =	sld [smem:$0x3FFD];
	_ =	sdelay $0x3  }
0x96: {  	_ =	strace s3  }
0x97: {  	_ =	strace $0x8FFFFFFF  }
0x98: {  	s19 =	sld [smem:$0x3FDB];
	_ =	sdelay $0x1  }
0x99: {  	s4 =	simm.s32 $_scs_section_size  }
0x9a: {  	s5 =	simm.s32 $_size__tile_overlayer_lowered;
	s6 =	simm.s32 $_tile_overlayer_lowered  }
0x9b: {  	s22 =	simm.s32 $0x1BFF;
	s21 =	sshll.u32 s6, $0x1;
	s3 =	sadd.s32 s4, s19  }
0x9c: {  	s7 =	simm.s32 $0x0;
	s20 =	sshll.u32 s5, $0x1;
	s5 =	sadd.s32 s21, s3  }
0x9d: {  	[timem:s7], [sflag:s22] =	dma.local [hbm:s5], s20  }
0x9e: {  	_ =	swait.ge [sflag:s22], s20  }
0x9f: {  	s4 =	ssub.s32 $0x0, s20;
	[sflag:s22] =	ssyncset.done $0x0  }
0xa0: {  	[sflag:s22] =	ssyncadd.s32 s4;
	_ =	sdelay $0x1  }
0xa1: {  	s23 =	simm.s32 $0x1B8B  }
0xa2: {  	_ =	swait.ge [sflag:s23], $0x1  }
0xa3: {  	[sflag:s23] =	ssyncset.done $0x0  }
0xa4: {  	s25 =	simm.s32 $0x1B8E;
	s24 =	sld [smem:$0x3FFE];
	[sflag:s23] =	ssyncadd.s32 $0xFFFFFFFF  }
0xa5: {  	s26 =	simm.s32 $execute0_lowered;
	[smem:$0x3FD2] =	sst s25  }
0xa6: {  	s5 =	sshll.u32 s26, $0x1;
	_ =	strace $0x80000049;
	[dreg:$0x1] =	wrdreg $0xFFFFFFFF  }
0xa7: {  	s28 =	simm.s32 $_size_execute0_lowered;
	s3 =	sadd.s32 s3, s5;
	[dreg:$0x0] =	wrdreg $0x0  }
0xa8: {  	s5 =	sshll.u32 s28, $0x1;
	[dreg:$0x2] =	wrdreg s3  }
0xa9: {  	[dreg:$0x3] =	wrdreg s5  }
0xaa: {  	[dreg:$0x4] =	wrdreg $0xC0  }
0xab: {  	_ =	task [dreg:s7], $0x5FFFF  }
0xac: {  	[dreg:$0x1] =	wrdreg $0xFFFFFFFF  }
0xad: {  	[dreg:$0x0] =	wrdreg $0x60  }
0xae: {  	[dreg:$0x2] =	wrdreg s24  }
0xaf: {  	[dreg:$0x3] =	wrdreg s2  }
0xb0: {  	[dreg:$0x4] =	wrdreg $0x150000  }
0xb1: {  	[dreg:$0x5] =	wrdreg $0x9  }
0xb2: {  	_ =	task.clear_ibuf [dreg:s7], $0x6FFFF;
	_ =	strace $0x90000049  }
0xb3: {  	s29 =	simm.s32 $0x9;
	_ =	strace $0x8000004B  }
0xb4: {  	_ =	swait.ge [sflag:s29], $0x1  }
0xb5: {  	[sflag:s29] =	ssyncadd.s32 $0xFFFFFFFF  }
0xb6: {  	_ =	strace $0x9000004B  }
0xb7: {  	_ =	sfence  }
0xb8: {  	s30 =	sld [smem:$0x0];
	_ =	sdelay $0x2  }
0xb9: {  	s31 =	sshll.u32 s1, $0xD;
	s1 =	sshrl.u32 s1, $0x2  }
0xba: {  	s3 =	sand.u32 $0x4000, s31;
	s1 =	sadd.s32 s1, s30  }
0xbb: {  	s0 =	sor.u32 s3, s0;
	s1 =	sshll.u32 s1, $0x11  }
0xbc: {  	s0 =	sor.u32 s1, s0  }
0xbd: {  	s0 =	sadd.s32 $0x8F2B, s0  }
0xbe: {  	[sflag:s0] =	ssyncadd.remote.s32 $0x1  }
0xbf: {  	_ =	sfence.sel $0xFFFF  }
0xc0: {  	[dreg:$0x0] =	wrdreg $0xFFFFFFFF;
	(pc) =	sbr.abs _section_cstart, $3  }
0xc1: {  	[dreg:$0x1] =	wrdreg $0xFFFFFFFF  }
0xc2: {  	_ =	task.clear_ibuf [dreg:s7], $0x2FFFF;
	_ =	strace $0x9FFFFFFF  }
0xc3: {  	(tm) =	ssettm $0x7FFFFFFF  }
tec
execute0_lowered:
.L_overlay_start_1:
0x0: {  	(tag) =	ssettag $0x1  }
0x1: {  	s0 =	rddreg [dreg:$0x0]  }
0x2: {  	s1 =	rddreg [dreg:$0x1]  }
0x3: {  	s2 =	rddreg [dreg:$0x2]  }
0x4: {  	s3 =	srdreg.scid;
	s9 =	stileid.u32;
	s20 =	simm.s32 $0x0  }
0x5: {  	s10 =	simm.s32 $0x11;
	s14 =	simm.s32 $0x80;
	s15 =	simm.s32 $0x5000  }
0x6: {  	s16 =	simm.s32 $0x7000;
	s28 =	simm.s32 $0x1;
	s29 =	simm.s32 $0x13000  }
0x7: {  	s30 =	simm.s32 $0x2;
	s31 =	simm.s32 $0x9;
	s11 =	simm.s32 $0x6  }
0x8: {  	s17 =	simm.s32 $0xD;
	s18 =	simm.s32 $0x8;
	s19 =	simm.s32 $0xF  }
0x9: {  	s5 =	sand.u32 $0x1, s3;
	s6 =	smul.u32 $0x14000, s9;
	[smem:$0x7FF] =	sst s20  }
0xa: {  	s26 =	sshll.u32 s9, $0x6;
	s20 =	simm.s32 $0xB000;
	s4 =	sshll.u32 s5, $0x4  }
0xb: {  	s7 =	smul.u32 $0x140000, s5;
	_ =	strace $0x8000004A;
	s5 =	ssub.s32 $0x2, s5  }
0xc: {  	s12 =	sor.u32 $0x1C11, s26;
	s26 =	simm.s32 $0x11000;
	s4 =	sor.u32 s9, s4  }
0xd: {  	s21 =	sshrl.u32 s5, $0x1;
	s23 =	sshrl.u32 s6, $0x1;
	s8 =	smul.u32 $0x500, s4  }
0xe: {  	s7 =	sadd.s32 s6, s7;
	s4 =	sadd.s32 $0x24A00, s0;
	s6 =	sshrl.u32 s6, $0x4  }
0xf: {  	s5 =	ssub.s32 s5, s21;
	s7 =	sshrl.u32 s7, $0x4;
	s1 =	sadd.s32 s1, s6  }
0x10: {  	s25 =	smax.u32 s5, $0x1;
	s8 =	sadd.s32 s8, s0;
	[dreg:$0x6] =	wrdreg s1  }
.Ltmp0:
0x11: {  	[dreg:$0x8] =	wrdreg s25;
	s22 =	sadd.s32 $0x1AA00, s8;
	(pc) =	sbr.rel .LBB2_1-.Ltmp0, $4  }
0x12: {  	s0 =	sadd.s32 s7, s0;
	s24 =	sadd.s32 $0x1800, s8;
	[dreg:$0x4] =	wrdreg s22  }
0x13: {  	s7 =	sadd.s32 s23, s2;
	s0 =	sadd.s32 $0x38400, s0;
	[dreg:$0x5] =	wrdreg s24  }
0x14: {  	s1 =	simm.s32 $0xB;
	s13 =	sshrl.u32 s7, $0x3;
	[dreg:$0x7] =	wrdreg s0  }
0x15: {  	s24 =	simm.s32 $0xF000;
	s0 =	simm.s32 $0x4;
	s22 =	simm.s32 $0x0  }
.LBB2_4:
0x16: {  	s3 =	simm.s32 $0x10  }
0x17: {  	_ =	swait.ge [sflag:s3], $0x2000  }
0x18: {  	[sflag:s3] =	ssyncset.done $0x0  }
0x19: {  	[sflag:s3] =	ssyncadd.s32 $0xFFFFE000  }
0x1a: {  	[bflag:$0x0] =	sbarrier.arrive $0xFFFF  }
0x1b: {  	s23 =	rddreg [dreg:$0x7]  }
0x1c: {  	[hbm:s23], [sflag:s12] =	dma.local [spmem:s13], $0x1400  }
0x1d: {  	_ =	swait.ge [sflag:s10], $0x1400  }
0x1e: {  	s22 =	sadd.s32 $0x1, s22;
	s25 =	rddreg [dreg:$0x8]  }
0x1f: {  	p0 =	sne.s32 s22, s25  }
.Ltmp1:
0x20: {  	_ = 	snop;
	(pc) =	sbr.rel @!p0 .LBB2_5-.Ltmp1, $3  }
0x21: {  	_ =	sdelay $0x1  }
0x22: {  	[sflag:s10] =	ssyncset.done $0x0  }
0x23: {  	[sflag:s10] =	ssyncadd.s32 $0xFFFFEC00  }
.LBB2_1:
0x24: {  	s3 =	simm.s32 $0x0;
	s5 =	rddreg [dreg:$0x4]  }
0x25: {  	[tilespmem:s3], [sflag:$0x11] =	stream.linear.gather [hbm4b:s5+s3], $0x2800, $0x38;
	[tilespmem:$0x1F000] =	vst v63  }
0x26: {  	_ =	swait.ge [sflag:s10], $0x2800  }
0x27: {  	[sflag:s10] =	ssyncset.done $0x0  }
0x28: {  	s6 =	simm.s32 $0x2800;
	s23 =	rddreg [dreg:$0x5];
	[sflag:s10] =	ssyncadd.s32 $0xFFFFD800  }
0x29: {  	[tilespmem:s6], [sflag:$0x11] =	stream.linear.gather [hbm4b:s23+s3], $0x2800, $0x38;
	[tilespmem:$0x1F000] =	vst v63  }
0x2a: {  	_ =	swait.ge [sflag:s10], $0x2800  }
0x2b: {  	[sflag:s10] =	ssyncset.done $0x0  }
0x2c: {  	s25 =	rddreg [dreg:$0x6];
	[sflag:s10] =	ssyncadd.s32 $0xFFFFD800  }
0x2d: {  	[spmem:s13], [sflag:s12] =	dma.local [hbm:s25], $0x1400  }
0x2e: {  	_ =	swait.ge [sflag:s10], $0x1400  }
0x2f: {  	[sflag:s10] =	ssyncset.done $0x0  }
0x30: {  	[sflag:s10] =	ssyncadd.s32 $0xFFFFEC00  }
0x31: {  	[bflag:$0x0] =	sbarrier.arrive $0xFFFF  }
0x32: {  	[tilespmem:s15], [sflag:$0x1] =	stream.indirect.gather [hbm4b:s4+s14], $0x40, s3, s14, $0xb8;
	[tilespmem:$0x1F000] =	vst v63  }
0x33: {  	_ = 	snop  }
0x34: {  	[tilespmem:s16], [sflag:$0x2] =	stream.indirect.gather [hbm4b:s4+s14], $0x40, s14, s14, $0xb8;
	[tilespmem:$0x1F000] =	vst v63  }
0x35: {  	s7 =	simm.s32 $0x9000;
	s6 =	simm.s32 $0x100  }
0x36: {  	[tilespmem:s7], [sflag:$0x3] =	stream.indirect.gather [hbm4b:s4+s14], $0x40, s6, s14, $0xb8;
	[tilespmem:$0x1F000] =	vst v63  }
0x37: {  	s8 =	simm.s32 $0x180  }
0x38: {  	[tilespmem:s20], [sflag:$0x4] =	stream.indirect.gather [hbm4b:s4+s14], $0x40, s8, s14, $0xb8;
	[tilespmem:$0x1F000] =	vst v63  }
0x39: {  	s9 =	simm.s32 $0x200;
	s21 =	simm.s32 $0xD000  }
0x3a: {  	[tilespmem:s21], [sflag:$0x5] =	stream.indirect.gather [hbm4b:s4+s14], $0x40, s9, s14, $0xb8;
	[tilespmem:$0x1F000] =	vst v63  }
0x3b: {  	s23 =	simm.s32 $0x280  }
0x3c: {  	[tilespmem:s24], [sflag:$0x6] =	stream.indirect.gather [hbm4b:s4+s14], $0x40, s23, s14, $0xb8;
	[tilespmem:$0x1F000] =	vst v63  }
0x3d: {  	s25 =	simm.s32 $0x300;
	s23 =	simm.s32 $0x0  }
0x3e: {  	[tilespmem:s26], [sflag:$0x7] =	stream.indirect.gather [hbm4b:s4+s14], $0x40, s25, s14, $0xb8;
	[tilespmem:$0x1F000] =	vst v63  }
.LBB2_2:
0x3f: {  	_ =	swait.ge [sflag:s28], $0x2000  }
0x40: {  	s25 =	sshra.s32 s23, $0x2;
	[sflag:s28] =	ssyncset.done $0x0  }
0x41: {  	p0 =	seq.s32 s23, $0x0;
	s5 =	sadd.s32 $0x2800, s25;
	[sflag:s28] =	ssyncadd.s32 $0xFFFFE000  }
0x42: {  	[spmem:s2] =	stream.indirect.scatter.add.bf16 [tilespmem:s15], [sflag:$0x9], $0x40, s5, s14, $0xb8;
	[tilespmem:$0x1F000] =	vst v63  }
0x43: {  	s5 =	simm.s32 @!p0 $0x10  }
0x44: {  	_ =	swait.ge @!p0 [sflag:s5], $0x2000  }
0x45: {  	[sflag:s5] =	ssyncset.done @!p0 $0x0  }
0x46: {  	s8 =	sadd.s32 $0x380, s25;
	[sflag:s5] =	ssyncadd.s32 @!p0 $0xFFFFE000  }
0x47: {  	[tilespmem:s29], [sflag:$0x8] =	stream.indirect.gather [hbm4b:s4+s14], $0x40, s8, s14, $0xb8;
	[tilespmem:$0x1F000] =	vst v63  }
0x48: {  	_ =	swait.ge [sflag:s30], $0x2000  }
0x49: {  	[sflag:s30] =	ssyncset.done $0x0  }
0x4a: {  	s9 =	sadd.s32 $0x2880, s25;
	[sflag:s30] =	ssyncadd.s32 $0xFFFFE000  }
0x4b: {  	[spmem:s2] =	stream.indirect.scatter.add.bf16 [tilespmem:s16], [sflag:$0xA], $0x40, s9, s14, $0xb8;
	[tilespmem:$0x1F000] =	vst v63  }
0x4c: {  	_ =	swait.ge [sflag:s31], $0x2000  }
0x4d: {  	p0 =	seq.s32 s23, $0x9000;
	[sflag:s31] =	ssyncset.done $0x0  }
0x4e: {  	s5 =	simm.s32 @p0 $0x3;
	[sflag:s31] =	ssyncadd.s32 $0xFFFFE000  }
0x4f: {  	_ =	swait.ge @p0 [sflag:s5], $0x2000  }
0x50: {  	s7 =	sshra.s32 @p0 s23, $0x2;
	s8 =	simm.s32 @p0 $0x80;
	[sflag:s5] =	ssyncset.done @p0 $0x0  }
0x51: {  	s6 =	simm.s32 @p0 $0x9000;
	[sflag:s5] =	ssyncadd.s32 @p0 $0xFFFFE000;
	s5 =	sadd.s32 @p0 $0x2900, s7  }
0x52: {  	[spmem:s2] =	stream.indirect.scatter.add.bf16 @p0 [tilespmem:s6], [sflag:$0xB], $0x40, s5, s8, $0xb8;
	[tilespmem:$0x1F000] =	vst v63  }
0x53: {  	s5 =	simm.s32 @p0 $0xA  }
0x54: {  	_ =	swait.ge @p0 [sflag:s5], $0x2000  }
0x55: {  	[sflag:s5] =	ssyncset.done @p0 $0x0  }
0x56: {  	[sflag:s5] =	ssyncadd.s32 @p0 $0xFFFFE000;
	s5 =	sshra.s32 @!p0 s23, $0x2  }
0x57: {  	s3 =	simm.s32 @!p0 $0x5000;
	s6 =	simm.s32 @!p0 $0x80;
	s9 =	sadd.s32 @!p0 $0x400, s5  }
0x58: {  	[tilespmem:s3], [sflag:$0x1] =	stream.indirect.gather @!p0 [hbm4b:s4+s6], $0x40, s9, s6, $0xb8;
	[tilespmem:$0x1F000] =	vst v63  }
0x59: {  	s3 =	simm.s32 @!p0 $0x3  }
0x5a: {  	_ =	swait.ge @!p0 [sflag:s3], $0x2000  }
0x5b: {  	[sflag:s3] =	ssyncset.done @!p0 $0x0  }
0x5c: {  	s9 =	simm.s32 @!p0 $0x9000;
	[sflag:s3] =	ssyncadd.s32 @!p0 $0xFFFFE000;
	s3 =	sadd.s32 @!p0 $0x2900, s5  }
0x5d: {  	[spmem:s2] =	stream.indirect.scatter.add.bf16 @!p0 [tilespmem:s9], [sflag:$0xB], $0x40, s3, s6, $0xb8;
	[tilespmem:$0x1F000] =	vst v63  }
0x5e: {  	s3 =	simm.s32 @!p0 $0xA  }
0x5f: {  	_ =	swait.ge @!p0 [sflag:s3], $0x2000  }
0x60: {  	[sflag:s3] =	ssyncset.done @!p0 $0x0  }
0x61: {  	s21 =	simm.s32 @!p0 $0x7000;
	[sflag:s3] =	ssyncadd.s32 @!p0 $0xFFFFE000;
	s3 =	sadd.s32 @!p0 $0x480, s5  }
0x62: {  	[tilespmem:s21], [sflag:$0x2] =	stream.indirect.gather @!p0 [hbm4b:s4+s6], $0x40, s3, s6, $0xb8;
	[tilespmem:$0x1F000] =	vst v63  }
0x63: {  	_ =	swait.ge [sflag:s0], $0x2000  }
0x64: {  	[sflag:s0] =	ssyncset.done $0x0  }
0x65: {  	s21 =	sadd.s32 $0x2980, s25;
	[sflag:s0] =	ssyncadd.s32 $0xFFFFE000  }
0x66: {  	[spmem:s2] =	stream.indirect.scatter.add.bf16 [tilespmem:s20], [sflag:$0xC], $0x40, s21, s14, $0xb8;
	[tilespmem:$0x1F000] =	vst v63  }
0x67: {  	_ =	swait.ge [sflag:s1], $0x2000  }
0x68: {  	[sflag:s1] =	ssyncset.done $0x0  }
0x69: {  	s3 =	simm.s32 @p0 $0x5;
	[sflag:s1] =	ssyncadd.s32 $0xFFFFE000  }
0x6a: {  	_ =	swait.ge @p0 [sflag:s3], $0x2000  }
0x6b: {  	[sflag:s3] =	ssyncset.done @p0 $0x0  }
0x6c: {  	s21 =	simm.s32 @p0 $0xD000;
	[sflag:s3] =	ssyncadd.s32 @p0 $0xFFFFE000;
	s3 =	sadd.s32 @p0 $0x2A00, s7  }
0x6d: {  	[spmem:s2] =	stream.indirect.scatter.add.bf16 @p0 [tilespmem:s21], [sflag:$0xD], $0x40, s3, s8, $0xb8;
	[tilespmem:$0x1F000] =	vst v63  }
0x6e: {  	s3 =	simm.s32 @p0 $0xC  }
0x6f: {  	_ =	swait.ge @p0 [sflag:s3], $0x2000  }
0x70: {  	[sflag:s3] =	ssyncset.done @p0 $0x0  }
0x71: {  	[sflag:s3] =	ssyncadd.s32 @p0 $0xFFFFE000;
	s3 =	sadd.s32 @!p0 $0x500, s5  }
0x72: {  	[tilespmem:s9], [sflag:$0x3] =	stream.indirect.gather @!p0 [hbm4b:s4+s6], $0x40, s3, s6, $0xb8;
	[tilespmem:$0x1F000] =	vst v63  }
0x73: {  	s3 =	simm.s32 @!p0 $0x5  }
0x74: {  	_ =	swait.ge @!p0 [sflag:s3], $0x2000  }
0x75: {  	[sflag:s3] =	ssyncset.done @!p0 $0x0  }
0x76: {  	s9 =	simm.s32 @!p0 $0xD000;
	[sflag:s3] =	ssyncadd.s32 @!p0 $0xFFFFE000;
	s3 =	sadd.s32 @!p0 $0x2A00, s5  }
0x77: {  	[spmem:s2] =	stream.indirect.scatter.add.bf16 @!p0 [tilespmem:s9], [sflag:$0xD], $0x40, s3, s6, $0xb8;
	[tilespmem:$0x1F000] =	vst v63  }
0x78: {  	s3 =	simm.s32 @!p0 $0xC  }
0x79: {  	_ =	swait.ge @!p0 [sflag:s3], $0x2000  }
0x7a: {  	[sflag:s3] =	ssyncset.done @!p0 $0x0  }
0x7b: {  	s21 =	simm.s32 @!p0 $0xB000;
	[sflag:s3] =	ssyncadd.s32 @!p0 $0xFFFFE000;
	s3 =	sadd.s32 @!p0 $0x580, s5  }
0x7c: {  	[tilespmem:s21], [sflag:$0x4] =	stream.indirect.gather @!p0 [hbm4b:s4+s6], $0x40, s3, s6, $0xb8;
	[tilespmem:$0x1F000] =	vst v63  }
0x7d: {  	_ =	swait.ge [sflag:s11], $0x2000  }
0x7e: {  	[sflag:s11] =	ssyncset.done $0x0  }
0x7f: {  	s21 =	sadd.s32 $0x2A80, s25;
	[sflag:s11] =	ssyncadd.s32 $0xFFFFE000  }
0x80: {  	[spmem:s2] =	stream.indirect.scatter.add.bf16 [tilespmem:s24], [sflag:$0xE], $0x40, s21, s14, $0xb8;
	[tilespmem:$0x1F000] =	vst v63  }
0x81: {  	_ =	swait.ge [sflag:s17], $0x2000  }
0x82: {  	[sflag:s17] =	ssyncset.done $0x0  }
0x83: {  	s3 =	simm.s32 @p0 $0x7;
	[sflag:s17] =	ssyncadd.s32 $0xFFFFE000  }
0x84: {  	_ =	swait.ge @p0 [sflag:s3], $0x2000  }
0x85: {  	[sflag:s3] =	ssyncset.done @p0 $0x0  }
0x86: {  	[sflag:s3] =	ssyncadd.s32 @p0 $0xFFFFE000;
	s3 =	sadd.s32 @p0 $0x2B00, s7;
	s7 =	simm.s32 @p0 $0x11000  }
0x87: {  	[spmem:s2] =	stream.indirect.scatter.add.bf16 @p0 [tilespmem:s7], [sflag:$0xF], $0x40, s3, s8, $0xb8;
	[tilespmem:$0x1F000] =	vst v63  }
0x88: {  	s3 =	simm.s32 @p0 $0xE  }
0x89: {  	_ =	swait.ge @p0 [sflag:s3], $0x2000  }
0x8a: {  	[sflag:s3] =	ssyncset.done @p0 $0x0  }
0x8b: {  	[sflag:s3] =	ssyncadd.s32 @p0 $0xFFFFE000;
	s3 =	sadd.s32 @!p0 $0x600, s5  }
0x8c: {  	[tilespmem:s9], [sflag:$0x5] =	stream.indirect.gather @!p0 [hbm4b:s4+s6], $0x40, s3, s6, $0xb8;
	[tilespmem:$0x1F000] =	vst v63  }
0x8d: {  	s3 =	simm.s32 @!p0 $0x7  }
0x8e: {  	_ =	swait.ge @!p0 [sflag:s3], $0x2000  }
0x8f: {  	[sflag:s3] =	ssyncset.done @!p0 $0x0  }
0x90: {  	s7 =	simm.s32 @!p0 $0x11000;
	[sflag:s3] =	ssyncadd.s32 @!p0 $0xFFFFE000;
	s3 =	sadd.s32 @!p0 $0x2B00, s5  }
0x91: {  	[spmem:s2] =	stream.indirect.scatter.add.bf16 @!p0 [tilespmem:s7], [sflag:$0xF], $0x40, s3, s6, $0xb8;
	[tilespmem:$0x1F000] =	vst v63  }
0x92: {  	s3 =	simm.s32 @!p0 $0xE  }
0x93: {  	_ =	swait.ge @!p0 [sflag:s3], $0x2000  }
0x94: {  	[sflag:s3] =	ssyncset.done @!p0 $0x0  }
0x95: {  	[sflag:s3] =	ssyncadd.s32 @!p0 $0xFFFFE000;
	s3 =	sadd.s32 @!p0 $0x680, s5;
	s5 =	simm.s32 @!p0 $0xF000  }
0x96: {  	[tilespmem:s5], [sflag:$0x6] =	stream.indirect.gather @!p0 [hbm4b:s4+s6], $0x40, s3, s6, $0xb8;
	[tilespmem:$0x1F000] =	vst v63  }
0x97: {  	_ =	swait.ge [sflag:s18], $0x2000  }
0x98: {  	[sflag:s18] =	ssyncset.done $0x0  }
.Ltmp2:
0x99: {  	s21 =	sadd.s32 $0x2B80, s25;
	[sflag:s18] =	ssyncadd.s32 $0xFFFFE000;
	(pc) =	sbr.rel @p0 .LBB2_4-.Ltmp2, $4  }
0x9a: {  	[spmem:s2] =	stream.indirect.scatter.add.bf16 [tilespmem:s29], [sflag:$0x10], $0x40, s21, s14, $0xb8;
	[tilespmem:$0x1F000] =	vst v63  }
0x9b: {  	_ =	swait.ge [sflag:s19], $0x2000  }
0x9c: {  	[sflag:s19] =	ssyncset.done $0x0  }
0x9d: {  	[sflag:s19] =	ssyncadd.s32 $0xFFFFE000  }
.Ltmp3:
0x9e: {  	(pc) =	sbr.rel .LBB2_2-.Ltmp3, $3  }
0x9f: {  	_ =	sdelay $0x1  }
0xa0: {  	s3 =	sadd.s32 $0x700, s25;
	s23 =	sadd.s32 $0x1000, s23  }
0xa1: {  	[tilespmem:s26], [sflag:$0x7] =	stream.indirect.gather [hbm4b:s4+s14], $0x40, s3, s14, $0xb8;
	[tilespmem:$0x1F000] =	vst v63  }
.LBB2_5:
0xa2: {  	_ =	sfence.sel $0x180000  }
0xa3: {  	[bflag:$0x0] =	sbarrier.arrive $0xFFFF  }
0xa4: {  	_ =	strace $0x9000004A  }
0xa5: {  	s0 =	stileid.u32;
	[bflag:$0x2] =	sbarrier.arrive $0xFFFF  }
0xa6: {  	p0 =	sne.s32 s0, $0x0;
	s0 =	rddreg [dreg:$0x3]  }
0xa7: {  	s0 =	sadd.s32 @!p0 $0x100000, s0  }
0xa8: {  	[sflag:s0] =	ssyncadd.tile.s32 @!p0 $0x1;
	_ =	shalt  }
.Lfunc_end2:
_tile_overlayer_lowered:
.L_overlay_start_2:
0xa9: {  	(tag) =	ssettag $0x2  }
0xaa: {  	s0 =	rddreg [dreg:$0x0];
	s2 =	stileid.u32  }
0xab: {  	s1 =	rddreg [dreg:$0x1];
	p0 =	sne.s32 s2, $0x0  }
0xac: {  	s3 =	rddreg [dreg:$0x2];
	[bflag:$0x3] =	sbarrier.arrive $0xFFFF;
	s2 =	simm.s32 @!p0 $0x1C11  }
0xad: {  	[timem:s3], [sflag:s2] =	dma.local @!p0 [hbm:s0], s1  }
0xae: {  	s0 =	simm.s32 @!p0 $0x11  }
0xaf: {  	_ =	swait.ge @!p0 [sflag:s0], s1  }
0xb0: {  	s1 =	ssub.s32 @!p0 $0x0, s1;
	[sflag:s0] =	ssyncset.done @!p0 $0x0  }
0xb1: {  	[sflag:s0] =	ssyncadd.s32 @!p0 s1  }
0xb2: {  	[bflag:$0x3] =	sbarrier.arrive $0xFFFF  }
0xb3: {  	_ =	shalt  }

// kernel: kernel.14.cloned.1.call-start
scs
__scs_entry_jumppad:
0x0: {  	(pc) =	sbr.rel $0x88, $3  }
0x1: {  	(tag) =	ssettag $0x0;
	lr =	simm.s32 $0x1  }
0x2: {  	[smem:$0x3F9B] =	sst lr;
	_ =	strace $0xD0000000  }
0x3: {  	_ = 	snop  }
0x4: {  	_ = 	snop  }
0x5: {  	_ = 	snop  }
0x6: {  	_ = 	snop  }
0x7: {  	_ = 	snop  }
__scs_overlays_trampoline_lowered:
0x8: {  	[smem:$0x3FAA] =	sst s0  }
0x9: {  	[smem:$0x3FAB] =	sst s1  }
0xa: {  	[smem:$0x3FAC] =	sst s2  }
0xb: {  	[smem:$0x3FAD] =	sst s3  }
0xc: {  	[smem:$0x3FAE] =	sst s4  }
0xd: {  	[smem:$0x3FAF] =	sst s5  }
0xe: {  	[smem:$0x3FB0] =	sst s6  }
0xf: {  	[smem:$0x3FB1] =	sst s7  }
0x10: {  	[smem:$0x3FB2] =	sst s8  }
0x11: {  	[smem:$0x3FB3] =	sst s9;
	s0 =	simm.s32 @!p0 $0x0  }
0x12: {  	s1 =	sld [smem:$0x3F99];
	s0 =	simm.s32 @p0 $0x1  }
0x13: {  	[smem:$0x3FB4] =	sst s0;
	s0 =	simm.s32 @!p1 $0x0  }
0x14: {  	s2 =	sld [smem:$0x3F98];
	s0 =	simm.s32 @p1 $0x1  }
0x15: {  	[smem:$0x3FB5] =	sst s0;
	s0 =	simm.s32 @!p2 $0x0  }
0x16: {  	s3 =	sld [smem:$0x3FDB];
	s0 =	simm.s32 @p2 $0x1  }
0x17: {  	s4 =	simm.s32 $0x1BF5;
	[smem:$0x3FB7] =	sst s0  }
0x18: {  	s0 =	sld [smem:$0x3F9A];
	_ =	swait.ge [sflag:s4], $0x0  }
0x19: {  	s7 =	sld [smem:$0x3F9B]  }
0x1a: {  	s8 =	sadd.s32 $0xFFFFE003, lr  }
0x1b: {  	s9 =	sadd.s32 $0xFFFFFEF7, lr;
	s5 =	simm.s32 $0xFFFFFFFF;
	p2 =	slt.u32 s8, $0xFFFFF086  }
0x1c: {  	p1 =	slt.u32 s9, $0xF7A;
	s5 =	simm.s32 @!p2 $0x0  }
0x1d: {  	s5 =	simm.s32 @p1 $0x1;
	p0 =	seq.s32 s7, s2  }
0x1e: {  	s7 =	smul.u32 @!p0 $0xF7A, s2;
	p2 =	seq.s32 @!p0 s5, $0x0  }
0x1f: {  	s9 =	smul.u32 $0xF7A, s1;
	s8 =	simm.s32 @!p0 $0x1BF5;
	p2 =	por !p2, p0  }
0x20: {  	[sflag:s8] =	ssyncset.s32 @!p0 $0xFFFFF086;
	s6 =	sadd.s32 @!p0 s3, s7;
	s7 =	simm.s32 @!p0 $0x108  }
0x21: {  	s3 =	sadd.s32 s3, s9;
	s6 =	sadd.s32 @!p0 $0x88, s6;
	s7 =	simm.s32 @p2 $0x1082  }
0x22: {  	[simem:s7], [sflag:s8] =	dma.local @!p0 [hbm:s6], $0xF7A  }
0x23: {  	s9 =	sor.u32 $0xD0000000, s2;
	s6 =	simm.s32 $0x108;
	_ =	swait.ge @!p0 [sflag:s8], $0x0  }
0x24: {  	s3 =	sadd.s32 $0x88, s3;
	s6 =	simm.s32 @!p1 $0x1082;
	[sflag:s4] =	ssyncset.s32 $0xFFFFF086  }
0x25: {  	[simem:s6], [sflag:s4] =	dma.local [hbm:s3], $0xF7A  }
0x26: {  	[smem:$0x3F9B] =	sst s1;
	(tag) =	ssettag s2;
	_ =	strace s9  }
0x27: {  	s1 =	sld [smem:$0x3FAB]  }
0x28: {  	s2 =	sld [smem:$0x3FAC]  }
0x29: {  	s4 =	sld [smem:$0x3FAE]  }
0x2a: {  	p0 =	seq.s32 s5, $0x0;
	s5 =	sld [smem:$0x3FAF]  }
0x2b: {  	s6 =	sld [smem:$0x3FB0]  }
0x2c: {  	s7 =	sld [smem:$0x3FB1]  }
0x2d: {  	s3 =	simm.s32 $0x108;
	s8 =	sld [smem:$0x3FB2]  }
0x2e: {  	s3 =	simm.s32 @!p0 $0x1082;
	s9 =	sld [smem:$0x3FB3]  }
0x2f: {  	lr =	sadd.s32 s0, s3;
	s0 =	sld [smem:$0x3FAA]  }
0x30: {  	s3 =	sld [smem:$0x3FAD]  }
0x31: {  	[smem:$0x3FB6] =	sst s10  }
0x32: {  	s10 =	sld [smem:$0x3FB4];
	_ =	sdelay $0x3  }
0x33: {  	p0 =	seq.s32 s10, $0x1;
	s10 =	sld [smem:$0x3FB6];
	_ =	sdelay $0x3  }
0x34: {  	[smem:$0x3FB6] =	sst s10  }
0x35: {  	s10 =	sld [smem:$0x3FB5];
	_ =	sdelay $0x3  }
0x36: {  	p1 =	seq.s32 s10, $0x1;
	s10 =	sld [smem:$0x3FB6];
	_ =	sdelay $0x3  }
0x37: {  	[smem:$0x3FB6] =	sst s10  }
0x38: {  	s10 =	sld [smem:$0x3FB7]  }
0x39: {  	_ = 	snop;
	(pc) =	sbr.ind lr, $3  }
0x3a: {  	_ = 	snop  }
0x3b: {  	_ = 	snop  }
0x3c: {  	p2 =	seq.s32 s10, $0x1;
	s10 =	sld [smem:$0x3FB6]  }
0x3d: {  	_ =	shalt  }
0x3e: {  	_ =	shalt  }
0x3f: {  	_ =	shalt  }
0x40: {  	_ =	shalt  }
0x41: {  	_ =	shalt  }
0x42: {  	_ =	shalt  }
0x43: {  	_ =	shalt  }
0x44: {  	_ =	shalt  }
0x45: {  	_ =	shalt  }
0x46: {  	_ =	shalt  }
0x47: {  	_ =	shalt  }
0x48: {  	_ =	shalt  }
0x49: {  	_ =	shalt  }
0x4a: {  	_ =	shalt  }
0x4b: {  	_ =	shalt  }
0x4c: {  	_ =	shalt  }
0x4d: {  	_ =	shalt  }
0x4e: {  	_ =	shalt  }
0x4f: {  	_ =	shalt  }
0x50: {  	_ =	shalt  }
0x51: {  	_ =	shalt  }
0x52: {  	_ =	shalt  }
0x53: {  	_ =	shalt  }
0x54: {  	_ =	shalt  }
0x55: {  	_ =	shalt  }
0x56: {  	_ =	shalt  }
0x57: {  	_ =	shalt  }
0x58: {  	_ =	shalt  }
0x59: {  	_ =	shalt  }
0x5a: {  	_ =	shalt  }
0x5b: {  	_ =	shalt  }
0x5c: {  	_ =	shalt  }
0x5d: {  	_ =	shalt  }
0x5e: {  	_ =	shalt  }
0x5f: {  	_ =	shalt  }
0x60: {  	_ =	shalt  }
0x61: {  	_ =	shalt  }
0x62: {  	_ =	shalt  }
0x63: {  	_ =	shalt  }
0x64: {  	_ =	shalt  }
0x65: {  	_ =	shalt  }
0x66: {  	_ =	shalt  }
0x67: {  	_ =	shalt  }
0x68: {  	_ =	shalt  }
0x69: {  	_ =	shalt  }
0x6a: {  	_ =	shalt  }
0x6b: {  	_ =	shalt  }
0x6c: {  	_ =	shalt  }
0x6d: {  	_ =	shalt  }
0x6e: {  	_ =	shalt  }
0x6f: {  	_ =	shalt  }
0x70: {  	_ =	shalt  }
0x71: {  	_ =	shalt  }
0x72: {  	_ =	shalt  }
0x73: {  	_ =	shalt  }
0x74: {  	_ =	shalt  }
0x75: {  	_ =	shalt  }
0x76: {  	_ =	shalt  }
0x77: {  	_ =	shalt  }
0x78: {  	_ =	shalt  }
0x79: {  	_ =	shalt  }
0x7a: {  	_ =	shalt  }
0x7b: {  	_ =	shalt  }
0x7c: {  	_ =	shalt  }
0x7d: {  	_ =	shalt  }
0x7e: {  	_ =	shalt  }
0x7f: {  	_ =	shalt  }
0x80: {  	_ =	shalt  }
0x81: {  	_ =	shalt  }
0x82: {  	_ =	shalt  }
0x83: {  	_ =	shalt  }
0x84: {  	_ =	shalt  }
0x85: {  	_ =	shalt  }
0x86: {  	_ =	shalt  }
0x87: {  	_ =	shalt  }
.Lfunc_end0:
.L_simem_size_0:
called_computation.2_lowered:
.L_overlay_start_0:
0x88: {  	s2 =	sld [smem:$0x3FD9]  }
0x89: {  	s3 =	sld [smem:$0x3FFE];
	_ =	sdelay $0x1  }
0x8a: {  	s1 =	srdreg.scid  }
0x8b: {  	s0 =	sand.u32 $0x1, s1  }
0x8c: {  	s17 =	sshll.u32 s0, $0xA;
	s2 =	sadd.s32 s3, s2  }
0x8d: {  	s2 =	sadd.s32 s2, s17  }
0x8e: {  	[smem:$0x3FC2] =	sst s2  }
0x8f: {  	_ = 	snop  }
0x90: {  	s2 =	sld [smem:$0x3FD0];
	(tm) =	ssettm $0x1  }
0x91: {  	s18 =	sld [smem:$0x3FFB];
	_ =	sdelay $0x3  }
0x92: {  	_ =	strace s18  }
0x93: {  	s3 =	sld [smem:$0x3FFC];
	_ =	sdelay $0x3  }
0x94: {  	_ =	strace s3  }
0x95: {  	s3 =	sld [smem:$0x3FFD];
	_ =	sdelay $0x3  }
0x96: {  	_ =	strace s3  }
0x97: {  	_ =	strace $0x8FFFFFFF  }
0x98: {  	s19 =	sld [smem:$0x3FDB];
	_ =	sdelay $0x1  }
0x99: {  	s4 =	simm.s32 $_scs_section_size  }
0x9a: {  	s5 =	simm.s32 $_size__tile_overlayer_lowered;
	s6 =	simm.s32 $_tile_overlayer_lowered  }
0x9b: {  	s22 =	simm.s32 $0x1BFF;
	s21 =	sshll.u32 s6, $0x1;
	s3 =	sadd.s32 s4, s19  }
0x9c: {  	s7 =	simm.s32 $0x0;
	s20 =	sshll.u32 s5, $0x1;
	s5 =	sadd.s32 s21, s3  }
0x9d: {  	[timem:s7], [sflag:s22] =	dma.local [hbm:s5], s20  }
0x9e: {  	_ =	swait.ge [sflag:s22], s20  }
0x9f: {  	s4 =	ssub.s32 $0x0, s20;
	[sflag:s22] =	ssyncset.done $0x0  }
0xa0: {  	[sflag:s22] =	ssyncadd.s32 s4;
	_ =	sdelay $0x1  }
0xa1: {  	s23 =	simm.s32 $0x1B8B  }
0xa2: {  	_ =	swait.ge [sflag:s23], $0x1  }
0xa3: {  	[sflag:s23] =	ssyncset.done $0x0  }
0xa4: {  	s25 =	simm.s32 $0x1B8E;
	s24 =	sld [smem:$0x3FFE];
	[sflag:s23] =	ssyncadd.s32 $0xFFFFFFFF  }
0xa5: {  	s26 =	simm.s32 $execute0_lowered;
	[smem:$0x3FD2] =	sst s25  }
0xa6: {  	s5 =	sshll.u32 s26, $0x1;
	_ =	strace $0x8000004C;
	[dreg:$0x1] =	wrdreg $0xFFFFFFFF  }
0xa7: {  	s28 =	simm.s32 $_size_execute0_lowered;
	s3 =	sadd.s32 s3, s5;
	[dreg:$0x0] =	wrdreg $0x0  }
0xa8: {  	s5 =	sshll.u32 s28, $0x1;
	[dreg:$0x2] =	wrdreg s3  }
0xa9: {  	[dreg:$0x3] =	wrdreg s5  }
0xaa: {  	[dreg:$0x4] =	wrdreg $0xC0  }
0xab: {  	_ =	task [dreg:s7], $0x5FFFF  }
0xac: {  	[dreg:$0x1] =	wrdreg $0xFFFFFFFF  }
0xad: {  	[dreg:$0x0] =	wrdreg $0x60  }
0xae: {  	[dreg:$0x2] =	wrdreg s24  }
0xaf: {  	[dreg:$0x3] =	wrdreg s2  }
0xb0: {  	[dreg:$0x4] =	wrdreg $0x150000  }
0xb1: {  	[dreg:$0x5] =	wrdreg $0x9  }
0xb2: {  	_ =	task.clear_ibuf [dreg:s7], $0x6FFFF;
	_ =	strace $0x9000004C  }
0xb3: {  	s29 =	simm.s32 $0x9;
	_ =	strace $0x8000004E  }
0xb4: {  	_ =	swait.ge [sflag:s29], $0x1  }
0xb5: {  	[sflag:s29] =	ssyncadd.s32 $0xFFFFFFFF  }
0xb6: {  	_ =	strace $0x9000004E  }
0xb7: {  	_ =	sfence  }
0xb8: {  	s30 =	sld [smem:$0x0];
	_ =	sdelay $0x2  }
0xb9: {  	s31 =	sshll.u32 s1, $0xD;
	s1 =	sshrl.u32 s1, $0x2  }
0xba: {  	s3 =	sand.u32 $0x4000, s31;
	s1 =	sadd.s32 s1, s30  }
0xbb: {  	s0 =	sor.u32 s3, s0;
	s1 =	sshll.u32 s1, $0x11  }
0xbc: {  	s0 =	sor.u32 s1, s0  }
0xbd: {  	s0 =	sadd.s32 $0x8F2B, s0  }
0xbe: {  	[sflag:s0] =	ssyncadd.remote.s32 $0x1  }
0xbf: {  	_ =	sfence.sel $0xFFFF  }
0xc0: {  	[dreg:$0x0] =	wrdreg $0xFFFFFFFF;
	(pc) =	sbr.abs _section_cstart, $3  }
0xc1: {  	[dreg:$0x1] =	wrdreg $0xFFFFFFFF  }
0xc2: {  	_ =	task.clear_ibuf [dreg:s7], $0x2FFFF;
	_ =	strace $0x9FFFFFFF  }
0xc3: {  	(tm) =	ssettm $0x7FFFFFFF  }
tec
execute0_lowered:
.L_overlay_start_1:
0x0: {  	(tag) =	ssettag $0x1  }
0x1: {  	s0 =	rddreg [dreg:$0x0]  }
0x2: {  	s1 =	rddreg [dreg:$0x1]  }
0x3: {  	s2 =	rddreg [dreg:$0x2]  }
0x4: {  	s3 =	srdreg.scid;
	s9 =	stileid.u32;
	s20 =	simm.s32 $0x0  }
0x5: {  	s10 =	simm.s32 $0x11;
	s14 =	simm.s32 $0x80;
	s15 =	simm.s32 $0x5000  }
0x6: {  	s16 =	simm.s32 $0x7000;
	s28 =	simm.s32 $0x1;
	s29 =	simm.s32 $0x13000  }
0x7: {  	s30 =	simm.s32 $0x2;
	s31 =	simm.s32 $0x9;
	s11 =	simm.s32 $0x6  }
0x8: {  	s17 =	simm.s32 $0xD;
	s18 =	simm.s32 $0x8;
	s19 =	simm.s32 $0xF  }
0x9: {  	s5 =	sand.u32 $0x1, s3;
	s6 =	smul.u32 $0x14000, s9;
	[smem:$0x7FF] =	sst s20  }
0xa: {  	s26 =	sshll.u32 s9, $0x6;
	s20 =	simm.s32 $0xB000;
	s4 =	sshll.u32 s5, $0x4  }
0xb: {  	s7 =	smul.u32 $0x140000, s5;
	_ =	strace $0x8000004D;
	s5 =	ssub.s32 $0x2, s5  }
0xc: {  	s12 =	sor.u32 $0x1C11, s26;
	s26 =	simm.s32 $0x11000;
	s4 =	sor.u32 s9, s4  }
0xd: {  	s21 =	sshrl.u32 s5, $0x1;
	s23 =	sshrl.u32 s6, $0x1;
	s8 =	smul.u32 $0x500, s4  }
0xe: {  	s7 =	sadd.s32 s6, s7;
	s4 =	sadd.s32 $0x24A00, s0;
	s6 =	sshrl.u32 s6, $0x4  }
0xf: {  	s5 =	ssub.s32 s5, s21;
	s7 =	sshrl.u32 s7, $0x4;
	s1 =	sadd.s32 s1, s6  }
0x10: {  	s25 =	smax.u32 s5, $0x1;
	s8 =	sadd.s32 s8, s0;
	[dreg:$0x6] =	wrdreg s1  }
.Ltmp0:
0x11: {  	[dreg:$0x8] =	wrdreg s25;
	s22 =	sadd.s32 $0x1AA00, s8;
	(pc) =	sbr.rel .LBB2_1-.Ltmp0, $4  }
0x12: {  	s0 =	sadd.s32 s7, s0;
	s24 =	sadd.s32 $0x1800, s8;
	[dreg:$0x4] =	wrdreg s22  }
0x13: {  	s7 =	sadd.s32 s23, s2;
	s0 =	sadd.s32 $0x38400, s0;
	[dreg:$0x5] =	wrdreg s24  }
0x14: {  	s1 =	simm.s32 $0xB;
	s13 =	sshrl.u32 s7, $0x3;
	[dreg:$0x7] =	wrdreg s0  }
0x15: {  	s24 =	simm.s32 $0xF000;
	s0 =	simm.s32 $0x4;
	s22 =	simm.s32 $0x0  }
.LBB2_4:
0x16: {  	s3 =	simm.s32 $0x10  }
0x17: {  	_ =	swait.ge [sflag:s3], $0x2000  }
0x18: {  	[sflag:s3] =	ssyncset.done $0x0  }
0x19: {  	[sflag:s3] =	ssyncadd.s32 $0xFFFFE000  }
0x1a: {  	[bflag:$0x0] =	sbarrier.arrive $0xFFFF  }
0x1b: {  	s23 =	rddreg [dreg:$0x7]  }
0x1c: {  	[hbm:s23], [sflag:s12] =	dma.local [spmem:s13], $0x1400  }
0x1d: {  	_ =	swait.ge [sflag:s10], $0x1400  }
0x1e: {  	s22 =	sadd.s32 $0x1, s22;
	s25 =	rddreg [dreg:$0x8]  }
0x1f: {  	p0 =	sne.s32 s22, s25  }
.Ltmp1:
0x20: {  	_ = 	snop;
	(pc) =	sbr.rel @!p0 .LBB2_5-.Ltmp1, $3  }
0x21: {  	_ =	sdelay $0x1  }
0x22: {  	[sflag:s10] =	ssyncset.done $0x0  }
0x23: {  	[sflag:s10] =	ssyncadd.s32 $0xFFFFEC00  }
.LBB2_1:
0x24: {  	s3 =	simm.s32 $0x0;
	s5 =	rddreg [dreg:$0x4]  }
0x25: {  	[tilespmem:s3], [sflag:$0x11] =	stream.linear.gather [hbm4b:s5+s3], $0x2800, $0x38;
	[tilespmem:$0x1F000] =	vst v63  }
0x26: {  	_ =	swait.ge [sflag:s10], $0x2800  }
0x27: {  	[sflag:s10] =	ssyncset.done $0x0  }
0x28: {  	s6 =	simm.s32 $0x2800;
	s23 =	rddreg [dreg:$0x5];
	[sflag:s10] =	ssyncadd.s32 $0xFFFFD800  }
0x29: {  	[tilespmem:s6], [sflag:$0x11] =	stream.linear.gather [hbm4b:s23+s3], $0x2800, $0x38;
	[tilespmem:$0x1F000] =	vst v63  }
0x2a: {  	_ =	swait.ge [sflag:s10], $0x2800  }
0x2b: {  	[sflag:s10] =	ssyncset.done $0x0  }
0x2c: {  	s25 =	rddreg [dreg:$0x6];
	[sflag:s10] =	ssyncadd.s32 $0xFFFFD800  }
0x2d: {  	[spmem:s13], [sflag:s12] =	dma.local [hbm:s25], $0x1400  }
0x2e: {  	_ =	swait.ge [sflag:s10], $0x1400  }
0x2f: {  	[sflag:s10] =	ssyncset.done $0x0  }
0x30: {  	[sflag:s10] =	ssyncadd.s32 $0xFFFFEC00  }
0x31: {  	[bflag:$0x0] =	sbarrier.arrive $0xFFFF  }
0x32: {  	[tilespmem:s15], [sflag:$0x1] =	stream.indirect.gather [hbm4b:s4+s14], $0x40, s3, s14, $0xb8;
	[tilespmem:$0x1F000] =	vst v63  }
0x33: {  	_ = 	snop  }
0x34: {  	[tilespmem:s16], [sflag:$0x2] =	stream.indirect.gather [hbm4b:s4+s14], $0x40, s14, s14, $0xb8;
	[tilespmem:$0x1F000] =	vst v63  }
0x35: {  	s7 =	simm.s32 $0x9000;
	s6 =	simm.s32 $0x100  }
0x36: {  	[tilespmem:s7], [sflag:$0x3] =	stream.indirect.gather [hbm4b:s4+s14], $0x40, s6, s14, $0xb8;
	[tilespmem:$0x1F000] =	vst v63  }
0x37: {  	s8 =	simm.s32 $0x180  }
0x38: {  	[tilespmem:s20], [sflag:$0x4] =	stream.indirect.gather [hbm4b:s4+s14], $0x40, s8, s14, $0xb8;
	[tilespmem:$0x1F000] =	vst v63  }
0x39: {  	s9 =	simm.s32 $0x200;
	s21 =	simm.s32 $0xD000  }
0x3a: {  	[tilespmem:s21], [sflag:$0x5] =	stream.indirect.gather [hbm4b:s4+s14], $0x40, s9, s14, $0xb8;
	[tilespmem:$0x1F000] =	vst v63  }
0x3b: {  	s23 =	simm.s32 $0x280  }
0x3c: {  	[tilespmem:s24], [sflag:$0x6] =	stream.indirect.gather [hbm4b:s4+s14], $0x40, s23, s14, $0xb8;
	[tilespmem:$0x1F000] =	vst v63  }
0x3d: {  	s25 =	simm.s32 $0x300;
	s23 =	simm.s32 $0x0  }
0x3e: {  	[tilespmem:s26], [sflag:$0x7] =	stream.indirect.gather [hbm4b:s4+s14], $0x40, s25, s14, $0xb8;
	[tilespmem:$0x1F000] =	vst v63  }
.LBB2_2:
0x3f: {  	_ =	swait.ge [sflag:s28], $0x2000  }
0x40: {  	s25 =	sshra.s32 s23, $0x2;
	[sflag:s28] =	ssyncset.done $0x0  }
0x41: {  	p0 =	seq.s32 s23, $0x0;
	s5 =	sadd.s32 $0x2800, s25;
	[sflag:s28] =	ssyncadd.s32 $0xFFFFE000  }
0x42: {  	[spmem:s2] =	stream.indirect.scatter.add.bf16 [tilespmem:s15], [sflag:$0x9], $0x40, s5, s14, $0xb8;
	[tilespmem:$0x1F000] =	vst v63  }
0x43: {  	s5 =	simm.s32 @!p0 $0x10  }
0x44: {  	_ =	swait.ge @!p0 [sflag:s5], $0x2000  }
0x45: {  	[sflag:s5] =	ssyncset.done @!p0 $0x0  }
0x46: {  	s8 =	sadd.s32 $0x380, s25;
	[sflag:s5] =	ssyncadd.s32 @!p0 $0xFFFFE000  }
0x47: {  	[tilespmem:s29], [sflag:$0x8] =	stream.indirect.gather [hbm4b:s4+s14], $0x40, s8, s14, $0xb8;
	[tilespmem:$0x1F000] =	vst v63  }
0x48: {  	_ =	swait.ge [sflag:s30], $0x2000  }
0x49: {  	[sflag:s30] =	ssyncset.done $0x0  }
0x4a: {  	s9 =	sadd.s32 $0x2880, s25;
	[sflag:s30] =	ssyncadd.s32 $0xFFFFE000  }
0x4b: {  	[spmem:s2] =	stream.indirect.scatter.add.bf16 [tilespmem:s16], [sflag:$0xA], $0x40, s9, s14, $0xb8;
	[tilespmem:$0x1F000] =	vst v63  }
0x4c: {  	_ =	swait.ge [sflag:s31], $0x2000  }
0x4d: {  	p0 =	seq.s32 s23, $0x9000;
	[sflag:s31] =	ssyncset.done $0x0  }
0x4e: {  	s5 =	simm.s32 @p0 $0x3;
	[sflag:s31] =	ssyncadd.s32 $0xFFFFE000  }
0x4f: {  	_ =	swait.ge @p0 [sflag:s5], $0x2000  }
0x50: {  	s7 =	sshra.s32 @p0 s23, $0x2;
	s8 =	simm.s32 @p0 $0x80;
	[sflag:s5] =	ssyncset.done @p0 $0x0  }
0x51: {  	s6 =	simm.s32 @p0 $0x9000;
	[sflag:s5] =	ssyncadd.s32 @p0 $0xFFFFE000;
	s5 =	sadd.s32 @p0 $0x2900, s7  }
0x52: {  	[spmem:s2] =	stream.indirect.scatter.add.bf16 @p0 [tilespmem:s6], [sflag:$0xB], $0x40, s5, s8, $0xb8;
	[tilespmem:$0x1F000] =	vst v63  }
0x53: {  	s5 =	simm.s32 @p0 $0xA  }
0x54: {  	_ =	swait.ge @p0 [sflag:s5], $0x2000  }
0x55: {  	[sflag:s5] =	ssyncset.done @p0 $0x0  }
0x56: {  	[sflag:s5] =	ssyncadd.s32 @p0 $0xFFFFE000;
	s5 =	sshra.s32 @!p0 s23, $0x2  }
0x57: {  	s3 =	simm.s32 @!p0 $0x5000;
	s6 =	simm.s32 @!p0 $0x80;
	s9 =	sadd.s32 @!p0 $0x400, s5  }
0x58: {  	[tilespmem:s3], [sflag:$0x1] =	stream.indirect.gather @!p0 [hbm4b:s4+s6], $0x40, s9, s6, $0xb8;
	[tilespmem:$0x1F000] =	vst v63  }
0x59: {  	s3 =	simm.s32 @!p0 $0x3  }
0x5a: {  	_ =	swait.ge @!p0 [sflag:s3], $0x2000  }
0x5b: {  	[sflag:s3] =	ssyncset.done @!p0 $0x0  }
0x5c: {  	s9 =	simm.s32 @!p0 $0x9000;
	[sflag:s3] =	ssyncadd.s32 @!p0 $0xFFFFE000;
	s3 =	sadd.s32 @!p0 $0x2900, s5  }
0x5d: {  	[spmem:s2] =	stream.indirect.scatter.add.bf16 @!p0 [tilespmem:s9], [sflag:$0xB], $0x40, s3, s6, $0xb8;
	[tilespmem:$0x1F000] =	vst v63  }
0x5e: {  	s3 =	simm.s32 @!p0 $0xA  }
0x5f: {  	_ =	swait.ge @!p0 [sflag:s3], $0x2000  }
0x60: {  	[sflag:s3] =	ssyncset.done @!p0 $0x0  }
0x61: {  	s21 =	simm.s32 @!p0 $0x7000;
	[sflag:s3] =	ssyncadd.s32 @!p0 $0xFFFFE000;
	s3 =	sadd.s32 @!p0 $0x480, s5  }
0x62: {  	[tilespmem:s21], [sflag:$0x2] =	stream.indirect.gather @!p0 [hbm4b:s4+s6], $0x40, s3, s6, $0xb8;
	[tilespmem:$0x1F000] =	vst v63  }
0x63: {  	_ =	swait.ge [sflag:s0], $0x2000  }
0x64: {  	[sflag:s0] =	ssyncset.done $0x0  }
0x65: {  	s21 =	sadd.s32 $0x2980, s25;
	[sflag:s0] =	ssyncadd.s32 $0xFFFFE000  }
0x66: {  	[spmem:s2] =	stream.indirect.scatter.add.bf16 [tilespmem:s20], [sflag:$0xC], $0x40, s21, s14, $0xb8;
	[tilespmem:$0x1F000] =	vst v63  }
0x67: {  	_ =	swait.ge [sflag:s1], $0x2000  }
0x68: {  	[sflag:s1] =	ssyncset.done $0x0  }
0x69: {  	s3 =	simm.s32 @p0 $0x5;
	[sflag:s1] =	ssyncadd.s32 $0xFFFFE000  }
0x6a: {  	_ =	swait.ge @p0 [sflag:s3], $0x2000  }
0x6b: {  	[sflag:s3] =	ssyncset.done @p0 $0x0  }
0x6c: {  	s21 =	simm.s32 @p0 $0xD000;
	[sflag:s3] =	ssyncadd.s32 @p0 $0xFFFFE000;
	s3 =	sadd.s32 @p0 $0x2A00, s7  }
0x6d: {  	[spmem:s2] =	stream.indirect.scatter.add.bf16 @p0 [tilespmem:s21], [sflag:$0xD], $0x40, s3, s8, $0xb8;
	[tilespmem:$0x1F000] =	vst v63  }
0x6e: {  	s3 =	simm.s32 @p0 $0xC  }
0x6f: {  	_ =	swait.ge @p0 [sflag:s3], $0x2000  }
0x70: {  	[sflag:s3] =	ssyncset.done @p0 $0x0  }
0x71: {  	[sflag:s3] =	ssyncadd.s32 @p0 $0xFFFFE000;
	s3 =	sadd.s32 @!p0 $0x500, s5  }
0x72: {  	[tilespmem:s9], [sflag:$0x3] =	stream.indirect.gather @!p0 [hbm4b:s4+s6], $0x40, s3, s6, $0xb8;
	[tilespmem:$0x1F000] =	vst v63  }
0x73: {  	s3 =	simm.s32 @!p0 $0x5  }
0x74: {  	_ =	swait.ge @!p0 [sflag:s3], $0x2000  }
0x75: {  	[sflag:s3] =	ssyncset.done @!p0 $0x0  }
0x76: {  	s9 =	simm.s32 @!p0 $0xD000;
	[sflag:s3] =	ssyncadd.s32 @!p0 $0xFFFFE000;
	s3 =	sadd.s32 @!p0 $0x2A00, s5  }
0x77: {  	[spmem:s2] =	stream.indirect.scatter.add.bf16 @!p0 [tilespmem:s9], [sflag:$0xD], $0x40, s3, s6, $0xb8;
	[tilespmem:$0x1F000] =	vst v63  }
0x78: {  	s3 =	simm.s32 @!p0 $0xC  }
0x79: {  	_ =	swait.ge @!p0 [sflag:s3], $0x2000  }
0x7a: {  	[sflag:s3] =	ssyncset.done @!p0 $0x0  }
0x7b: {  	s21 =	simm.s32 @!p0 $0xB000;
	[sflag:s3] =	ssyncadd.s32 @!p0 $0xFFFFE000;
	s3 =	sadd.s32 @!p0 $0x580, s5  }
0x7c: {  	[tilespmem:s21], [sflag:$0x4] =	stream.indirect.gather @!p0 [hbm4b:s4+s6], $0x40, s3, s6, $0xb8;
	[tilespmem:$0x1F000] =	vst v63  }
0x7d: {  	_ =	swait.ge [sflag:s11], $0x2000  }
0x7e: {  	[sflag:s11] =	ssyncset.done $0x0  }
0x7f: {  	s21 =	sadd.s32 $0x2A80, s25;
	[sflag:s11] =	ssyncadd.s32 $0xFFFFE000  }
0x80: {  	[spmem:s2] =	stream.indirect.scatter.add.bf16 [tilespmem:s24], [sflag:$0xE], $0x40, s21, s14, $0xb8;
	[tilespmem:$0x1F000] =	vst v63  }
0x81: {  	_ =	swait.ge [sflag:s17], $0x2000  }
0x82: {  	[sflag:s17] =	ssyncset.done $0x0  }
0x83: {  	s3 =	simm.s32 @p0 $0x7;
	[sflag:s17] =	ssyncadd.s32 $0xFFFFE000  }
0x84: {  	_ =	swait.ge @p0 [sflag:s3], $0x2000  }
0x85: {  	[sflag:s3] =	ssyncset.done @p0 $0x0  }
0x86: {  	[sflag:s3] =	ssyncadd.s32 @p0 $0xFFFFE000;
	s3 =	sadd.s32 @p0 $0x2B00, s7;
	s7 =	simm.s32 @p0 $0x11000  }
0x87: {  	[spmem:s2] =	stream.indirect.scatter.add.bf16 @p0 [tilespmem:s7], [sflag:$0xF], $0x40, s3, s8, $0xb8;
	[tilespmem:$0x1F000] =	vst v63  }
0x88: {  	s3 =	simm.s32 @p0 $0xE  }
0x89: {  	_ =	swait.ge @p0 [sflag:s3], $0x2000  }
0x8a: {  	[sflag:s3] =	ssyncset.done @p0 $0x0  }
0x8b: {  	[sflag:s3] =	ssyncadd.s32 @p0 $0xFFFFE000;
	s3 =	sadd.s32 @!p0 $0x600, s5  }
0x8c: {  	[tilespmem:s9], [sflag:$0x5] =	stream.indirect.gather @!p0 [hbm4b:s4+s6], $0x40, s3, s6, $0xb8;
	[tilespmem:$0x1F000] =	vst v63  }
0x8d: {  	s3 =	simm.s32 @!p0 $0x7  }
0x8e: {  	_ =	swait.ge @!p0 [sflag:s3], $0x2000  }
0x8f: {  	[sflag:s3] =	ssyncset.done @!p0 $0x0  }
0x90: {  	s7 =	simm.s32 @!p0 $0x11000;
	[sflag:s3] =	ssyncadd.s32 @!p0 $0xFFFFE000;
	s3 =	sadd.s32 @!p0 $0x2B00, s5  }
0x91: {  	[spmem:s2] =	stream.indirect.scatter.add.bf16 @!p0 [tilespmem:s7], [sflag:$0xF], $0x40, s3, s6, $0xb8;
	[tilespmem:$0x1F000] =	vst v63  }
0x92: {  	s3 =	simm.s32 @!p0 $0xE  }
0x93: {  	_ =	swait.ge @!p0 [sflag:s3], $0x2000  }
0x94: {  	[sflag:s3] =	ssyncset.done @!p0 $0x0  }
0x95: {  	[sflag:s3] =	ssyncadd.s32 @!p0 $0xFFFFE000;
	s3 =	sadd.s32 @!p0 $0x680, s5;
	s5 =	simm.s32 @!p0 $0xF000  }
0x96: {  	[tilespmem:s5], [sflag:$0x6] =	stream.indirect.gather @!p0 [hbm4b:s4+s6], $0x40, s3, s6, $0xb8;
	[tilespmem:$0x1F000] =	vst v63  }
0x97: {  	_ =	swait.ge [sflag:s18], $0x2000  }
0x98: {  	[sflag:s18] =	ssyncset.done $0x0  }
.Ltmp2:
0x99: {  	s21 =	sadd.s32 $0x2B80, s25;
	[sflag:s18] =	ssyncadd.s32 $0xFFFFE000;
	(pc) =	sbr.rel @p0 .LBB2_4-.Ltmp2, $4  }
0x9a: {  	[spmem:s2] =	stream.indirect.scatter.add.bf16 [tilespmem:s29], [sflag:$0x10], $0x40, s21, s14, $0xb8;
	[tilespmem:$0x1F000] =	vst v63  }
0x9b: {  	_ =	swait.ge [sflag:s19], $0x2000  }
0x9c: {  	[sflag:s19] =	ssyncset.done $0x0  }
0x9d: {  	[sflag:s19] =	ssyncadd.s32 $0xFFFFE000  }
.Ltmp3:
0x9e: {  	(pc) =	sbr.rel .LBB2_2-.Ltmp3, $3  }
0x9f: {  	_ =	sdelay $0x1  }
0xa0: {  	s3 =	sadd.s32 $0x700, s25;
	s23 =	sadd.s32 $0x1000, s23  }
0xa1: {  	[tilespmem:s26], [sflag:$0x7] =	stream.indirect.gather [hbm4b:s4+s14], $0x40, s3, s14, $0xb8;
	[tilespmem:$0x1F000] =	vst v63  }
.LBB2_5:
0xa2: {  	_ =	sfence.sel $0x180000  }
0xa3: {  	[bflag:$0x0] =	sbarrier.arrive $0xFFFF  }
0xa4: {  	_ =	strace $0x9000004D  }
0xa5: {  	s0 =	stileid.u32;
	[bflag:$0x2] =	sbarrier.arrive $0xFFFF  }
0xa6: {  	p0 =	sne.s32 s0, $0x0;
	s0 =	rddreg [dreg:$0x3]  }
0xa7: {  	s0 =	sadd.s32 @!p0 $0x100000, s0  }
0xa8: {  	[sflag:s0] =	ssyncadd.tile.s32 @!p0 $0x1;
	_ =	shalt  }
.Lfunc_end2:
_tile_overlayer_lowered:
.L_overlay_start_2:
0xa9: {  	(tag) =	ssettag $0x2  }
0xaa: {  	s0 =	rddreg [dreg:$0x0];
	s2 =	stileid.u32  }
0xab: {  	s1 =	rddreg [dreg:$0x1];
	p0 =	sne.s32 s2, $0x0  }
0xac: {  	s3 =	rddreg [dreg:$0x2];
	[bflag:$0x3] =	sbarrier.arrive $0xFFFF;
	s2 =	simm.s32 @!p0 $0x1C11  }
0xad: {  	[timem:s3], [sflag:s2] =	dma.local @!p0 [hbm:s0], s1  }
0xae: {  	s0 =	simm.s32 @!p0 $0x11  }
0xaf: {  	_ =	swait.ge @!p0 [sflag:s0], s1  }
0xb0: {  	s1 =	ssub.s32 @!p0 $0x0, s1;
	[sflag:s0] =	ssyncset.done @!p0 $0x0  }
0xb1: {  	[sflag:s0] =	ssyncadd.s32 @!p0 s1  }
0xb2: {  	[bflag:$0x3] =	sbarrier.arrive $0xFFFF  }
0xb3: {  	_ =	shalt  }

// kernel: kernel.8.cloned.1.call-start
scs
__scs_entry_jumppad:
0x0: {  	(pc) =	sbr.rel $0x88, $3  }
0x1: {  	(tag) =	ssettag $0x0;
	lr =	simm.s32 $0x1  }
0x2: {  	[smem:$0x3F9B] =	sst lr;
	_ =	strace $0xD0000000  }
0x3: {  	_ = 	snop  }
0x4: {  	_ = 	snop  }
0x5: {  	_ = 	snop  }
0x6: {  	_ = 	snop  }
0x7: {  	_ = 	snop  }
__scs_overlays_trampoline_lowered:
0x8: {  	[smem:$0x3FAA] =	sst s0  }
0x9: {  	[smem:$0x3FAB] =	sst s1  }
0xa: {  	[smem:$0x3FAC] =	sst s2  }
0xb: {  	[smem:$0x3FAD] =	sst s3  }
0xc: {  	[smem:$0x3FAE] =	sst s4  }
0xd: {  	[smem:$0x3FAF] =	sst s5  }
0xe: {  	[smem:$0x3FB0] =	sst s6  }
0xf: {  	[smem:$0x3FB1] =	sst s7  }
0x10: {  	[smem:$0x3FB2] =	sst s8  }
0x11: {  	[smem:$0x3FB3] =	sst s9;
	s0 =	simm.s32 @!p0 $0x0  }
0x12: {  	s1 =	sld [smem:$0x3F99];
	s0 =	simm.s32 @p0 $0x1  }
0x13: {  	[smem:$0x3FB4] =	sst s0;
	s0 =	simm.s32 @!p1 $0x0  }
0x14: {  	s2 =	sld [smem:$0x3F98];
	s0 =	simm.s32 @p1 $0x1  }
0x15: {  	[smem:$0x3FB5] =	sst s0;
	s0 =	simm.s32 @!p2 $0x0  }
0x16: {  	s3 =	sld [smem:$0x3FDB];
	s0 =	simm.s32 @p2 $0x1  }
0x17: {  	s4 =	simm.s32 $0x1BF5;
	[smem:$0x3FB7] =	sst s0  }
0x18: {  	s0 =	sld [smem:$0x3F9A];
	_ =	swait.ge [sflag:s4], $0x0  }
0x19: {  	s7 =	sld [smem:$0x3F9B]  }
0x1a: {  	s8 =	sadd.s32 $0xFFFFE003, lr  }
0x1b: {  	s9 =	sadd.s32 $0xFFFFFEF7, lr;
	s5 =	simm.s32 $0xFFFFFFFF;
	p2 =	slt.u32 s8, $0xFFFFF086  }
0x1c: {  	p1 =	slt.u32 s9, $0xF7A;
	s5 =	simm.s32 @!p2 $0x0  }
0x1d: {  	s5 =	simm.s32 @p1 $0x1;
	p0 =	seq.s32 s7, s2  }
0x1e: {  	s7 =	smul.u32 @!p0 $0xF7A, s2;
	p2 =	seq.s32 @!p0 s5, $0x0  }
0x1f: {  	s9 =	smul.u32 $0xF7A, s1;
	s8 =	simm.s32 @!p0 $0x1BF5;
	p2 =	por !p2, p0  }
0x20: {  	[sflag:s8] =	ssyncset.s32 @!p0 $0xFFFFF086;
	s6 =	sadd.s32 @!p0 s3, s7;
	s7 =	simm.s32 @!p0 $0x108  }
0x21: {  	s3 =	sadd.s32 s3, s9;
	s6 =	sadd.s32 @!p0 $0x88, s6;
	s7 =	simm.s32 @p2 $0x1082  }
0x22: {  	[simem:s7], [sflag:s8] =	dma.local @!p0 [hbm:s6], $0xF7A  }
0x23: {  	s9 =	sor.u32 $0xD0000000, s2;
	s6 =	simm.s32 $0x108;
	_ =	swait.ge @!p0 [sflag:s8], $0x0  }
0x24: {  	s3 =	sadd.s32 $0x88, s3;
	s6 =	simm.s32 @!p1 $0x1082;
	[sflag:s4] =	ssyncset.s32 $0xFFFFF086  }
0x25: {  	[simem:s6], [sflag:s4] =	dma.local [hbm:s3], $0xF7A  }
0x26: {  	[smem:$0x3F9B] =	sst s1;
	(tag) =	ssettag s2;
	_ =	strace s9  }
0x27: {  	s1 =	sld [smem:$0x3FAB]  }
0x28: {  	s2 =	sld [smem:$0x3FAC]  }
0x29: {  	s4 =	sld [smem:$0x3FAE]  }
0x2a: {  	p0 =	seq.s32 s5, $0x0;
	s5 =	sld [smem:$0x3FAF]  }
0x2b: {  	s6 =	sld [smem:$0x3FB0]  }
0x2c: {  	s7 =	sld [smem:$0x3FB1]  }
0x2d: {  	s3 =	simm.s32 $0x108;
	s8 =	sld [smem:$0x3FB2]  }
0x2e: {  	s3 =	simm.s32 @!p0 $0x1082;
	s9 =	sld [smem:$0x3FB3]  }
0x2f: {  	lr =	sadd.s32 s0, s3;
	s0 =	sld [smem:$0x3FAA]  }
0x30: {  	s3 =	sld [smem:$0x3FAD]  }
0x31: {  	[smem:$0x3FB6] =	sst s10  }
0x32: {  	s10 =	sld [smem:$0x3FB4];
	_ =	sdelay $0x3  }
0x33: {  	p0 =	seq.s32 s10, $0x1;
	s10 =	sld [smem:$0x3FB6];
	_ =	sdelay $0x3  }
0x34: {  	[smem:$0x3FB6] =	sst s10  }
0x35: {  	s10 =	sld [smem:$0x3FB5];
	_ =	sdelay $0x3  }
0x36: {  	p1 =	seq.s32 s10, $0x1;
	s10 =	sld [smem:$0x3FB6];
	_ =	sdelay $0x3  }
0x37: {  	[smem:$0x3FB6] =	sst s10  }
0x38: {  	s10 =	sld [smem:$0x3FB7]  }
0x39: {  	_ = 	snop;
	(pc) =	sbr.ind lr, $3  }
0x3a: {  	_ = 	snop  }
0x3b: {  	_ = 	snop  }
0x3c: {  	p2 =	seq.s32 s10, $0x1;
	s10 =	sld [smem:$0x3FB6]  }
0x3d: {  	_ =	shalt  }
0x3e: {  	_ =	shalt  }
0x3f: {  	_ =	shalt  }
0x40: {  	_ =	shalt  }
0x41: {  	_ =	shalt  }
0x42: {  	_ =	shalt  }
0x43: {  	_ =	shalt  }
0x44: {  	_ =	shalt  }
0x45: {  	_ =	shalt  }
0x46: {  	_ =	shalt  }
0x47: {  	_ =	shalt  }
0x48: {  	_ =	shalt  }
0x49: {  	_ =	shalt  }
0x4a: {  	_ =	shalt  }
0x4b: {  	_ =	shalt  }
0x4c: {  	_ =	shalt  }
0x4d: {  	_ =	shalt  }
0x4e: {  	_ =	shalt  }
0x4f: {  	_ =	shalt  }
0x50: {  	_ =	shalt  }
0x51: {  	_ =	shalt  }
0x52: {  	_ =	shalt  }
0x53: {  	_ =	shalt  }
0x54: {  	_ =	shalt  }
0x55: {  	_ =	shalt  }
0x56: {  	_ =	shalt  }
0x57: {  	_ =	shalt  }
0x58: {  	_ =	shalt  }
0x59: {  	_ =	shalt  }
0x5a: {  	_ =	shalt  }
0x5b: {  	_ =	shalt  }
0x5c: {  	_ =	shalt  }
0x5d: {  	_ =	shalt  }
0x5e: {  	_ =	shalt  }
0x5f: {  	_ =	shalt  }
0x60: {  	_ =	shalt  }
0x61: {  	_ =	shalt  }
0x62: {  	_ =	shalt  }
0x63: {  	_ =	shalt  }
0x64: {  	_ =	shalt  }
0x65: {  	_ =	shalt  }
0x66: {  	_ =	shalt  }
0x67: {  	_ =	shalt  }
0x68: {  	_ =	shalt  }
0x69: {  	_ =	shalt  }
0x6a: {  	_ =	shalt  }
0x6b: {  	_ =	shalt  }
0x6c: {  	_ =	shalt  }
0x6d: {  	_ =	shalt  }
0x6e: {  	_ =	shalt  }
0x6f: {  	_ =	shalt  }
0x70: {  	_ =	shalt  }
0x71: {  	_ =	shalt  }
0x72: {  	_ =	shalt  }
0x73: {  	_ =	shalt  }
0x74: {  	_ =	shalt  }
0x75: {  	_ =	shalt  }
0x76: {  	_ =	shalt  }
0x77: {  	_ =	shalt  }
0x78: {  	_ =	shalt  }
0x79: {  	_ =	shalt  }
0x7a: {  	_ =	shalt  }
0x7b: {  	_ =	shalt  }
0x7c: {  	_ =	shalt  }
0x7d: {  	_ =	shalt  }
0x7e: {  	_ =	shalt  }
0x7f: {  	_ =	shalt  }
0x80: {  	_ =	shalt  }
0x81: {  	_ =	shalt  }
0x82: {  	_ =	shalt  }
0x83: {  	_ =	shalt  }
0x84: {  	_ =	shalt  }
0x85: {  	_ =	shalt  }
0x86: {  	_ =	shalt  }
0x87: {  	_ =	shalt  }
.Lfunc_end0:
.L_simem_size_0:
called_computation_lowered:
.L_overlay_start_0:
0x88: {  	s2 =	sld [smem:$0x3FD9]  }
0x89: {  	s3 =	sld [smem:$0x3FFE];
	_ =	sdelay $0x1  }
0x8a: {  	s1 =	srdreg.scid  }
0x8b: {  	s0 =	sand.u32 $0x1, s1  }
0x8c: {  	s16 =	sshll.u32 s0, $0xA;
	s2 =	sadd.s32 s3, s2  }
0x8d: {  	s2 =	sadd.s32 s2, s16  }
0x8e: {  	[smem:$0x3FC2] =	sst s2  }
0x8f: {  	_ = 	snop  }
0x90: {  	(tm) =	ssettm $0x1  }
0x91: {  	s17 =	sld [smem:$0x3FFB];
	_ =	sdelay $0x3  }
0x92: {  	_ =	strace s17  }
0x93: {  	s2 =	sld [smem:$0x3FFC];
	_ =	sdelay $0x3  }
0x94: {  	_ =	strace s2  }
0x95: {  	s2 =	sld [smem:$0x3FFD];
	_ =	sdelay $0x3  }
0x96: {  	_ =	strace s2  }
0x97: {  	_ =	strace $0x8FFFFFFF  }
0x98: {  	s18 =	sld [smem:$0x3FDB];
	_ =	sdelay $0x1  }
0x99: {  	s19 =	simm.s32 $_scs_section_size  }
0x9a: {  	s4 =	simm.s32 $_size__tile_overlayer_lowered;
	s5 =	simm.s32 $_tile_overlayer_lowered  }
0x9b: {  	s22 =	simm.s32 $0x1BFF;
	s21 =	sshll.u32 s5, $0x1;
	s2 =	sadd.s32 s19, s18  }
0x9c: {  	s6 =	simm.s32 $0x0;
	s20 =	sshll.u32 s4, $0x1;
	s4 =	sadd.s32 s21, s2  }
0x9d: {  	[timem:s6], [sflag:s22] =	dma.local [hbm:s4], s20  }
0x9e: {  	_ =	swait.ge [sflag:s22], s20  }
0x9f: {  	s3 =	ssub.s32 $0x0, s20;
	[sflag:s22] =	ssyncset.done $0x0  }
0xa0: {  	[sflag:s22] =	ssyncadd.s32 s3;
	_ =	sdelay $0x1  }
0xa1: {  	s23 =	simm.s32 $0x1B8B  }
0xa2: {  	_ =	swait.ge [sflag:s23], $0x1  }
0xa3: {  	[sflag:s23] =	ssyncset.done $0x0  }
0xa4: {  	s25 =	simm.s32 $0x1B8E;
	s24 =	sld [smem:$0x3FFE];
	[sflag:s23] =	ssyncadd.s32 $0xFFFFFFFF  }
0xa5: {  	s26 =	simm.s32 $execute0_lowered;
	[smem:$0x3FD2] =	sst s25  }
0xa6: {  	s4 =	sshll.u32 s26, $0x1;
	_ =	strace $0x80000046;
	[dreg:$0x1] =	wrdreg $0xFFFFFFFF  }
0xa7: {  	s28 =	simm.s32 $_size_execute0_lowered;
	s2 =	sadd.s32 s2, s4;
	[dreg:$0x0] =	wrdreg $0x0  }
0xa8: {  	s4 =	sshll.u32 s28, $0x1;
	[dreg:$0x2] =	wrdreg s2  }
0xa9: {  	[dreg:$0x3] =	wrdreg s4  }
0xaa: {  	[dreg:$0x4] =	wrdreg $0xC0  }
0xab: {  	_ =	task [dreg:s6], $0x5FFFF  }
0xac: {  	[dreg:$0x1] =	wrdreg $0xFFFFFFFF  }
0xad: {  	[dreg:$0x0] =	wrdreg $0x60  }
0xae: {  	[dreg:$0x2] =	wrdreg s24  }
0xaf: {  	[dreg:$0x3] =	wrdreg $0x30000  }
0xb0: {  	[dreg:$0x4] =	wrdreg $0x9  }
0xb1: {  	_ =	task.clear_ibuf [dreg:s6], $0x5FFFF;
	_ =	strace $0x90000046  }
0xb2: {  	s29 =	simm.s32 $0x9;
	_ =	strace $0x80000048  }
0xb3: {  	_ =	swait.ge [sflag:s29], $0x1  }
0xb4: {  	[sflag:s29] =	ssyncadd.s32 $0xFFFFFFFF  }
0xb5: {  	_ =	strace $0x90000048  }
0xb6: {  	_ =	sfence  }
0xb7: {  	s30 =	sld [smem:$0x0];
	_ =	sdelay $0x2  }
0xb8: {  	s31 =	sshll.u32 s1, $0xD;
	s1 =	sshrl.u32 s1, $0x2  }
0xb9: {  	s3 =	sand.u32 $0x4000, s31;
	s1 =	sadd.s32 s1, s30  }
0xba: {  	s0 =	sor.u32 s3, s0;
	s1 =	sshll.u32 s1, $0x11  }
0xbb: {  	s0 =	sor.u32 s1, s0  }
0xbc: {  	s0 =	sadd.s32 $0x8F2B, s0  }
0xbd: {  	[sflag:s0] =	ssyncadd.remote.s32 $0x1  }
0xbe: {  	_ =	sfence.sel $0xFFFF  }
0xbf: {  	[dreg:$0x0] =	wrdreg $0xFFFFFFFF;
	(pc) =	sbr.abs _section_cstart, $3  }
0xc0: {  	[dreg:$0x1] =	wrdreg $0xFFFFFFFF  }
0xc1: {  	_ =	task.clear_ibuf [dreg:s6], $0x2FFFF;
	_ =	strace $0x9FFFFFFF  }
0xc2: {  	(tm) =	ssettm $0x7FFFFFFF  }
0xc3: {  	_ =	shalt  }
tec
execute0_lowered:
.L_overlay_start_1:
0x0: {  	(tag) =	ssettag $0x1  }
0x1: {  	s6 =	rddreg [dreg:$0x0]  }
0x2: {  	s0 =	srdreg.scid;
	s2 =	rddreg [dreg:$0x1]  }
0x3: {  	s3 =	simm.s32 $0x0;
	s5 =	sand.u32 $0x1, s0;
	s0 =	stileid.u32  }
0x4: {  	s13 =	simm.s32 $0x80;
	s14 =	simm.s32 $0x0;
	s7 =	smul.u32 $0x2800, s0  }
0x5: {  	[smem:$0x7FF] =	sst s3;
	s1 =	sshll.u32 s5, $0x4;
	s8 =	smul.u32 $0x28000, s5  }
0x6: {  	s5 =	ssub.s32 $0x2, s5;
	s31 =	sshll.u32 s0, $0x6;
	s1 =	sor.u32 s0, s1  }
0x7: {  	s11 =	sshrl.u32 s5, $0x1;
	s4 =	smul.u32 $0x500, s1;
	s1 =	rddreg [dreg:$0x2]  }
0x8: {  	_ =	strace $0x80000047;
	s8 =	sadd.s32 s7, s8;
	s10 =	sshrl.u32 s7, $0x3  }
0x9: {  	s11 =	ssub.s32 s5, s11;
	s12 =	sadd.s32 s7, s2;
	s8 =	sshrl.u32 s8, $0x3  }
0xa: {  	s10 =	sadd.s32 s10, s6;
	s12 =	sshrl.u32 s12, $0x3;
	s9 =	sadd.s32 s4, s6  }
0xb: {  	s4 =	sadd.s32 $0x10800, s6;
	s8 =	sadd.s32 s8, s6;
	s6 =	sadd.s32 $0xB800, s10  }
0xc: {  	s10 =	simm.s32 $0x2800;
	s5 =	sadd.s32 $0x1800, s9;
	s7 =	sadd.s32 $0x10A00, s8  }
0xd: {  	s8 =	smax.u32 s11, $0x1;
	s9 =	simm.s32 $0x1;
	s11 =	sor.u32 $0x1C01, s31  }
.LBB2_1:
0xe: {  	[tilespmem:s3], [sflag:$0x1] =	stream.linear.gather [hbm4b:s5+s3], $0x2800, $0x38;
	[tilespmem:$0x5800] =	vst v63  }
0xf: {  	_ =	swait.ge [sflag:s9], $0x2800  }
0x10: {  	[sflag:s9] =	ssyncset.done $0x0  }
0x11: {  	[sflag:s9] =	ssyncadd.s32 $0xFFFFD800  }
0x12: {  	[tilespmem:s10], [sflag:$0x1] =	stream.linear.gather [hbm4b:s4+s3], $0x800, $0x38;
	[tilespmem:$0x5800] =	vst v63  }
0x13: {  	_ =	swait.ge [sflag:s9], $0x800  }
0x14: {  	[sflag:s9] =	ssyncset.done $0x0  }
0x15: {  	[sflag:s9] =	ssyncadd.s32 $0xFFFFF800  }
0x16: {  	[spmem:s12], [sflag:s11] =	dma.local [hbm:s6], $0x500  }
0x17: {  	_ =	swait.ge [sflag:s9], $0x500  }
0x18: {  	[sflag:s9] =	ssyncset.done $0x0  }
0x19: {  	[sflag:s9] =	ssyncadd.s32 $0xFFFFFB00  }
0x1a: {  	s15 =	simm.s32 $0x0;
	[bflag:$0x0] =	sbarrier.arrive $0xFFFF  }
0x1b: {  	[spmem:s2] =	stream.indirect.scatter.add.f32 [tilespmem:s10], [sflag:$0x1], $0x10, s15, s13, $0xb8;
	[tilespmem:$0x5800] =	vst v63  }
0x1c: {  	_ =	swait.ge [sflag:s9], $0x800  }
0x1d: {  	s15 =	simm.s32 $0x200;
	[sflag:s9] =	ssyncset.done $0x0  }
.LBB2_2:
0x1e: {  	s16 =	sshra.s32 s15, $0x2;
	[sflag:s9] =	ssyncadd.s32 $0xFFFFF800;
	p0 =	sne.s32 s15, $0x9E00  }
0x1f: {  	[spmem:s2] =	stream.indirect.scatter.add.f32 [tilespmem:s10], [sflag:$0x1], $0x10, s16, s13, $0xb8;
	[tilespmem:$0x5800] =	vst v63  }
.Ltmp0:
0x20: {  	_ = 	snop;
	(pc) =	sbr.rel @p0 .LBB2_2-.Ltmp0, $4  }
0x21: {  	_ = 	snop  }
0x22: {  	s15 =	sadd.s32 $0x200, s15  }
0x23: {  	_ =	swait.ge [sflag:s9], $0x800  }
0x24: {  	[sflag:s9] =	ssyncset.done $0x0  }
0x25: {  	s14 =	sadd.s32 $0x1, s14  }
0x26: {  	[sflag:s9] =	ssyncadd.s32 $0xFFFFF800;
	p0 =	sne.s32 s14, s8  }
.Ltmp1:
0x27: {  	[bflag:$0x0] =	sbarrier.arrive $0xFFFF;
	(pc) =	sbr.rel @p0 .LBB2_1-.Ltmp1, $4  }
0x28: {  	[hbm:s7], [sflag:s11] =	dma.local [spmem:s12], $0x500  }
0x29: {  	_ =	swait.ge [sflag:s9], $0x500  }
0x2a: {  	[sflag:s9] =	ssyncset.done $0x0  }
0x2b: {  	[sflag:s9] =	ssyncadd.s32 $0xFFFFFB00  }
0x2c: {  	_ =	sfence.sel $0x180000  }
0x2d: {  	[bflag:$0x0] =	sbarrier.arrive $0xFFFF  }
0x2e: {  	p0 =	sne.s32 s0, $0x0;
	_ =	strace $0x90000047  }
0x2f: {  	s0 =	sadd.s32 @!p0 $0x100000, s1;
	[bflag:$0x2] =	sbarrier.arrive $0xFFFF  }
0x30: {  	[sflag:s0] =	ssyncadd.tile.s32 @!p0 $0x1;
	_ =	shalt  }
.Lfunc_end2:
_tile_overlayer_lowered:
.L_overlay_start_2:
0x31: {  	(tag) =	ssettag $0x2  }
0x32: {  	s0 =	rddreg [dreg:$0x0];
	s2 =	stileid.u32  }
0x33: {  	s1 =	rddreg [dreg:$0x1];
	p0 =	sne.s32 s2, $0x0  }
0x34: {  	s3 =	rddreg [dreg:$0x2];
	[bflag:$0x3] =	sbarrier.arrive $0xFFFF;
	s2 =	simm.s32 @!p0 $0x1C01  }
0x35: {  	[timem:s3], [sflag:s2] =	dma.local @!p0 [hbm:s0], s1  }
0x36: {  	s0 =	simm.s32 @!p0 $0x1  }
0x37: {  	_ =	swait.ge @!p0 [sflag:s0], s1  }
0x38: {  	s1 =	ssub.s32 @!p0 $0x0, s1;
	[sflag:s0] =	ssyncset.done @!p0 $0x0  }
0x39: {  	[sflag:s0] =	ssyncadd.s32 @!p0 s1  }
0x3a: {  	[bflag:$0x3] =	sbarrier.arrive $0xFFFF  }
0x3b: {  	_ =	shalt  }

</sc_bundles>
